<compile_context>
chip_gen: v7x
topology: tpu7x:2x2x1
jax: 0.10.2.dev20260603
libtpu: 0.0.44.dev20260713+nightly
codegen_flags: <defaults>
</compile_context>

<pallas_src>
import functools

import jax
import jax.numpy as jnp
from jax import lax
from jax.experimental import pallas as pl
from jax.experimental.pallas import tpu as pltpu
from jax.experimental.pallas import tpu_sc as plsc

N = 10000
E = 320000
NODE_IN = 128
EDGE_IN = 16
H = 200
HD = H // 2
HDW = 128
LAYERS = 3
TSTEPS = 2

NC = 2
NS = 16
NW = NC * NS
C = 128
NCH = 79
EW = NCH * C
E_PAD = NW * EW
NPAD = 10112
RZ = NPAD // NS

_mesh = plsc.VectorSubcoreMesh(core_axis_name="c", subcore_axis_name="s",
                               num_cores=NC, num_subcores=NS)
_f32 = jnp.float32
_sc_params = pltpu.CompilerParams(use_tc_tiling_on_sc=False)



def _edge_prep_body(dst_hbm, ea_hbm, ones_hbm, zeros_hbm, ea_out, cnt_out,
                    acc_ea, acc_cnt, dst_v, rows_v, ones_v):
    c = lax.axis_index("c")
    s = lax.axis_index("s")
    w = c * NS + s
    zr0 = s * RZ
    pltpu.sync_copy(zeros_hbm.at[pl.ds(zr0, RZ)], acc_ea.at[pl.ds(zr0, RZ)])
    pltpu.sync_copy(zeros_hbm.at[pl.ds(zr0, RZ)], acc_cnt.at[pl.ds(zr0, RZ)])
    pltpu.sync_copy(ones_hbm, ones_v)
    plsc.subcore_barrier()

    def body(k, carry):
        off = w * EW + k * C
        pltpu.sync_copy(dst_hbm.at[pl.ds(off, C)], dst_v)
        pltpu.sync_copy(ea_hbm.at[pl.ds(off, C)], rows_v)
        pltpu.sync_copy(rows_v, acc_ea.at[dst_v], add=True)
        pltpu.sync_copy(ones_v, acc_cnt.at[dst_v], add=True)
        return carry

    lax.fori_loop(0, NCH, body, 0)
    plsc.subcore_barrier()
    pltpu.sync_copy(acc_ea.at[pl.ds(zr0, RZ)],
                    ea_out.at[pl.ds(c * NPAD + zr0, RZ)])
    pltpu.sync_copy(acc_cnt.at[pl.ds(zr0, RZ)],
                    cnt_out.at[pl.ds(c * NPAD + zr0, RZ)])


def _make_edge_prep(interpret=False):
    return pl.kernel(
        _edge_prep_body,
        out_type=[
            jax.ShapeDtypeStruct((2 * NPAD, EDGE_IN), _f32),
            jax.ShapeDtypeStruct((2 * NPAD, EDGE_IN), _f32),
        ],
        mesh=_mesh,
        scratch_types=[
            pltpu.VMEM_SHARED((NPAD, EDGE_IN), _f32),
            pltpu.VMEM_SHARED((NPAD, EDGE_IN), _f32),
            pltpu.VMEM((C,), jnp.int32),
            pltpu.VMEM((C, EDGE_IN), _f32),
            pltpu.VMEM((C, EDGE_IN), _f32),
        ],
        compiler_params=_sc_params,
        interpret=interpret,
    )


_edge_prep = _make_edge_prep()


def _hsum_body(src_hbm, dst_hbm, ha_hbm, hb_hbm, zeros_hbm, out_a, out_b,
               acc, src_v, dst_v, rows_v, sem):
    c = lax.axis_index("c")
    s = lax.axis_index("s")
    w = c * NS + s
    zr0 = s * RZ
    for h_hbm, out in ((ha_hbm, out_a), (hb_hbm, out_b)):
        pltpu.sync_copy(zeros_hbm.at[pl.ds(zr0, RZ)], acc.at[pl.ds(zr0, RZ)])
        plsc.subcore_barrier()

        def body(k, carry):
            off = w * EW + k * C
            pltpu.sync_copy(src_hbm.at[pl.ds(off, C)], src_v)
            pltpu.sync_copy(dst_hbm.at[pl.ds(off, C)], dst_v)
            pltpu.async_copy(h_hbm.at[src_v], rows_v, sem).wait()
            pltpu.sync_copy(rows_v, acc.at[dst_v], add=True)
            return carry

        lax.fori_loop(0, NCH, body, 0)
        plsc.subcore_barrier()
        pltpu.sync_copy(acc.at[pl.ds(zr0, RZ)],
                        out.at[pl.ds(c * NPAD + zr0, RZ)])
        plsc.subcore_barrier()


def _make_hsum(interpret=False):
    return pl.kernel(
        _hsum_body,
        out_type=[
            jax.ShapeDtypeStruct((2 * NPAD, HDW), _f32),
            jax.ShapeDtypeStruct((2 * NPAD, HDW), _f32),
        ],
        mesh=_mesh,
        scratch_types=[
            pltpu.VMEM_SHARED((NPAD, HDW), _f32),
            pltpu.VMEM((C,), jnp.int32),
            pltpu.VMEM((C,), jnp.int32),
            pltpu.VMEM((C, HDW), _f32),
            pltpu.SemaphoreType.DMA,
        ],
        compiler_params=_sc_params,
        interpret=interpret,
    )


_hsum = _make_hsum()



BLK = 1000
GRID = N // BLK


def _prep_body(x_ref, wa_ref, ba_ref, wb_ref, bb_ref, eap_ref, cntp_ref,
               ha_ref, hb_ref, addin_ref, deg_ref):
    h0 = jnp.dot(x_ref[...], wa_ref[...], preferred_element_type=_f32)
    h0 = h0 + ba_ref[...]
    zpad = jnp.zeros((h0.shape[0], HDW - HD), _f32)
    ha_ref[...] = jnp.concatenate([h0[:, :HD], zpad], axis=1)
    hb_ref[...] = jnp.concatenate([h0[:, HD:], zpad], axis=1)
    ea = eap_ref[0] + eap_ref[1]
    cnt = cntp_ref[0][:, 0:1] + cntp_ref[1][:, 0:1]
    w16 = wb_ref[...].astype(jnp.bfloat16)
    ea_hi = ea.astype(jnp.bfloat16)
    ea_lo = (ea - ea_hi.astype(_f32)).astype(jnp.bfloat16)
    addin = (jnp.dot(ea_hi, w16, preferred_element_type=_f32)
             + jnp.dot(ea_lo, w16, preferred_element_type=_f32))
    addin_ref[...] = addin + cnt * bb_ref[...]
    deg_ref[...] = jnp.maximum(cnt, 1.0)


def _prep_tc(x, wa, ba, wb, bb, eap, cntp):
    return pl.pallas_call(
        _prep_body,
        grid=(GRID,),
        in_specs=[
            pl.BlockSpec((BLK, NODE_IN), lambda i: (i, 0)),
            pl.BlockSpec((NODE_IN, H), lambda i: (0, 0)),
            pl.BlockSpec((1, H), lambda i: (0, 0)),
            pl.BlockSpec((EDGE_IN, H), lambda i: (0, 0)),
            pl.BlockSpec((1, H), lambda i: (0, 0)),
            pl.BlockSpec((2, BLK, EDGE_IN), lambda i: (0, i, 0)),
            pl.BlockSpec((2, BLK, EDGE_IN), lambda i: (0, i, 0)),
        ],
        out_specs=[
            pl.BlockSpec((BLK, HDW), lambda i: (i, 0)),
            pl.BlockSpec((BLK, HDW), lambda i: (i, 0)),
            pl.BlockSpec((BLK, H), lambda i: (i, 0)),
            pl.BlockSpec((BLK, 1), lambda i: (i, 0)),
        ],
        out_shape=[
            jax.ShapeDtypeStruct((N, HDW), _f32),
            jax.ShapeDtypeStruct((N, HDW), _f32),
            jax.ShapeDtypeStruct((N, H), _f32),
            jax.ShapeDtypeStruct((N, 1), _f32),
        ],
    )(x, wa, ba, wb, bb, eap, cntp)


def _layer_body(pa_ref, pb_ref, addin_ref, deg_ref, ha_ref, hb_ref,
                wl_ref, bl_ref, oa_ref, ob_ref):
    seg = jnp.concatenate(
        [(pa_ref[0] + pa_ref[1])[:, :HD], (pb_ref[0] + pb_ref[1])[:, :HD]],
        axis=1)
    agg = (seg + addin_ref[...]) / deg_ref[...]
    z = jnp.dot(agg, wl_ref[...], preferred_element_type=_f32) + bl_ref[...]
    h = jnp.concatenate([ha_ref[..., :HD], hb_ref[..., :HD]], axis=1)
    hn = h + jnp.maximum(z, 0.0)
    zpad = jnp.zeros((hn.shape[0], HDW - HD), _f32)
    oa_ref[...] = jnp.concatenate([hn[:, :HD], zpad], axis=1)
    ob_ref[...] = jnp.concatenate([hn[:, HD:], zpad], axis=1)


def _layer_tc(pa, pb, addin, deg, ha, hb, wl, bl):
    return pl.pallas_call(
        _layer_body,
        grid=(GRID,),
        in_specs=[
            pl.BlockSpec((2, BLK, HDW), lambda i: (0, i, 0)),
            pl.BlockSpec((2, BLK, HDW), lambda i: (0, i, 0)),
            pl.BlockSpec((BLK, H), lambda i: (i, 0)),
            pl.BlockSpec((BLK, 1), lambda i: (i, 0)),
            pl.BlockSpec((BLK, HDW), lambda i: (i, 0)),
            pl.BlockSpec((BLK, HDW), lambda i: (i, 0)),
            pl.BlockSpec((H, H), lambda i: (0, 0)),
            pl.BlockSpec((1, H), lambda i: (0, 0)),
        ],
        out_specs=[
            pl.BlockSpec((BLK, HDW), lambda i: (i, 0)),
            pl.BlockSpec((BLK, HDW), lambda i: (i, 0)),
        ],
        out_shape=[
            jax.ShapeDtypeStruct((N, HDW), _f32),
            jax.ShapeDtypeStruct((N, HDW), _f32),
        ],
    )(pa, pb, addin, deg, ha, hb, wl, bl)


def _readout_body(ha_ref, hb_ref, watt_ref, batt_ref, wp_ref, bp_ref,
                  wih_ref, whh_ref, bih_ref, bhh_ref, w1_ref, b1_ref,
                  w2_ref, b2_ref, out_ref, g_ref):
    h = jnp.concatenate([ha_ref[..., :HD], hb_ref[..., :HD]], axis=1)
    g = jnp.sum(h, axis=0, keepdims=True)
    wa_c = watt_ref[0:H, :]
    wa_h = watt_ref[H:2 * H, :]
    zh = jnp.dot(h, wa_h, preferred_element_type=_f32)
    hv = jnp.dot(h, wp_ref[...], preferred_element_type=_f32) + bp_ref[...]
    for _ in range(TSTEPS):
        ctx = jnp.dot(jnp.maximum(g, 0.0), wa_c,
                      preferred_element_type=_f32)
        z = zh + batt_ref[...] + ctx
        z = jnp.where(z > 0, z, 0.01 * z)
        z = z - jnp.max(z)
        ez = jnp.exp(z)
        a = ez / jnp.sum(ez)
        g_repr = jnp.sum(a * hv, axis=0, keepdims=True)
        context = jnp.where(g_repr > 0, g_repr, jnp.exp(g_repr) - 1.0)
        gi = jnp.dot(context, wih_ref[...],
                     preferred_element_type=_f32) + bih_ref[...]
        gh = jnp.dot(g, whh_ref[...],
                     preferred_element_type=_f32) + bhh_ref[...]
        ir, iz, inn = gi[:, 0:H], gi[:, H:2 * H], gi[:, 2 * H:3 * H]
        hr, hz, hn = gh[:, 0:H], gh[:, H:2 * H], gh[:, 2 * H:3 * H]
        r = jax.nn.sigmoid(ir + hr)
        zg = jax.nn.sigmoid(iz + hz)
        ng = jnp.tanh(inn + r * hn)
        g = jnp.maximum((1.0 - zg) * ng + zg * g, 0.0)
    g_ref[...] = g
    o1 = jnp.maximum(jnp.dot(g, w1_ref[...],
                             preferred_element_type=_f32) + b1_ref[...], 0.0)
    out_ref[...] = jnp.dot(o1, w2_ref[...],
                           preferred_element_type=_f32) + b2_ref[...]


def _readout_tc(ha, hb, watt, batt, wp, bp, wih, whh, bih, bhh, w1, b1,
                w2, b2):
    return pl.pallas_call(
        _readout_body,
        out_shape=[
            jax.ShapeDtypeStruct((1, 1), _f32),
            jax.ShapeDtypeStruct((1, H), _f32),
        ],
    )(ha, hb, watt, batt, wp, bp, wih, whh, bih, bhh, w1, b1, w2, b2)



def kernel(x, edge_index, edge_attr, ecfp, params):
    src = edge_index[0]
    dst = edge_index[1]
    pad = E_PAD - E
    srcp = jnp.concatenate([src, jnp.zeros((pad,), jnp.int32)])
    dstp = jnp.concatenate([dst, jnp.full((pad,), N, jnp.int32)])
    ea16 = edge_attr.astype(jnp.bfloat16).astype(_f32)
    eap = jnp.concatenate([ea16, jnp.zeros((pad, EDGE_IN), _f32)])
    ones_c = jnp.ones((C, EDGE_IN), _f32)
    zeros_e = jnp.zeros((NPAD, EDGE_IN), _f32)
    zeros_h = jnp.zeros((NPAD, HDW), _f32)

    ea_part, cnt_part = _edge_prep(dstp, eap, ones_c, zeros_e)
    ea_part = ea_part.reshape(2, NPAD, EDGE_IN)
    cnt_part = cnt_part.reshape(2, NPAD, EDGE_IN)

    w_atom, b_atom = params['atom']
    w_bond, b_bond = params['bond']
    ha, hb, addin, deg = _prep_tc(
        x, w_atom, b_atom.reshape(1, H), w_bond, b_bond.reshape(1, H),
        ea_part, cnt_part)

    for (wl, bl) in params['gcn']:
        pa, pb = _hsum(srcp, dstp, ha, hb, zeros_h)
        pa = pa.reshape(2, NPAD, HDW)
        pb = pb.reshape(2, NPAD, HDW)
        ha, hb = _layer_tc(pa, pb, addin, deg, ha, hb, wl,
                           bl.reshape(1, H))

    watt, batt = params['att']
    wp, bp = params['proj']
    w1, b1 = params['out1']
    w2, b2 = params['out2']
    out, g = _readout_tc(
        ha, hb, watt, batt.reshape(1, 1), wp, bp.reshape(1, H),
        params['gru_Wih'], params['gru_Whh'],
        params['gru_bih'].reshape(1, 3 * H), params['gru_bhh'].reshape(1, 3 * H),
        w1, b1.reshape(1, 1024), w2, b2.reshape(1, 1))
    return (out, g, ecfp)

# --- scband reference (transcript-rebuilt; emitter-appended) ---
"""Pipeline reference for scband-gcnmodel-with-edge-afpreadout-22144851378287 (READ-ONLY COPY).

The authoritative reference and input builder live on the scoring server;
editing this copy changes nothing except your own understanding.
"""

import jax, jax.numpy as jnp
import numpy as np

N = 10000
E = 320000
NODE_IN = 128
EDGE_IN = 16
H = 200
LAYERS = 3
TSTEPS = 2

def _lin(key, fan_in, fan_out):
    k1, k2 = jax.random.split(key)
    lim = 1.0 / np.sqrt(fan_in)
    W = jax.random.uniform(k1, (fan_in, fan_out), minval=-lim, maxval=lim, dtype=jnp.float32)
    b = jax.random.uniform(k2, (fan_out,), minval=-lim, maxval=lim, dtype=jnp.float32)
    return (W, b)

def _make_params(key):
    ks = jax.random.split(key, 12)
    lim = 1.0 / np.sqrt(H)
    params = {
        'atom': _lin(ks[0], NODE_IN, H),
        'bond': _lin(ks[1], EDGE_IN, H),
        'gcn': [_lin(ks[2 + i], H, H) for i in range(LAYERS)],
        'att': _lin(ks[5], 2 * H, 1),
        'proj': _lin(ks[6], H, H),
        'gru_Wih': jax.random.uniform(ks[7], (H, 3 * H), minval=-lim, maxval=lim, dtype=jnp.float32),
        'gru_Whh': jax.random.uniform(ks[8], (H, 3 * H), minval=-lim, maxval=lim, dtype=jnp.float32),
        'gru_bih': jnp.zeros((3 * H,), jnp.float32),
        'gru_bhh': jnp.zeros((3 * H,), jnp.float32),
        'out1': _lin(ks[9], H, 1024),
        'out2': _lin(ks[10], 1024, 1),
    }
    return params

def setup_inputs(seed: int = 0):
    key = jax.random.key(seed)
    ks = jax.random.split(key, 6)
    x = jax.random.normal(ks[0], (N, NODE_IN), dtype=jnp.float32)
    edge_index = jax.random.randint(ks[1], (2, E), 0, N, dtype=jnp.int32)
    edge_attr = jax.random.normal(ks[2], (E, EDGE_IN), dtype=jnp.float32)
    ecfp = jax.random.uniform(ks[3], (1, 2048), dtype=jnp.float32)
    params = _make_params(ks[4])
    return {'x': x, 'edge_index': edge_index, 'edge_attr': edge_attr, 'ecfp': ecfp, 'params': params}

def _forward(x, edge_attr, ecfp, params, edge_index):
    src = edge_index[0]
    dst = edge_index[1]
    W, b = params['atom']
    h = x @ W + b
    W, b = params['bond']
    e = edge_attr @ W + b
    deg = jnp.clip(jax.ops.segment_sum(jnp.ones((E,), jnp.float32), dst, num_segments=N), 1.0, None)
    for (Wl, bl) in params['gcn']:
        m = h[src] + e
        agg = jax.ops.segment_sum(m, dst, num_segments=N) / deg[:, None]
        h = h + jax.nn.relu(agg @ Wl + bl)
    # AttentiveFP readout (single batched graph)
    g_feats = jnp.sum(h, axis=0, keepdims=True)
    Wa, ba = params['att']
    Wp, bp = params['proj']
    for _ in range(TSTEPS):
        ctx = jnp.broadcast_to(jax.nn.relu(g_feats), (N, H))
        z = jax.nn.leaky_relu(jnp.concatenate([ctx, h], axis=1) @ Wa + ba, 0.01)
        a = jax.nn.softmax(z, axis=0)
        hv = h @ Wp + bp
        g_repr = jnp.sum(a * hv, axis=0, keepdims=True)
        context = jax.nn.elu(g_repr)
        gi = context @ params['gru_Wih'] + params['gru_bih']
        gh = g_feats @ params['gru_Whh'] + params['gru_bhh']
        ir, iz, inn = jnp.split(gi, 3, axis=1)
        hr, hz, hn = jnp.split(gh, 3, axis=1)
        r = jax.nn.sigmoid(ir + hr)
        zg = jax.nn.sigmoid(iz + hz)
        ng = jnp.tanh(inn + r * hn)
        g_feats = jax.nn.relu((1.0 - zg) * ng + zg * g_feats)
    W1, b1 = params['out1']
    W2, b2 = params['out2']
    out = jax.nn.relu(g_feats @ W1 + b1) @ W2 + b2
    return (out, g_feats, ecfp)

def reference(x, edge_index, edge_attr, ecfp, params):
    return _forward(x, edge_attr, ecfp, params, edge_index)

if __name__ == "__main__":
    import jax
    _d = setup_inputs()
    print(jax.jit(kernel)(*tuple(_d.values())))

</pallas_src>

<mosaic_0001>
#map = affine_map<(d0, d1) -> (0)>
#map1 = affine_map<(d0, d1) -> (0, 0)>
module attributes {stable_mosaic.version = 14 : i64} {
  func.func @_edge_prep_body(%arg0: i32, %arg1: i32, %arg2: memref<323584xi32, #tpu.memory_space<hbm>>, %arg3: memref<323584x16xf32, #tpu.memory_space<hbm>>, %arg4: memref<128x16xf32, #tpu.memory_space<hbm>>, %arg5: memref<10112x16xf32, #tpu.memory_space<hbm>>, %arg6: memref<20224x16xf32, #tpu.memory_space<hbm>>, %arg7: memref<20224x16xf32, #tpu.memory_space<hbm>>, %arg8: memref<10112x16xf32, #tpu.memory_space<vmem_shared>>, %arg9: memref<10112x16xf32, #tpu.memory_space<vmem_shared>>, %arg10: memref<128xi32, #tpu.memory_space<vmem>>, %arg11: memref<128x16xf32, #tpu.memory_space<vmem>>, %arg12: memref<128x16xf32, #tpu.memory_space<vmem>>) attributes {dimension_semantics = [#tpu.dimension_semantics<core_parallel>, #tpu.dimension_semantics<subcore_parallel>], iteration_bounds = array<i64: 2, 16>, scalar_prefetch = 0 : i64, scratch_operands = 5 : i64, tpu.core_type = #tpu.core_type<sc_vector_subcore>, window_params = [{transform_indices = #map}, {transform_indices = #map1}, {transform_indices = #map1}, {transform_indices = #map1}, {transform_indices = #map1}, {transform_indices = #map1}]} {
    %mul3A = arith.constant 16 : i32
    %mul3A_0 = arith.muli %arg0, %mul3A : i32
    %add3A = arith.addi %mul3A_0, %arg1 : i32
    %mul3A_1 = arith.constant 632 : i32
    %mul3A_2 = arith.muli %arg1, %mul3A_1 : i32
    "tpu.region"() ({
      %run_scoped3A = tpu.sem_alloc : memref<!tpu.dma_semaphore, #tpu.memory_space<semaphore_mem>>
      %dma_start3A = arith.constant 0 : i32
      %dma_start3A_15 = tpu.memref_slice %arg8[%mul3A_2, %dma_start3A] : memref<10112x16xf32, #tpu.memory_space<vmem_shared>> -> memref<632x16xf32, #tpu.memory_space<vmem_shared>>
      %dma_start3A_16 = arith.constant 0 : i32
      %dma_start3A_17 = tpu.memref_slice %arg5[%mul3A_2, %dma_start3A_16] : memref<10112x16xf32, #tpu.memory_space<hbm>> -> memref<632x16xf32, #tpu.memory_space<hbm>>
      tpu.enqueue_dma source(%dma_start3A_17 : memref<632x16xf32, #tpu.memory_space<hbm>>) target(%dma_start3A_15 : memref<632x16xf32, #tpu.memory_space<vmem_shared>>) target_semaphore(%run_scoped3A : memref<!tpu.dma_semaphore, #tpu.memory_space<semaphore_mem>>)
      %dma_wait3A = arith.constant 0 : i32
      %dma_wait3A_18 = tpu.memref_slice %arg8[%mul3A_2, %dma_wait3A] : memref<10112x16xf32, #tpu.memory_space<vmem_shared>> -> memref<632x16xf32, #tpu.memory_space<vmem_shared>>
      %dma_wait3A_19 = arith.constant 0 : i32
      %dma_wait3A_20 = tpu.memref_slice %arg5[%mul3A_2, %dma_wait3A_19] : memref<10112x16xf32, #tpu.memory_space<hbm>> -> memref<632x16xf32, #tpu.memory_space<hbm>>
      tpu.wait_dma2 semaphore(%run_scoped3A : memref<!tpu.dma_semaphore, #tpu.memory_space<semaphore_mem>>) src(%dma_wait3A_20 : memref<632x16xf32, #tpu.memory_space<hbm>>) dst(%dma_wait3A_18 : memref<632x16xf32, #tpu.memory_space<vmem_shared>>)
      tpu.yield
    }) : () -> ()
    "tpu.region"() ({
      %run_scoped3A = tpu.sem_alloc : memref<!tpu.dma_semaphore, #tpu.memory_space<semaphore_mem>>
      %dma_start3A = arith.constant 0 : i32
      %dma_start3A_15 = tpu.memref_slice %arg9[%mul3A_2, %dma_start3A] : memref<10112x16xf32, #tpu.memory_space<vmem_shared>> -> memref<632x16xf32, #tpu.memory_space<vmem_shared>>
      %dma_start3A_16 = arith.constant 0 : i32
      %dma_start3A_17 = tpu.memref_slice %arg5[%mul3A_2, %dma_start3A_16] : memref<10112x16xf32, #tpu.memory_space<hbm>> -> memref<632x16xf32, #tpu.memory_space<hbm>>
      tpu.enqueue_dma source(%dma_start3A_17 : memref<632x16xf32, #tpu.memory_space<hbm>>) target(%dma_start3A_15 : memref<632x16xf32, #tpu.memory_space<vmem_shared>>) target_semaphore(%run_scoped3A : memref<!tpu.dma_semaphore, #tpu.memory_space<semaphore_mem>>)
      %dma_wait3A = arith.constant 0 : i32
      %dma_wait3A_18 = tpu.memref_slice %arg9[%mul3A_2, %dma_wait3A] : memref<10112x16xf32, #tpu.memory_space<vmem_shared>> -> memref<632x16xf32, #tpu.memory_space<vmem_shared>>
      %dma_wait3A_19 = arith.constant 0 : i32
      %dma_wait3A_20 = tpu.memref_slice %arg5[%mul3A_2, %dma_wait3A_19] : memref<10112x16xf32, #tpu.memory_space<hbm>> -> memref<632x16xf32, #tpu.memory_space<hbm>>
      tpu.wait_dma2 semaphore(%run_scoped3A : memref<!tpu.dma_semaphore, #tpu.memory_space<semaphore_mem>>) src(%dma_wait3A_20 : memref<632x16xf32, #tpu.memory_space<hbm>>) dst(%dma_wait3A_18 : memref<632x16xf32, #tpu.memory_space<vmem_shared>>)
      tpu.yield
    }) : () -> ()
    "tpu.region"() ({
      %run_scoped3A = tpu.sem_alloc : memref<!tpu.dma_semaphore, #tpu.memory_space<semaphore_mem>>
      tpu.enqueue_dma source(%arg4 : memref<128x16xf32, #tpu.memory_space<hbm>>) target(%arg12 : memref<128x16xf32, #tpu.memory_space<vmem>>) target_semaphore(%run_scoped3A : memref<!tpu.dma_semaphore, #tpu.memory_space<semaphore_mem>>)
      tpu.wait_dma2 semaphore(%run_scoped3A : memref<!tpu.dma_semaphore, #tpu.memory_space<semaphore_mem>>) src(%arg4 : memref<128x16xf32, #tpu.memory_space<hbm>>) dst(%arg12 : memref<128x16xf32, #tpu.memory_space<vmem>>)
      tpu.yield
    }) : () -> ()
    %barrier3A = arith.constant 0 : index
    tpu.barrier barrier_id(%barrier3A)
    %scan3A = arith.constant 0 : i32
    %scan3A_3 = arith.constant 0 : i32
    %scan3A_4 = arith.constant 79 : i32
    %scan3A_5 = arith.addi %scan3A_3, %scan3A_4 : i32
    %scan3A_6 = arith.constant 1 : i32
    scf.for %scan3A_15 = %scan3A_3 to %scan3A_5 step %scan3A_6  : i32 {
      %mul3A_16 = arith.constant 10112 : i32
      %mul3A_17 = arith.muli %add3A, %mul3A_16 : i32
      %mul3A_18 = arith.constant 128 : i32
      %mul3A_19 = arith.muli %scan3A_15, %mul3A_18 : i32
      %add3A_20 = arith.addi %mul3A_17, %mul3A_19 : i32
      "tpu.region"() ({
        %run_scoped3A = tpu.sem_alloc : memref<!tpu.dma_semaphore, #tpu.memory_space<semaphore_mem>>
        %dma_start3A = tpu.memref_slice %arg2[%add3A_20] : memref<323584xi32, #tpu.memory_space<hbm>> -> memref<128xi32, #tpu.memory_space<hbm>>
        %dma_start3A_21 = tpu.memref_slice %arg2[%add3A_20] : memref<323584xi32, #tpu.memory_space<hbm>> -> memref<128xi32, #tpu.memory_space<hbm>>
        tpu.enqueue_dma source(%dma_start3A_21 : memref<128xi32, #tpu.memory_space<hbm>>) target(%arg10 : memref<128xi32, #tpu.memory_space<vmem>>) target_semaphore(%run_scoped3A : memref<!tpu.dma_semaphore, #tpu.memory_space<semaphore_mem>>)
        %dma_wait3A = tpu.memref_slice %arg2[%add3A_20] : memref<323584xi32, #tpu.memory_space<hbm>> -> memref<128xi32, #tpu.memory_space<hbm>>
        %dma_wait3A_22 = tpu.memref_slice %arg2[%add3A_20] : memref<323584xi32, #tpu.memory_space<hbm>> -> memref<128xi32, #tpu.memory_space<hbm>>
        tpu.wait_dma2 semaphore(%run_scoped3A : memref<!tpu.dma_semaphore, #tpu.memory_space<semaphore_mem>>) src(%dma_wait3A_22 : memref<128xi32, #tpu.memory_space<hbm>>) dst(%arg10 : memref<128xi32, #tpu.memory_space<vmem>>)
        tpu.yield
      }) : () -> ()
      "tpu.region"() ({
        %run_scoped3A = tpu.sem_alloc : memref<!tpu.dma_semaphore, #tpu.memory_space<semaphore_mem>>
        %dma_start3A = arith.constant 0 : i32
        %dma_start3A_21 = tpu.memref_slice %arg3[%add3A_20, %dma_start3A] : memref<323584x16xf32, #tpu.memory_space<hbm>> -> memref<128x16xf32, #tpu.memory_space<hbm>>
        %dma_start3A_22 = arith.constant 0 : i32
        %dma_start3A_23 = tpu.memref_slice %arg3[%add3A_20, %dma_start3A_22] : memref<323584x16xf32, #tpu.memory_space<hbm>> -> memref<128x16xf32, #tpu.memory_space<hbm>>
        tpu.enqueue_dma source(%dma_start3A_23 : memref<128x16xf32, #tpu.memory_space<hbm>>) target(%arg11 : memref<128x16xf32, #tpu.memory_space<vmem>>) target_semaphore(%run_scoped3A : memref<!tpu.dma_semaphore, #tpu.memory_space<semaphore_mem>>)
        %dma_wait3A = arith.constant 0 : i32
        %dma_wait3A_24 = tpu.memref_slice %arg3[%add3A_20, %dma_wait3A] : memref<323584x16xf32, #tpu.memory_space<hbm>> -> memref<128x16xf32, #tpu.memory_space<hbm>>
        %dma_wait3A_25 = arith.constant 0 : i32
        %dma_wait3A_26 = tpu.memref_slice %arg3[%add3A_20, %dma_wait3A_25] : memref<323584x16xf32, #tpu.memory_space<hbm>> -> memref<128x16xf32, #tpu.memory_space<hbm>>
        tpu.wait_dma2 semaphore(%run_scoped3A : memref<!tpu.dma_semaphore, #tpu.memory_space<semaphore_mem>>) src(%dma_wait3A_26 : memref<128x16xf32, #tpu.memory_space<hbm>>) dst(%arg11 : memref<128x16xf32, #tpu.memory_space<vmem>>)
        tpu.yield
      }) : () -> ()
      "tpu.region"() ({
        %run_scoped3A = tpu.sem_alloc : memref<!tpu.dma_semaphore, #tpu.memory_space<semaphore_mem>>
        %dma_start3A = arith.constant 0 : i32
        %dma_start3A_21 = arith.constant 0 : i32
        %dma_start3A_22 = tpu.memref_slice %arg8[%dma_start3A, %dma_start3A_21] : memref<10112x16xf32, #tpu.memory_space<vmem_shared>> -> memref<10112x16xf32, #tpu.memory_space<vmem_shared>>
        tpu.enqueue_indirect_dma source(%arg11 : memref<128x16xf32, #tpu.memory_space<vmem>>) target(%dma_start3A_22 : memref<10112x16xf32, #tpu.memory_space<vmem_shared>>) offsets(%arg10 : memref<128xi32, #tpu.memory_space<vmem>>) semaphore(%run_scoped3A : memref<!tpu.dma_semaphore, #tpu.memory_space<semaphore_mem>>) {add = true}
        %dma_wait3A = arith.constant 0 : i32
        %dma_wait3A_23 = arith.constant 0 : i32
        %dma_wait3A_24 = tpu.memref_slice %arg8[%dma_wait3A, %dma_wait3A_23] : memref<10112x16xf32, #tpu.memory_space<vmem_shared>> -> memref<10112x16xf32, #tpu.memory_space<vmem_shared>>
        tpu.wait_indirect_dma semaphore(%run_scoped3A : memref<!tpu.dma_semaphore, #tpu.memory_space<semaphore_mem>>) src(%arg11 : memref<128x16xf32, #tpu.memory_space<vmem>>) dst(%dma_wait3A_24 : memref<10112x16xf32, #tpu.memory_space<vmem_shared>>)
        tpu.yield
      }) : () -> ()
      "tpu.region"() ({
        %run_scoped3A = tpu.sem_alloc : memref<!tpu.dma_semaphore, #tpu.memory_space<semaphore_mem>>
        %dma_start3A = arith.constant 0 : i32
        %dma_start3A_21 = arith.constant 0 : i32
        %dma_start3A_22 = tpu.memref_slice %arg9[%dma_start3A, %dma_start3A_21] : memref<10112x16xf32, #tpu.memory_space<vmem_shared>> -> memref<10112x16xf32, #tpu.memory_space<vmem_shared>>
        tpu.enqueue_indirect_dma source(%arg12 : memref<128x16xf32, #tpu.memory_space<vmem>>) target(%dma_start3A_22 : memref<10112x16xf32, #tpu.memory_space<vmem_shared>>) offsets(%arg10 : memref<128xi32, #tpu.memory_space<vmem>>) semaphore(%run_scoped3A : memref<!tpu.dma_semaphore, #tpu.memory_space<semaphore_mem>>) {add = true}
        %dma_wait3A = arith.constant 0 : i32
        %dma_wait3A_23 = arith.constant 0 : i32
        %dma_wait3A_24 = tpu.memref_slice %arg9[%dma_wait3A, %dma_wait3A_23] : memref<10112x16xf32, #tpu.memory_space<vmem_shared>> -> memref<10112x16xf32, #tpu.memory_space<vmem_shared>>
        tpu.wait_indirect_dma semaphore(%run_scoped3A : memref<!tpu.dma_semaphore, #tpu.memory_space<semaphore_mem>>) src(%arg12 : memref<128x16xf32, #tpu.memory_space<vmem>>) dst(%dma_wait3A_24 : memref<10112x16xf32, #tpu.memory_space<vmem_shared>>)
        tpu.yield
      }) : () -> ()
    }
    %scan3A_7 = arith.constant 79 : i32
    %barrier3A_8 = arith.constant 0 : index
    tpu.barrier barrier_id(%barrier3A_8)
    %mul3A_9 = arith.constant 10112 : i32
    %mul3A_10 = arith.muli %arg0, %mul3A_9 : i32
    %add3A_11 = arith.addi %mul3A_10, %mul3A_2 : i32
    "tpu.region"() ({
      %run_scoped3A = tpu.sem_alloc : memref<!tpu.dma_semaphore, #tpu.memory_space<semaphore_mem>>
      %dma_start3A = arith.constant 0 : i32
      %dma_start3A_15 = tpu.memref_slice %arg6[%add3A_11, %dma_start3A] : memref<20224x16xf32, #tpu.memory_space<hbm>> -> memref<632x16xf32, #tpu.memory_space<hbm>>
      %dma_start3A_16 = arith.constant 0 : i32
      %dma_start3A_17 = tpu.memref_slice %arg8[%mul3A_2, %dma_start3A_16] : memref<10112x16xf32, #tpu.memory_space<vmem_shared>> -> memref<632x16xf32, #tpu.memory_space<vmem_shared>>
      tpu.enqueue_dma source(%dma_start3A_17 : memref<632x16xf32, #tpu.memory_space<vmem_shared>>) target(%dma_start3A_15 : memref<632x16xf32, #tpu.memory_space<hbm>>) target_semaphore(%run_scoped3A : memref<!tpu.dma_semaphore, #tpu.memory_space<semaphore_mem>>)
      %dma_wait3A = arith.constant 0 : i32
      %dma_wait3A_18 = tpu.memref_slice %arg6[%add3A_11, %dma_wait3A] : memref<20224x16xf32, #tpu.memory_space<hbm>> -> memref<632x16xf32, #tpu.memory_space<hbm>>
      %dma_wait3A_19 = arith.constant 0 : i32
      %dma_wait3A_20 = tpu.memref_slice %arg8[%mul3A_2, %dma_wait3A_19] : memref<10112x16xf32, #tpu.memory_space<vmem_shared>> -> memref<632x16xf32, #tpu.memory_space<vmem_shared>>
      tpu.wait_dma2 semaphore(%run_scoped3A : memref<!tpu.dma_semaphore, #tpu.memory_space<semaphore_mem>>) src(%dma_wait3A_20 : memref<632x16xf32, #tpu.memory_space<vmem_shared>>) dst(%dma_wait3A_18 : memref<632x16xf32, #tpu.memory_space<hbm>>)
      tpu.yield
    }) : () -> ()
    %mul3A_12 = arith.constant 10112 : i32
    %mul3A_13 = arith.muli %arg0, %mul3A_12 : i32
    %add3A_14 = arith.addi %mul3A_13, %mul3A_2 : i32
    "tpu.region"() ({
      %run_scoped3A = tpu.sem_alloc : memref<!tpu.dma_semaphore, #tpu.memory_space<semaphore_mem>>
      %dma_start3A = arith.constant 0 : i32
      %dma_start3A_15 = tpu.memref_slice %arg7[%add3A_14, %dma_start3A] : memref<20224x16xf32, #tpu.memory_space<hbm>> -> memref<632x16xf32, #tpu.memory_space<hbm>>
      %dma_start3A_16 = arith.constant 0 : i32
      %dma_start3A_17 = tpu.memref_slice %arg9[%mul3A_2, %dma_start3A_16] : memref<10112x16xf32, #tpu.memory_space<vmem_shared>> -> memref<632x16xf32, #tpu.memory_space<vmem_shared>>
      tpu.enqueue_dma source(%dma_start3A_17 : memref<632x16xf32, #tpu.memory_space<vmem_shared>>) target(%dma_start3A_15 : memref<632x16xf32, #tpu.memory_space<hbm>>) target_semaphore(%run_scoped3A : memref<!tpu.dma_semaphore, #tpu.memory_space<semaphore_mem>>)
      %dma_wait3A = arith.constant 0 : i32
      %dma_wait3A_18 = tpu.memref_slice %arg7[%add3A_14, %dma_wait3A] : memref<20224x16xf32, #tpu.memory_space<hbm>> -> memref<632x16xf32, #tpu.memory_space<hbm>>
      %dma_wait3A_19 = arith.constant 0 : i32
      %dma_wait3A_20 = tpu.memref_slice %arg9[%mul3A_2, %dma_wait3A_19] : memref<10112x16xf32, #tpu.memory_space<vmem_shared>> -> memref<632x16xf32, #tpu.memory_space<vmem_shared>>
      tpu.wait_dma2 semaphore(%run_scoped3A : memref<!tpu.dma_semaphore, #tpu.memory_space<semaphore_mem>>) src(%dma_wait3A_20 : memref<632x16xf32, #tpu.memory_space<vmem_shared>>) dst(%dma_wait3A_18 : memref<632x16xf32, #tpu.memory_space<hbm>>)
      tpu.yield
    }) : () -> ()
    return
  }
}

#map = affine_map<(d0, d1) -> (0)>
#map1 = affine_map<(d0, d1) -> (0, 0)>
module attributes {stable_mosaic.version = 14 : i64} {
  func.func @_hsum_body(%arg0: i32, %arg1: i32, %arg2: memref<323584xi32, #tpu.memory_space<hbm>>, %arg3: memref<323584xi32, #tpu.memory_space<hbm>>, %arg4: memref<10000x128xf32, #tpu.memory_space<hbm>>, %arg5: memref<10000x128xf32, #tpu.memory_space<hbm>>, %arg6: memref<10112x128xf32, #tpu.memory_space<hbm>>, %arg7: memref<20224x128xf32, #tpu.memory_space<hbm>>, %arg8: memref<20224x128xf32, #tpu.memory_space<hbm>>, %arg9: memref<10112x128xf32, #tpu.memory_space<vmem_shared>>, %arg10: memref<128xi32, #tpu.memory_space<vmem>>, %arg11: memref<128xi32, #tpu.memory_space<vmem>>, %arg12: memref<128x128xf32, #tpu.memory_space<vmem>>, %arg13: memref<!tpu.dma_semaphore, #tpu.memory_space<semaphore_mem>>) attributes {dimension_semantics = [#tpu.dimension_semantics<core_parallel>, #tpu.dimension_semantics<subcore_parallel>], iteration_bounds = array<i64: 2, 16>, scalar_prefetch = 0 : i64, scratch_operands = 5 : i64, tpu.core_type = #tpu.core_type<sc_vector_subcore>, window_params = [{transform_indices = #map}, {transform_indices = #map}, {transform_indices = #map1}, {transform_indices = #map1}, {transform_indices = #map1}, {transform_indices = #map1}, {transform_indices = #map1}]} {
    %mul3A = arith.constant 16 : i32
    %mul3A_0 = arith.muli %arg0, %mul3A : i32
    %add3A = arith.addi %mul3A_0, %arg1 : i32
    %mul3A_1 = arith.constant 632 : i32
    %mul3A_2 = arith.muli %arg1, %mul3A_1 : i32
    "tpu.region"() ({
      %run_scoped3A = tpu.sem_alloc : memref<!tpu.dma_semaphore, #tpu.memory_space<semaphore_mem>>
      %dma_start3A = arith.constant 0 : i32
      %dma_start3A_25 = tpu.memref_slice %arg9[%mul3A_2, %dma_start3A] : memref<10112x128xf32, #tpu.memory_space<vmem_shared>> -> memref<632x128xf32, #tpu.memory_space<vmem_shared>>
      %dma_start3A_26 = arith.constant 0 : i32
      %dma_start3A_27 = tpu.memref_slice %arg6[%mul3A_2, %dma_start3A_26] : memref<10112x128xf32, #tpu.memory_space<hbm>> -> memref<632x128xf32, #tpu.memory_space<hbm>>
      tpu.enqueue_dma source(%dma_start3A_27 : memref<632x128xf32, #tpu.memory_space<hbm>>) target(%dma_start3A_25 : memref<632x128xf32, #tpu.memory_space<vmem_shared>>) target_semaphore(%run_scoped3A : memref<!tpu.dma_semaphore, #tpu.memory_space<semaphore_mem>>)
      %dma_wait3A = arith.constant 0 : i32
      %dma_wait3A_28 = tpu.memref_slice %arg9[%mul3A_2, %dma_wait3A] : memref<10112x128xf32, #tpu.memory_space<vmem_shared>> -> memref<632x128xf32, #tpu.memory_space<vmem_shared>>
      %dma_wait3A_29 = arith.constant 0 : i32
      %dma_wait3A_30 = tpu.memref_slice %arg6[%mul3A_2, %dma_wait3A_29] : memref<10112x128xf32, #tpu.memory_space<hbm>> -> memref<632x128xf32, #tpu.memory_space<hbm>>
      tpu.wait_dma2 semaphore(%run_scoped3A : memref<!tpu.dma_semaphore, #tpu.memory_space<semaphore_mem>>) src(%dma_wait3A_30 : memref<632x128xf32, #tpu.memory_space<hbm>>) dst(%dma_wait3A_28 : memref<632x128xf32, #tpu.memory_space<vmem_shared>>)
      tpu.yield
    }) : () -> ()
    %barrier3A = arith.constant 0 : index
    tpu.barrier barrier_id(%barrier3A)
    %scan3A = arith.constant 0 : i32
    %scan3A_3 = arith.constant 0 : i32
    %scan3A_4 = arith.constant 79 : i32
    %scan3A_5 = arith.addi %scan3A_3, %scan3A_4 : i32
    %scan3A_6 = arith.constant 1 : i32
    scf.for %scan3A_25 = %scan3A_3 to %scan3A_5 step %scan3A_6  : i32 {
      %mul3A_26 = arith.constant 10112 : i32
      %mul3A_27 = arith.muli %add3A, %mul3A_26 : i32
      %mul3A_28 = arith.constant 128 : i32
      %mul3A_29 = arith.muli %scan3A_25, %mul3A_28 : i32
      %add3A_30 = arith.addi %mul3A_27, %mul3A_29 : i32
      "tpu.region"() ({
        %run_scoped3A = tpu.sem_alloc : memref<!tpu.dma_semaphore, #tpu.memory_space<semaphore_mem>>
        %dma_start3A_35 = tpu.memref_slice %arg2[%add3A_30] : memref<323584xi32, #tpu.memory_space<hbm>> -> memref<128xi32, #tpu.memory_space<hbm>>
        %dma_start3A_36 = tpu.memref_slice %arg2[%add3A_30] : memref<323584xi32, #tpu.memory_space<hbm>> -> memref<128xi32, #tpu.memory_space<hbm>>
        tpu.enqueue_dma source(%dma_start3A_36 : memref<128xi32, #tpu.memory_space<hbm>>) target(%arg10 : memref<128xi32, #tpu.memory_space<vmem>>) target_semaphore(%run_scoped3A : memref<!tpu.dma_semaphore, #tpu.memory_space<semaphore_mem>>)
        %dma_wait3A_37 = tpu.memref_slice %arg2[%add3A_30] : memref<323584xi32, #tpu.memory_space<hbm>> -> memref<128xi32, #tpu.memory_space<hbm>>
        %dma_wait3A_38 = tpu.memref_slice %arg2[%add3A_30] : memref<323584xi32, #tpu.memory_space<hbm>> -> memref<128xi32, #tpu.memory_space<hbm>>
        tpu.wait_dma2 semaphore(%run_scoped3A : memref<!tpu.dma_semaphore, #tpu.memory_space<semaphore_mem>>) src(%dma_wait3A_38 : memref<128xi32, #tpu.memory_space<hbm>>) dst(%arg10 : memref<128xi32, #tpu.memory_space<vmem>>)
        tpu.yield
      }) : () -> ()
      "tpu.region"() ({
        %run_scoped3A = tpu.sem_alloc : memref<!tpu.dma_semaphore, #tpu.memory_space<semaphore_mem>>
        %dma_start3A_35 = tpu.memref_slice %arg3[%add3A_30] : memref<323584xi32, #tpu.memory_space<hbm>> -> memref<128xi32, #tpu.memory_space<hbm>>
        %dma_start3A_36 = tpu.memref_slice %arg3[%add3A_30] : memref<323584xi32, #tpu.memory_space<hbm>> -> memref<128xi32, #tpu.memory_space<hbm>>
        tpu.enqueue_dma source(%dma_start3A_36 : memref<128xi32, #tpu.memory_space<hbm>>) target(%arg11 : memref<128xi32, #tpu.memory_space<vmem>>) target_semaphore(%run_scoped3A : memref<!tpu.dma_semaphore, #tpu.memory_space<semaphore_mem>>)
        %dma_wait3A_37 = tpu.memref_slice %arg3[%add3A_30] : memref<323584xi32, #tpu.memory_space<hbm>> -> memref<128xi32, #tpu.memory_space<hbm>>
        %dma_wait3A_38 = tpu.memref_slice %arg3[%add3A_30] : memref<323584xi32, #tpu.memory_space<hbm>> -> memref<128xi32, #tpu.memory_space<hbm>>
        tpu.wait_dma2 semaphore(%run_scoped3A : memref<!tpu.dma_semaphore, #tpu.memory_space<semaphore_mem>>) src(%dma_wait3A_38 : memref<128xi32, #tpu.memory_space<hbm>>) dst(%arg11 : memref<128xi32, #tpu.memory_space<vmem>>)
        tpu.yield
      }) : () -> ()
      %dma_start3A = arith.constant 0 : i32
      %dma_start3A_31 = arith.constant 0 : i32
      %dma_start3A_32 = tpu.memref_slice %arg4[%dma_start3A, %dma_start3A_31] : memref<10000x128xf32, #tpu.memory_space<hbm>> -> memref<10000x128xf32, #tpu.memory_space<hbm>>
      tpu.enqueue_indirect_dma source(%dma_start3A_32 : memref<10000x128xf32, #tpu.memory_space<hbm>>) target(%arg12 : memref<128x128xf32, #tpu.memory_space<vmem>>) offsets(%arg10 : memref<128xi32, #tpu.memory_space<vmem>>) semaphore(%arg13 : memref<!tpu.dma_semaphore, #tpu.memory_space<semaphore_mem>>)
      %dma_wait3A = arith.constant 0 : i32
      %dma_wait3A_33 = arith.constant 0 : i32
      %dma_wait3A_34 = tpu.memref_slice %arg4[%dma_wait3A, %dma_wait3A_33] : memref<10000x128xf32, #tpu.memory_space<hbm>> -> memref<10000x128xf32, #tpu.memory_space<hbm>>
      tpu.wait_indirect_dma semaphore(%arg13 : memref<!tpu.dma_semaphore, #tpu.memory_space<semaphore_mem>>) src(%dma_wait3A_34 : memref<10000x128xf32, #tpu.memory_space<hbm>>) dst(%arg12 : memref<128x128xf32, #tpu.memory_space<vmem>>)
      "tpu.region"() ({
        %run_scoped3A = tpu.sem_alloc : memref<!tpu.dma_semaphore, #tpu.memory_space<semaphore_mem>>
        %dma_start3A_35 = arith.constant 0 : i32
        %dma_start3A_36 = arith.constant 0 : i32
        %dma_start3A_37 = tpu.memref_slice %arg9[%dma_start3A_35, %dma_start3A_36] : memref<10112x128xf32, #tpu.memory_space<vmem_shared>> -> memref<10112x128xf32, #tpu.memory_space<vmem_shared>>
        tpu.enqueue_indirect_dma source(%arg12 : memref<128x128xf32, #tpu.memory_space<vmem>>) target(%dma_start3A_37 : memref<10112x128xf32, #tpu.memory_space<vmem_shared>>) offsets(%arg11 : memref<128xi32, #tpu.memory_space<vmem>>) semaphore(%run_scoped3A : memref<!tpu.dma_semaphore, #tpu.memory_space<semaphore_mem>>) {add = true}
        %dma_wait3A_38 = arith.constant 0 : i32
        %dma_wait3A_39 = arith.constant 0 : i32
        %dma_wait3A_40 = tpu.memref_slice %arg9[%dma_wait3A_38, %dma_wait3A_39] : memref<10112x128xf32, #tpu.memory_space<vmem_shared>> -> memref<10112x128xf32, #tpu.memory_space<vmem_shared>>
        tpu.wait_indirect_dma semaphore(%run_scoped3A : memref<!tpu.dma_semaphore, #tpu.memory_space<semaphore_mem>>) src(%arg12 : memref<128x128xf32, #tpu.memory_space<vmem>>) dst(%dma_wait3A_40 : memref<10112x128xf32, #tpu.memory_space<vmem_shared>>)
        tpu.yield
      }) : () -> ()
    }
    %scan3A_7 = arith.constant 79 : i32
    %barrier3A_8 = arith.constant 0 : index
    tpu.barrier barrier_id(%barrier3A_8)
    %mul3A_9 = arith.constant 10112 : i32
    %mul3A_10 = arith.muli %arg0, %mul3A_9 : i32
    %add3A_11 = arith.addi %mul3A_10, %mul3A_2 : i32
    "tpu.region"() ({
      %run_scoped3A = tpu.sem_alloc : memref<!tpu.dma_semaphore, #tpu.memory_space<semaphore_mem>>
      %dma_start3A = arith.constant 0 : i32
      %dma_start3A_25 = tpu.memref_slice %arg7[%add3A_11, %dma_start3A] : memref<20224x128xf32, #tpu.memory_space<hbm>> -> memref<632x128xf32, #tpu.memory_space<hbm>>
      %dma_start3A_26 = arith.constant 0 : i32
      %dma_start3A_27 = tpu.memref_slice %arg9[%mul3A_2, %dma_start3A_26] : memref<10112x128xf32, #tpu.memory_space<vmem_shared>> -> memref<632x128xf32, #tpu.memory_space<vmem_shared>>
      tpu.enqueue_dma source(%dma_start3A_27 : memref<632x128xf32, #tpu.memory_space<vmem_shared>>) target(%dma_start3A_25 : memref<632x128xf32, #tpu.memory_space<hbm>>) target_semaphore(%run_scoped3A : memref<!tpu.dma_semaphore, #tpu.memory_space<semaphore_mem>>)
      %dma_wait3A = arith.constant 0 : i32
      %dma_wait3A_28 = tpu.memref_slice %arg7[%add3A_11, %dma_wait3A] : memref<20224x128xf32, #tpu.memory_space<hbm>> -> memref<632x128xf32, #tpu.memory_space<hbm>>
      %dma_wait3A_29 = arith.constant 0 : i32
      %dma_wait3A_30 = tpu.memref_slice %arg9[%mul3A_2, %dma_wait3A_29] : memref<10112x128xf32, #tpu.memory_space<vmem_shared>> -> memref<632x128xf32, #tpu.memory_space<vmem_shared>>
      tpu.wait_dma2 semaphore(%run_scoped3A : memref<!tpu.dma_semaphore, #tpu.memory_space<semaphore_mem>>) src(%dma_wait3A_30 : memref<632x128xf32, #tpu.memory_space<vmem_shared>>) dst(%dma_wait3A_28 : memref<632x128xf32, #tpu.memory_space<hbm>>)
      tpu.yield
    }) : () -> ()
    %barrier3A_12 = arith.constant 0 : index
    tpu.barrier barrier_id(%barrier3A_12)
    "tpu.region"() ({
      %run_scoped3A = tpu.sem_alloc : memref<!tpu.dma_semaphore, #tpu.memory_space<semaphore_mem>>
      %dma_start3A = arith.constant 0 : i32
      %dma_start3A_25 = tpu.memref_slice %arg9[%mul3A_2, %dma_start3A] : memref<10112x128xf32, #tpu.memory_space<vmem_shared>> -> memref<632x128xf32, #tpu.memory_space<vmem_shared>>
      %dma_start3A_26 = arith.constant 0 : i32
      %dma_start3A_27 = tpu.memref_slice %arg6[%mul3A_2, %dma_start3A_26] : memref<10112x128xf32, #tpu.memory_space<hbm>> -> memref<632x128xf32, #tpu.memory_space<hbm>>
      tpu.enqueue_dma source(%dma_start3A_27 : memref<632x128xf32, #tpu.memory_space<hbm>>) target(%dma_start3A_25 : memref<632x128xf32, #tpu.memory_space<vmem_shared>>) target_semaphore(%run_scoped3A : memref<!tpu.dma_semaphore, #tpu.memory_space<semaphore_mem>>)
      %dma_wait3A = arith.constant 0 : i32
      %dma_wait3A_28 = tpu.memref_slice %arg9[%mul3A_2, %dma_wait3A] : memref<10112x128xf32, #tpu.memory_space<vmem_shared>> -> memref<632x128xf32, #tpu.memory_space<vmem_shared>>
      %dma_wait3A_29 = arith.constant 0 : i32
      %dma_wait3A_30 = tpu.memref_slice %arg6[%mul3A_2, %dma_wait3A_29] : memref<10112x128xf32, #tpu.memory_space<hbm>> -> memref<632x128xf32, #tpu.memory_space<hbm>>
      tpu.wait_dma2 semaphore(%run_scoped3A : memref<!tpu.dma_semaphore, #tpu.memory_space<semaphore_mem>>) src(%dma_wait3A_30 : memref<632x128xf32, #tpu.memory_space<hbm>>) dst(%dma_wait3A_28 : memref<632x128xf32, #tpu.memory_space<vmem_shared>>)
      tpu.yield
    }) : () -> ()
    %barrier3A_13 = arith.constant 0 : index
    tpu.barrier barrier_id(%barrier3A_13)
    %scan3A_14 = arith.constant 0 : i32
    %scan3A_15 = arith.constant 0 : i32
    %scan3A_16 = arith.constant 79 : i32
    %scan3A_17 = arith.addi %scan3A_15, %scan3A_16 : i32
    %scan3A_18 = arith.constant 1 : i32
    scf.for %scan3A_25 = %scan3A_15 to %scan3A_17 step %scan3A_18  : i32 {
      %mul3A_26 = arith.constant 10112 : i32
      %mul3A_27 = arith.muli %add3A, %mul3A_26 : i32
      %mul3A_28 = arith.constant 128 : i32
      %mul3A_29 = arith.muli %scan3A_25, %mul3A_28 : i32
      %add3A_30 = arith.addi %mul3A_27, %mul3A_29 : i32
      "tpu.region"() ({
        %run_scoped3A = tpu.sem_alloc : memref<!tpu.dma_semaphore, #tpu.memory_space<semaphore_mem>>
        %dma_start3A_35 = tpu.memref_slice %arg2[%add3A_30] : memref<323584xi32, #tpu.memory_space<hbm>> -> memref<128xi32, #tpu.memory_space<hbm>>
        %dma_start3A_36 = tpu.memref_slice %arg2[%add3A_30] : memref<323584xi32, #tpu.memory_space<hbm>> -> memref<128xi32, #tpu.memory_space<hbm>>
        tpu.enqueue_dma source(%dma_start3A_36 : memref<128xi32, #tpu.memory_space<hbm>>) target(%arg10 : memref<128xi32, #tpu.memory_space<vmem>>) target_semaphore(%run_scoped3A : memref<!tpu.dma_semaphore, #tpu.memory_space<semaphore_mem>>)
        %dma_wait3A_37 = tpu.memref_slice %arg2[%add3A_30] : memref<323584xi32, #tpu.memory_space<hbm>> -> memref<128xi32, #tpu.memory_space<hbm>>
        %dma_wait3A_38 = tpu.memref_slice %arg2[%add3A_30] : memref<323584xi32, #tpu.memory_space<hbm>> -> memref<128xi32, #tpu.memory_space<hbm>>
        tpu.wait_dma2 semaphore(%run_scoped3A : memref<!tpu.dma_semaphore, #tpu.memory_space<semaphore_mem>>) src(%dma_wait3A_38 : memref<128xi32, #tpu.memory_space<hbm>>) dst(%arg10 : memref<128xi32, #tpu.memory_space<vmem>>)
        tpu.yield
      }) : () -> ()
      "tpu.region"() ({
        %run_scoped3A = tpu.sem_alloc : memref<!tpu.dma_semaphore, #tpu.memory_space<semaphore_mem>>
        %dma_start3A_35 = tpu.memref_slice %arg3[%add3A_30] : memref<323584xi32, #tpu.memory_space<hbm>> -> memref<128xi32, #tpu.memory_space<hbm>>
        %dma_start3A_36 = tpu.memref_slice %arg3[%add3A_30] : memref<323584xi32, #tpu.memory_space<hbm>> -> memref<128xi32, #tpu.memory_space<hbm>>
        tpu.enqueue_dma source(%dma_start3A_36 : memref<128xi32, #tpu.memory_space<hbm>>) target(%arg11 : memref<128xi32, #tpu.memory_space<vmem>>) target_semaphore(%run_scoped3A : memref<!tpu.dma_semaphore, #tpu.memory_space<semaphore_mem>>)
        %dma_wait3A_37 = tpu.memref_slice %arg3[%add3A_30] : memref<323584xi32, #tpu.memory_space<hbm>> -> memref<128xi32, #tpu.memory_space<hbm>>
        %dma_wait3A_38 = tpu.memref_slice %arg3[%add3A_30] : memref<323584xi32, #tpu.memory_space<hbm>> -> memref<128xi32, #tpu.memory_space<hbm>>
        tpu.wait_dma2 semaphore(%run_scoped3A : memref<!tpu.dma_semaphore, #tpu.memory_space<semaphore_mem>>) src(%dma_wait3A_38 : memref<128xi32, #tpu.memory_space<hbm>>) dst(%arg11 : memref<128xi32, #tpu.memory_space<vmem>>)
        tpu.yield
      }) : () -> ()
      %dma_start3A = arith.constant 0 : i32
      %dma_start3A_31 = arith.constant 0 : i32
      %dma_start3A_32 = tpu.memref_slice %arg5[%dma_start3A, %dma_start3A_31] : memref<10000x128xf32, #tpu.memory_space<hbm>> -> memref<10000x128xf32, #tpu.memory_space<hbm>>
      tpu.enqueue_indirect_dma source(%dma_start3A_32 : memref<10000x128xf32, #tpu.memory_space<hbm>>) target(%arg12 : memref<128x128xf32, #tpu.memory_space<vmem>>) offsets(%arg10 : memref<128xi32, #tpu.memory_space<vmem>>) semaphore(%arg13 : memref<!tpu.dma_semaphore, #tpu.memory_space<semaphore_mem>>)
      %dma_wait3A = arith.constant 0 : i32
      %dma_wait3A_33 = arith.constant 0 : i32
      %dma_wait3A_34 = tpu.memref_slice %arg5[%dma_wait3A, %dma_wait3A_33] : memref<10000x128xf32, #tpu.memory_space<hbm>> -> memref<10000x128xf32, #tpu.memory_space<hbm>>
      tpu.wait_indirect_dma semaphore(%arg13 : memref<!tpu.dma_semaphore, #tpu.memory_space<semaphore_mem>>) src(%dma_wait3A_34 : memref<10000x128xf32, #tpu.memory_space<hbm>>) dst(%arg12 : memref<128x128xf32, #tpu.memory_space<vmem>>)
      "tpu.region"() ({
        %run_scoped3A = tpu.sem_alloc : memref<!tpu.dma_semaphore, #tpu.memory_space<semaphore_mem>>
        %dma_start3A_35 = arith.constant 0 : i32
        %dma_start3A_36 = arith.constant 0 : i32
        %dma_start3A_37 = tpu.memref_slice %arg9[%dma_start3A_35, %dma_start3A_36] : memref<10112x128xf32, #tpu.memory_space<vmem_shared>> -> memref<10112x128xf32, #tpu.memory_space<vmem_shared>>
        tpu.enqueue_indirect_dma source(%arg12 : memref<128x128xf32, #tpu.memory_space<vmem>>) target(%dma_start3A_37 : memref<10112x128xf32, #tpu.memory_space<vmem_shared>>) offsets(%arg11 : memref<128xi32, #tpu.memory_space<vmem>>) semaphore(%run_scoped3A : memref<!tpu.dma_semaphore, #tpu.memory_space<semaphore_mem>>) {add = true}
        %dma_wait3A_38 = arith.constant 0 : i32
        %dma_wait3A_39 = arith.constant 0 : i32
        %dma_wait3A_40 = tpu.memref_slice %arg9[%dma_wait3A_38, %dma_wait3A_39] : memref<10112x128xf32, #tpu.memory_space<vmem_shared>> -> memref<10112x128xf32, #tpu.memory_space<vmem_shared>>
        tpu.wait_indirect_dma semaphore(%run_scoped3A : memref<!tpu.dma_semaphore, #tpu.memory_space<semaphore_mem>>) src(%arg12 : memref<128x128xf32, #tpu.memory_space<vmem>>) dst(%dma_wait3A_40 : memref<10112x128xf32, #tpu.memory_space<vmem_shared>>)
        tpu.yield
      }) : () -> ()
    }
    %scan3A_19 = arith.constant 79 : i32
    %barrier3A_20 = arith.constant 0 : index
    tpu.barrier barrier_id(%barrier3A_20)
    %mul3A_21 = arith.constant 10112 : i32
    %mul3A_22 = arith.muli %arg0, %mul3A_21 : i32
    %add3A_23 = arith.addi %mul3A_22, %mul3A_2 : i32
    "tpu.region"() ({
      %run_scoped3A = tpu.sem_alloc : memref<!tpu.dma_semaphore, #tpu.memory_space<semaphore_mem>>
      %dma_start3A = arith.constant 0 : i32
      %dma_start3A_25 = tpu.memref_slice %arg8[%add3A_23, %dma_start3A] : memref<20224x128xf32, #tpu.memory_space<hbm>> -> memref<632x128xf32, #tpu.memory_space<hbm>>
      %dma_start3A_26 = arith.constant 0 : i32
      %dma_start3A_27 = tpu.memref_slice %arg9[%mul3A_2, %dma_start3A_26] : memref<10112x128xf32, #tpu.memory_space<vmem_shared>> -> memref<632x128xf32, #tpu.memory_space<vmem_shared>>
      tpu.enqueue_dma source(%dma_start3A_27 : memref<632x128xf32, #tpu.memory_space<vmem_shared>>) target(%dma_start3A_25 : memref<632x128xf32, #tpu.memory_space<hbm>>) target_semaphore(%run_scoped3A : memref<!tpu.dma_semaphore, #tpu.memory_space<semaphore_mem>>)
      %dma_wait3A = arith.constant 0 : i32
      %dma_wait3A_28 = tpu.memref_slice %arg8[%add3A_23, %dma_wait3A] : memref<20224x128xf32, #tpu.memory_space<hbm>> -> memref<632x128xf32, #tpu.memory_space<hbm>>
      %dma_wait3A_29 = arith.constant 0 : i32
      %dma_wait3A_30 = tpu.memref_slice %arg9[%mul3A_2, %dma_wait3A_29] : memref<10112x128xf32, #tpu.memory_space<vmem_shared>> -> memref<632x128xf32, #tpu.memory_space<vmem_shared>>
      tpu.wait_dma2 semaphore(%run_scoped3A : memref<!tpu.dma_semaphore, #tpu.memory_space<semaphore_mem>>) src(%dma_wait3A_30 : memref<632x128xf32, #tpu.memory_space<vmem_shared>>) dst(%dma_wait3A_28 : memref<632x128xf32, #tpu.memory_space<hbm>>)
      tpu.yield
    }) : () -> ()
    %barrier3A_24 = arith.constant 0 : index
    tpu.barrier barrier_id(%barrier3A_24)
    return
  }
}

#map = affine_map<(d0, d1) -> (0)>
#map1 = affine_map<(d0, d1) -> (0, 0)>
module attributes {stable_mosaic.version = 14 : i64} {
  func.func @_hsum_body(%arg0: i32, %arg1: i32, %arg2: memref<323584xi32, #tpu.memory_space<hbm>>, %arg3: memref<323584xi32, #tpu.memory_space<hbm>>, %arg4: memref<10000x128xf32, #tpu.memory_space<hbm>>, %arg5: memref<10000x128xf32, #tpu.memory_space<hbm>>, %arg6: memref<10112x128xf32, #tpu.memory_space<hbm>>, %arg7: memref<20224x128xf32, #tpu.memory_space<hbm>>, %arg8: memref<20224x128xf32, #tpu.memory_space<hbm>>, %arg9: memref<10112x128xf32, #tpu.memory_space<vmem_shared>>, %arg10: memref<128xi32, #tpu.memory_space<vmem>>, %arg11: memref<128xi32, #tpu.memory_space<vmem>>, %arg12: memref<128x128xf32, #tpu.memory_space<vmem>>, %arg13: memref<!tpu.dma_semaphore, #tpu.memory_space<semaphore_mem>>) attributes {dimension_semantics = [#tpu.dimension_semantics<core_parallel>, #tpu.dimension_semantics<subcore_parallel>], iteration_bounds = array<i64: 2, 16>, scalar_prefetch = 0 : i64, scratch_operands = 5 : i64, tpu.core_type = #tpu.core_type<sc_vector_subcore>, window_params = [{transform_indices = #map}, {transform_indices = #map}, {transform_indices = #map1}, {transform_indices = #map1}, {transform_indices = #map1}, {transform_indices = #map1}, {transform_indices = #map1}]} {
    %mul3A = arith.constant 16 : i32
    %mul3A_0 = arith.muli %arg0, %mul3A : i32
    %add3A = arith.addi %mul3A_0, %arg1 : i32
    %mul3A_1 = arith.constant 632 : i32
    %mul3A_2 = arith.muli %arg1, %mul3A_1 : i32
    "tpu.region"() ({
      %run_scoped3A = tpu.sem_alloc : memref<!tpu.dma_semaphore, #tpu.memory_space<semaphore_mem>>
      %dma_start3A = arith.constant 0 : i32
      %dma_start3A_25 = tpu.memref_slice %arg9[%mul3A_2, %dma_start3A] : memref<10112x128xf32, #tpu.memory_space<vmem_shared>> -> memref<632x128xf32, #tpu.memory_space<vmem_shared>>
      %dma_start3A_26 = arith.constant 0 : i32
      %dma_start3A_27 = tpu.memref_slice %arg6[%mul3A_2, %dma_start3A_26] : memref<10112x128xf32, #tpu.memory_space<hbm>> -> memref<632x128xf32, #tpu.memory_space<hbm>>
      tpu.enqueue_dma source(%dma_start3A_27 : memref<632x128xf32, #tpu.memory_space<hbm>>) target(%dma_start3A_25 : memref<632x128xf32, #tpu.memory_space<vmem_shared>>) target_semaphore(%run_scoped3A : memref<!tpu.dma_semaphore, #tpu.memory_space<semaphore_mem>>)
      %dma_wait3A = arith.constant 0 : i32
      %dma_wait3A_28 = tpu.memref_slice %arg9[%mul3A_2, %dma_wait3A] : memref<10112x128xf32, #tpu.memory_space<vmem_shared>> -> memref<632x128xf32, #tpu.memory_space<vmem_shared>>
      %dma_wait3A_29 = arith.constant 0 : i32
      %dma_wait3A_30 = tpu.memref_slice %arg6[%mul3A_2, %dma_wait3A_29] : memref<10112x128xf32, #tpu.memory_space<hbm>> -> memref<632x128xf32, #tpu.memory_space<hbm>>
      tpu.wait_dma2 semaphore(%run_scoped3A : memref<!tpu.dma_semaphore, #tpu.memory_space<semaphore_mem>>) src(%dma_wait3A_30 : memref<632x128xf32, #tpu.memory_space<hbm>>) dst(%dma_wait3A_28 : memref<632x128xf32, #tpu.memory_space<vmem_shared>>)
      tpu.yield
    }) : () -> ()
    %barrier3A = arith.constant 0 : index
    tpu.barrier barrier_id(%barrier3A)
    %scan3A = arith.constant 0 : i32
    %scan3A_3 = arith.constant 0 : i32
    %scan3A_4 = arith.constant 79 : i32
    %scan3A_5 = arith.addi %scan3A_3, %scan3A_4 : i32
    %scan3A_6 = arith.constant 1 : i32
    scf.for %scan3A_25 = %scan3A_3 to %scan3A_5 step %scan3A_6  : i32 {
      %mul3A_26 = arith.constant 10112 : i32
      %mul3A_27 = arith.muli %add3A, %mul3A_26 : i32
      %mul3A_28 = arith.constant 128 : i32
      %mul3A_29 = arith.muli %scan3A_25, %mul3A_28 : i32
      %add3A_30 = arith.addi %mul3A_27, %mul3A_29 : i32
      "tpu.region"() ({
        %run_scoped3A = tpu.sem_alloc : memref<!tpu.dma_semaphore, #tpu.memory_space<semaphore_mem>>
        %dma_start3A_35 = tpu.memref_slice %arg2[%add3A_30] : memref<323584xi32, #tpu.memory_space<hbm>> -> memref<128xi32, #tpu.memory_space<hbm>>
        %dma_start3A_36 = tpu.memref_slice %arg2[%add3A_30] : memref<323584xi32, #tpu.memory_space<hbm>> -> memref<128xi32, #tpu.memory_space<hbm>>
        tpu.enqueue_dma source(%dma_start3A_36 : memref<128xi32, #tpu.memory_space<hbm>>) target(%arg10 : memref<128xi32, #tpu.memory_space<vmem>>) target_semaphore(%run_scoped3A : memref<!tpu.dma_semaphore, #tpu.memory_space<semaphore_mem>>)
        %dma_wait3A_37 = tpu.memref_slice %arg2[%add3A_30] : memref<323584xi32, #tpu.memory_space<hbm>> -> memref<128xi32, #tpu.memory_space<hbm>>
        %dma_wait3A_38 = tpu.memref_slice %arg2[%add3A_30] : memref<323584xi32, #tpu.memory_space<hbm>> -> memref<128xi32, #tpu.memory_space<hbm>>
        tpu.wait_dma2 semaphore(%run_scoped3A : memref<!tpu.dma_semaphore, #tpu.memory_space<semaphore_mem>>) src(%dma_wait3A_38 : memref<128xi32, #tpu.memory_space<hbm>>) dst(%arg10 : memref<128xi32, #tpu.memory_space<vmem>>)
        tpu.yield
      }) : () -> ()
      "tpu.region"() ({
        %run_scoped3A = tpu.sem_alloc : memref<!tpu.dma_semaphore, #tpu.memory_space<semaphore_mem>>
        %dma_start3A_35 = tpu.memref_slice %arg3[%add3A_30] : memref<323584xi32, #tpu.memory_space<hbm>> -> memref<128xi32, #tpu.memory_space<hbm>>
        %dma_start3A_36 = tpu.memref_slice %arg3[%add3A_30] : memref<323584xi32, #tpu.memory_space<hbm>> -> memref<128xi32, #tpu.memory_space<hbm>>
        tpu.enqueue_dma source(%dma_start3A_36 : memref<128xi32, #tpu.memory_space<hbm>>) target(%arg11 : memref<128xi32, #tpu.memory_space<vmem>>) target_semaphore(%run_scoped3A : memref<!tpu.dma_semaphore, #tpu.memory_space<semaphore_mem>>)
        %dma_wait3A_37 = tpu.memref_slice %arg3[%add3A_30] : memref<323584xi32, #tpu.memory_space<hbm>> -> memref<128xi32, #tpu.memory_space<hbm>>
        %dma_wait3A_38 = tpu.memref_slice %arg3[%add3A_30] : memref<323584xi32, #tpu.memory_space<hbm>> -> memref<128xi32, #tpu.memory_space<hbm>>
        tpu.wait_dma2 semaphore(%run_scoped3A : memref<!tpu.dma_semaphore, #tpu.memory_space<semaphore_mem>>) src(%dma_wait3A_38 : memref<128xi32, #tpu.memory_space<hbm>>) dst(%arg11 : memref<128xi32, #tpu.memory_space<vmem>>)
        tpu.yield
      }) : () -> ()
      %dma_start3A = arith.constant 0 : i32
      %dma_start3A_31 = arith.constant 0 : i32
      %dma_start3A_32 = tpu.memref_slice %arg4[%dma_start3A, %dma_start3A_31] : memref<10000x128xf32, #tpu.memory_space<hbm>> -> memref<10000x128xf32, #tpu.memory_space<hbm>>
      tpu.enqueue_indirect_dma source(%dma_start3A_32 : memref<10000x128xf32, #tpu.memory_space<hbm>>) target(%arg12 : memref<128x128xf32, #tpu.memory_space<vmem>>) offsets(%arg10 : memref<128xi32, #tpu.memory_space<vmem>>) semaphore(%arg13 : memref<!tpu.dma_semaphore, #tpu.memory_space<semaphore_mem>>)
      %dma_wait3A = arith.constant 0 : i32
      %dma_wait3A_33 = arith.constant 0 : i32
      %dma_wait3A_34 = tpu.memref_slice %arg4[%dma_wait3A, %dma_wait3A_33] : memref<10000x128xf32, #tpu.memory_space<hbm>> -> memref<10000x128xf32, #tpu.memory_space<hbm>>
      tpu.wait_indirect_dma semaphore(%arg13 : memref<!tpu.dma_semaphore, #tpu.memory_space<semaphore_mem>>) src(%dma_wait3A_34 : memref<10000x128xf32, #tpu.memory_space<hbm>>) dst(%arg12 : memref<128x128xf32, #tpu.memory_space<vmem>>)
      "tpu.region"() ({
        %run_scoped3A = tpu.sem_alloc : memref<!tpu.dma_semaphore, #tpu.memory_space<semaphore_mem>>
        %dma_start3A_35 = arith.constant 0 : i32
        %dma_start3A_36 = arith.constant 0 : i32
        %dma_start3A_37 = tpu.memref_slice %arg9[%dma_start3A_35, %dma_start3A_36] : memref<10112x128xf32, #tpu.memory_space<vmem_shared>> -> memref<10112x128xf32, #tpu.memory_space<vmem_shared>>
        tpu.enqueue_indirect_dma source(%arg12 : memref<128x128xf32, #tpu.memory_space<vmem>>) target(%dma_start3A_37 : memref<10112x128xf32, #tpu.memory_space<vmem_shared>>) offsets(%arg11 : memref<128xi32, #tpu.memory_space<vmem>>) semaphore(%run_scoped3A : memref<!tpu.dma_semaphore, #tpu.memory_space<semaphore_mem>>) {add = true}
        %dma_wait3A_38 = arith.constant 0 : i32
        %dma_wait3A_39 = arith.constant 0 : i32
        %dma_wait3A_40 = tpu.memref_slice %arg9[%dma_wait3A_38, %dma_wait3A_39] : memref<10112x128xf32, #tpu.memory_space<vmem_shared>> -> memref<10112x128xf32, #tpu.memory_space<vmem_shared>>
        tpu.wait_indirect_dma semaphore(%run_scoped3A : memref<!tpu.dma_semaphore, #tpu.memory_space<semaphore_mem>>) src(%arg12 : memref<128x128xf32, #tpu.memory_space<vmem>>) dst(%dma_wait3A_40 : memref<10112x128xf32, #tpu.memory_space<vmem_shared>>)
        tpu.yield
      }) : () -> ()
    }
    %scan3A_7 = arith.constant 79 : i32
    %barrier3A_8 = arith.constant 0 : index
    tpu.barrier barrier_id(%barrier3A_8)
    %mul3A_9 = arith.constant 10112 : i32
    %mul3A_10 = arith.muli %arg0, %mul3A_9 : i32
    %add3A_11 = arith.addi %mul3A_10, %mul3A_2 : i32
    "tpu.region"() ({
      %run_scoped3A = tpu.sem_alloc : memref<!tpu.dma_semaphore, #tpu.memory_space<semaphore_mem>>
      %dma_start3A = arith.constant 0 : i32
      %dma_start3A_25 = tpu.memref_slice %arg7[%add3A_11, %dma_start3A] : memref<20224x128xf32, #tpu.memory_space<hbm>> -> memref<632x128xf32, #tpu.memory_space<hbm>>
      %dma_start3A_26 = arith.constant 0 : i32
      %dma_start3A_27 = tpu.memref_slice %arg9[%mul3A_2, %dma_start3A_26] : memref<10112x128xf32, #tpu.memory_space<vmem_shared>> -> memref<632x128xf32, #tpu.memory_space<vmem_shared>>
      tpu.enqueue_dma source(%dma_start3A_27 : memref<632x128xf32, #tpu.memory_space<vmem_shared>>) target(%dma_start3A_25 : memref<632x128xf32, #tpu.memory_space<hbm>>) target_semaphore(%run_scoped3A : memref<!tpu.dma_semaphore, #tpu.memory_space<semaphore_mem>>)
      %dma_wait3A = arith.constant 0 : i32
      %dma_wait3A_28 = tpu.memref_slice %arg7[%add3A_11, %dma_wait3A] : memref<20224x128xf32, #tpu.memory_space<hbm>> -> memref<632x128xf32, #tpu.memory_space<hbm>>
      %dma_wait3A_29 = arith.constant 0 : i32
      %dma_wait3A_30 = tpu.memref_slice %arg9[%mul3A_2, %dma_wait3A_29] : memref<10112x128xf32, #tpu.memory_space<vmem_shared>> -> memref<632x128xf32, #tpu.memory_space<vmem_shared>>
      tpu.wait_dma2 semaphore(%run_scoped3A : memref<!tpu.dma_semaphore, #tpu.memory_space<semaphore_mem>>) src(%dma_wait3A_30 : memref<632x128xf32, #tpu.memory_space<vmem_shared>>) dst(%dma_wait3A_28 : memref<632x128xf32, #tpu.memory_space<hbm>>)
      tpu.yield
    }) : () -> ()
    %barrier3A_12 = arith.constant 0 : index
    tpu.barrier barrier_id(%barrier3A_12)
    "tpu.region"() ({
      %run_scoped3A = tpu.sem_alloc : memref<!tpu.dma_semaphore, #tpu.memory_space<semaphore_mem>>
      %dma_start3A = arith.constant 0 : i32
      %dma_start3A_25 = tpu.memref_slice %arg9[%mul3A_2, %dma_start3A] : memref<10112x128xf32, #tpu.memory_space<vmem_shared>> -> memref<632x128xf32, #tpu.memory_space<vmem_shared>>
      %dma_start3A_26 = arith.constant 0 : i32
      %dma_start3A_27 = tpu.memref_slice %arg6[%mul3A_2, %dma_start3A_26] : memref<10112x128xf32, #tpu.memory_space<hbm>> -> memref<632x128xf32, #tpu.memory_space<hbm>>
      tpu.enqueue_dma source(%dma_start3A_27 : memref<632x128xf32, #tpu.memory_space<hbm>>) target(%dma_start3A_25 : memref<632x128xf32, #tpu.memory_space<vmem_shared>>) target_semaphore(%run_scoped3A : memref<!tpu.dma_semaphore, #tpu.memory_space<semaphore_mem>>)
      %dma_wait3A = arith.constant 0 : i32
      %dma_wait3A_28 = tpu.memref_slice %arg9[%mul3A_2, %dma_wait3A] : memref<10112x128xf32, #tpu.memory_space<vmem_shared>> -> memref<632x128xf32, #tpu.memory_space<vmem_shared>>
      %dma_wait3A_29 = arith.constant 0 : i32
      %dma_wait3A_30 = tpu.memref_slice %arg6[%mul3A_2, %dma_wait3A_29] : memref<10112x128xf32, #tpu.memory_space<hbm>> -> memref<632x128xf32, #tpu.memory_space<hbm>>
      tpu.wait_dma2 semaphore(%run_scoped3A : memref<!tpu.dma_semaphore, #tpu.memory_space<semaphore_mem>>) src(%dma_wait3A_30 : memref<632x128xf32, #tpu.memory_space<hbm>>) dst(%dma_wait3A_28 : memref<632x128xf32, #tpu.memory_space<vmem_shared>>)
      tpu.yield
    }) : () -> ()
    %barrier3A_13 = arith.constant 0 : index
    tpu.barrier barrier_id(%barrier3A_13)
    %scan3A_14 = arith.constant 0 : i32
    %scan3A_15 = arith.constant 0 : i32
    %scan3A_16 = arith.constant 79 : i32
    %scan3A_17 = arith.addi %scan3A_15, %scan3A_16 : i32
    %scan3A_18 = arith.constant 1 : i32
    scf.for %scan3A_25 = %scan3A_15 to %scan3A_17 step %scan3A_18  : i32 {
      %mul3A_26 = arith.constant 10112 : i32
      %mul3A_27 = arith.muli %add3A, %mul3A_26 : i32
      %mul3A_28 = arith.constant 128 : i32
      %mul3A_29 = arith.muli %scan3A_25, %mul3A_28 : i32
      %add3A_30 = arith.addi %mul3A_27, %mul3A_29 : i32
      "tpu.region"() ({
        %run_scoped3A = tpu.sem_alloc : memref<!tpu.dma_semaphore, #tpu.memory_space<semaphore_mem>>
        %dma_start3A_35 = tpu.memref_slice %arg2[%add3A_30] : memref<323584xi32, #tpu.memory_space<hbm>> -> memref<128xi32, #tpu.memory_space<hbm>>
        %dma_start3A_36 = tpu.memref_slice %arg2[%add3A_30] : memref<323584xi32, #tpu.memory_space<hbm>> -> memref<128xi32, #tpu.memory_space<hbm>>
        tpu.enqueue_dma source(%dma_start3A_36 : memref<128xi32, #tpu.memory_space<hbm>>) target(%arg10 : memref<128xi32, #tpu.memory_space<vmem>>) target_semaphore(%run_scoped3A : memref<!tpu.dma_semaphore, #tpu.memory_space<semaphore_mem>>)
        %dma_wait3A_37 = tpu.memref_slice %arg2[%add3A_30] : memref<323584xi32, #tpu.memory_space<hbm>> -> memref<128xi32, #tpu.memory_space<hbm>>
        %dma_wait3A_38 = tpu.memref_slice %arg2[%add3A_30] : memref<323584xi32, #tpu.memory_space<hbm>> -> memref<128xi32, #tpu.memory_space<hbm>>
        tpu.wait_dma2 semaphore(%run_scoped3A : memref<!tpu.dma_semaphore, #tpu.memory_space<semaphore_mem>>) src(%dma_wait3A_38 : memref<128xi32, #tpu.memory_space<hbm>>) dst(%arg10 : memref<128xi32, #tpu.memory_space<vmem>>)
        tpu.yield
      }) : () -> ()
      "tpu.region"() ({
        %run_scoped3A = tpu.sem_alloc : memref<!tpu.dma_semaphore, #tpu.memory_space<semaphore_mem>>
        %dma_start3A_35 = tpu.memref_slice %arg3[%add3A_30] : memref<323584xi32, #tpu.memory_space<hbm>> -> memref<128xi32, #tpu.memory_space<hbm>>
        %dma_start3A_36 = tpu.memref_slice %arg3[%add3A_30] : memref<323584xi32, #tpu.memory_space<hbm>> -> memref<128xi32, #tpu.memory_space<hbm>>
        tpu.enqueue_dma source(%dma_start3A_36 : memref<128xi32, #tpu.memory_space<hbm>>) target(%arg11 : memref<128xi32, #tpu.memory_space<vmem>>) target_semaphore(%run_scoped3A : memref<!tpu.dma_semaphore, #tpu.memory_space<semaphore_mem>>)
        %dma_wait3A_37 = tpu.memref_slice %arg3[%add3A_30] : memref<323584xi32, #tpu.memory_space<hbm>> -> memref<128xi32, #tpu.memory_space<hbm>>
        %dma_wait3A_38 = tpu.memref_slice %arg3[%add3A_30] : memref<323584xi32, #tpu.memory_space<hbm>> -> memref<128xi32, #tpu.memory_space<hbm>>
        tpu.wait_dma2 semaphore(%run_scoped3A : memref<!tpu.dma_semaphore, #tpu.memory_space<semaphore_mem>>) src(%dma_wait3A_38 : memref<128xi32, #tpu.memory_space<hbm>>) dst(%arg11 : memref<128xi32, #tpu.memory_space<vmem>>)
        tpu.yield
      }) : () -> ()
      %dma_start3A = arith.constant 0 : i32
      %dma_start3A_31 = arith.constant 0 : i32
      %dma_start3A_32 = tpu.memref_slice %arg5[%dma_start3A, %dma_start3A_31] : memref<10000x128xf32, #tpu.memory_space<hbm>> -> memref<10000x128xf32, #tpu.memory_space<hbm>>
      tpu.enqueue_indirect_dma source(%dma_start3A_32 : memref<10000x128xf32, #tpu.memory_space<hbm>>) target(%arg12 : memref<128x128xf32, #tpu.memory_space<vmem>>) offsets(%arg10 : memref<128xi32, #tpu.memory_space<vmem>>) semaphore(%arg13 : memref<!tpu.dma_semaphore, #tpu.memory_space<semaphore_mem>>)
      %dma_wait3A = arith.constant 0 : i32
      %dma_wait3A_33 = arith.constant 0 : i32
      %dma_wait3A_34 = tpu.memref_slice %arg5[%dma_wait3A, %dma_wait3A_33] : memref<10000x128xf32, #tpu.memory_space<hbm>> -> memref<10000x128xf32, #tpu.memory_space<hbm>>
      tpu.wait_indirect_dma semaphore(%arg13 : memref<!tpu.dma_semaphore, #tpu.memory_space<semaphore_mem>>) src(%dma_wait3A_34 : memref<10000x128xf32, #tpu.memory_space<hbm>>) dst(%arg12 : memref<128x128xf32, #tpu.memory_space<vmem>>)
      "tpu.region"() ({
        %run_scoped3A = tpu.sem_alloc : memref<!tpu.dma_semaphore, #tpu.memory_space<semaphore_mem>>
        %dma_start3A_35 = arith.constant 0 : i32
        %dma_start3A_36 = arith.constant 0 : i32
        %dma_start3A_37 = tpu.memref_slice %arg9[%dma_start3A_35, %dma_start3A_36] : memref<10112x128xf32, #tpu.memory_space<vmem_shared>> -> memref<10112x128xf32, #tpu.memory_space<vmem_shared>>
        tpu.enqueue_indirect_dma source(%arg12 : memref<128x128xf32, #tpu.memory_space<vmem>>) target(%dma_start3A_37 : memref<10112x128xf32, #tpu.memory_space<vmem_shared>>) offsets(%arg11 : memref<128xi32, #tpu.memory_space<vmem>>) semaphore(%run_scoped3A : memref<!tpu.dma_semaphore, #tpu.memory_space<semaphore_mem>>) {add = true}
        %dma_wait3A_38 = arith.constant 0 : i32
        %dma_wait3A_39 = arith.constant 0 : i32
        %dma_wait3A_40 = tpu.memref_slice %arg9[%dma_wait3A_38, %dma_wait3A_39] : memref<10112x128xf32, #tpu.memory_space<vmem_shared>> -> memref<10112x128xf32, #tpu.memory_space<vmem_shared>>
        tpu.wait_indirect_dma semaphore(%run_scoped3A : memref<!tpu.dma_semaphore, #tpu.memory_space<semaphore_mem>>) src(%arg12 : memref<128x128xf32, #tpu.memory_space<vmem>>) dst(%dma_wait3A_40 : memref<10112x128xf32, #tpu.memory_space<vmem_shared>>)
        tpu.yield
      }) : () -> ()
    }
    %scan3A_19 = arith.constant 79 : i32
    %barrier3A_20 = arith.constant 0 : index
    tpu.barrier barrier_id(%barrier3A_20)
    %mul3A_21 = arith.constant 10112 : i32
    %mul3A_22 = arith.muli %arg0, %mul3A_21 : i32
    %add3A_23 = arith.addi %mul3A_22, %mul3A_2 : i32
    "tpu.region"() ({
      %run_scoped3A = tpu.sem_alloc : memref<!tpu.dma_semaphore, #tpu.memory_space<semaphore_mem>>
      %dma_start3A = arith.constant 0 : i32
      %dma_start3A_25 = tpu.memref_slice %arg8[%add3A_23, %dma_start3A] : memref<20224x128xf32, #tpu.memory_space<hbm>> -> memref<632x128xf32, #tpu.memory_space<hbm>>
      %dma_start3A_26 = arith.constant 0 : i32
      %dma_start3A_27 = tpu.memref_slice %arg9[%mul3A_2, %dma_start3A_26] : memref<10112x128xf32, #tpu.memory_space<vmem_shared>> -> memref<632x128xf32, #tpu.memory_space<vmem_shared>>
      tpu.enqueue_dma source(%dma_start3A_27 : memref<632x128xf32, #tpu.memory_space<vmem_shared>>) target(%dma_start3A_25 : memref<632x128xf32, #tpu.memory_space<hbm>>) target_semaphore(%run_scoped3A : memref<!tpu.dma_semaphore, #tpu.memory_space<semaphore_mem>>)
      %dma_wait3A = arith.constant 0 : i32
      %dma_wait3A_28 = tpu.memref_slice %arg8[%add3A_23, %dma_wait3A] : memref<20224x128xf32, #tpu.memory_space<hbm>> -> memref<632x128xf32, #tpu.memory_space<hbm>>
      %dma_wait3A_29 = arith.constant 0 : i32
      %dma_wait3A_30 = tpu.memref_slice %arg9[%mul3A_2, %dma_wait3A_29] : memref<10112x128xf32, #tpu.memory_space<vmem_shared>> -> memref<632x128xf32, #tpu.memory_space<vmem_shared>>
      tpu.wait_dma2 semaphore(%run_scoped3A : memref<!tpu.dma_semaphore, #tpu.memory_space<semaphore_mem>>) src(%dma_wait3A_30 : memref<632x128xf32, #tpu.memory_space<vmem_shared>>) dst(%dma_wait3A_28 : memref<632x128xf32, #tpu.memory_space<hbm>>)
      tpu.yield
    }) : () -> ()
    %barrier3A_24 = arith.constant 0 : index
    tpu.barrier barrier_id(%barrier3A_24)
    return
  }
}

#map = affine_map<(d0, d1) -> (0)>
#map1 = affine_map<(d0, d1) -> (0, 0)>
module attributes {stable_mosaic.version = 14 : i64} {
  func.func @_hsum_body(%arg0: i32, %arg1: i32, %arg2: memref<323584xi32, #tpu.memory_space<hbm>>, %arg3: memref<323584xi32, #tpu.memory_space<hbm>>, %arg4: memref<10000x128xf32, #tpu.memory_space<hbm>>, %arg5: memref<10000x128xf32, #tpu.memory_space<hbm>>, %arg6: memref<10112x128xf32, #tpu.memory_space<hbm>>, %arg7: memref<20224x128xf32, #tpu.memory_space<hbm>>, %arg8: memref<20224x128xf32, #tpu.memory_space<hbm>>, %arg9: memref<10112x128xf32, #tpu.memory_space<vmem_shared>>, %arg10: memref<128xi32, #tpu.memory_space<vmem>>, %arg11: memref<128xi32, #tpu.memory_space<vmem>>, %arg12: memref<128x128xf32, #tpu.memory_space<vmem>>, %arg13: memref<!tpu.dma_semaphore, #tpu.memory_space<semaphore_mem>>) attributes {dimension_semantics = [#tpu.dimension_semantics<core_parallel>, #tpu.dimension_semantics<subcore_parallel>], iteration_bounds = array<i64: 2, 16>, scalar_prefetch = 0 : i64, scratch_operands = 5 : i64, tpu.core_type = #tpu.core_type<sc_vector_subcore>, window_params = [{transform_indices = #map}, {transform_indices = #map}, {transform_indices = #map1}, {transform_indices = #map1}, {transform_indices = #map1}, {transform_indices = #map1}, {transform_indices = #map1}]} {
    %mul3A = arith.constant 16 : i32
    %mul3A_0 = arith.muli %arg0, %mul3A : i32
    %add3A = arith.addi %mul3A_0, %arg1 : i32
    %mul3A_1 = arith.constant 632 : i32
    %mul3A_2 = arith.muli %arg1, %mul3A_1 : i32
    "tpu.region"() ({
      %run_scoped3A = tpu.sem_alloc : memref<!tpu.dma_semaphore, #tpu.memory_space<semaphore_mem>>
      %dma_start3A = arith.constant 0 : i32
      %dma_start3A_25 = tpu.memref_slice %arg9[%mul3A_2, %dma_start3A] : memref<10112x128xf32, #tpu.memory_space<vmem_shared>> -> memref<632x128xf32, #tpu.memory_space<vmem_shared>>
      %dma_start3A_26 = arith.constant 0 : i32
      %dma_start3A_27 = tpu.memref_slice %arg6[%mul3A_2, %dma_start3A_26] : memref<10112x128xf32, #tpu.memory_space<hbm>> -> memref<632x128xf32, #tpu.memory_space<hbm>>
      tpu.enqueue_dma source(%dma_start3A_27 : memref<632x128xf32, #tpu.memory_space<hbm>>) target(%dma_start3A_25 : memref<632x128xf32, #tpu.memory_space<vmem_shared>>) target_semaphore(%run_scoped3A : memref<!tpu.dma_semaphore, #tpu.memory_space<semaphore_mem>>)
      %dma_wait3A = arith.constant 0 : i32
      %dma_wait3A_28 = tpu.memref_slice %arg9[%mul3A_2, %dma_wait3A] : memref<10112x128xf32, #tpu.memory_space<vmem_shared>> -> memref<632x128xf32, #tpu.memory_space<vmem_shared>>
      %dma_wait3A_29 = arith.constant 0 : i32
      %dma_wait3A_30 = tpu.memref_slice %arg6[%mul3A_2, %dma_wait3A_29] : memref<10112x128xf32, #tpu.memory_space<hbm>> -> memref<632x128xf32, #tpu.memory_space<hbm>>
      tpu.wait_dma2 semaphore(%run_scoped3A : memref<!tpu.dma_semaphore, #tpu.memory_space<semaphore_mem>>) src(%dma_wait3A_30 : memref<632x128xf32, #tpu.memory_space<hbm>>) dst(%dma_wait3A_28 : memref<632x128xf32, #tpu.memory_space<vmem_shared>>)
      tpu.yield
    }) : () -> ()
    %barrier3A = arith.constant 0 : index
    tpu.barrier barrier_id(%barrier3A)
    %scan3A = arith.constant 0 : i32
    %scan3A_3 = arith.constant 0 : i32
    %scan3A_4 = arith.constant 79 : i32
    %scan3A_5 = arith.addi %scan3A_3, %scan3A_4 : i32
    %scan3A_6 = arith.constant 1 : i32
    scf.for %scan3A_25 = %scan3A_3 to %scan3A_5 step %scan3A_6  : i32 {
      %mul3A_26 = arith.constant 10112 : i32
      %mul3A_27 = arith.muli %add3A, %mul3A_26 : i32
      %mul3A_28 = arith.constant 128 : i32
      %mul3A_29 = arith.muli %scan3A_25, %mul3A_28 : i32
      %add3A_30 = arith.addi %mul3A_27, %mul3A_29 : i32
      "tpu.region"() ({
        %run_scoped3A = tpu.sem_alloc : memref<!tpu.dma_semaphore, #tpu.memory_space<semaphore_mem>>
        %dma_start3A_35 = tpu.memref_slice %arg2[%add3A_30] : memref<323584xi32, #tpu.memory_space<hbm>> -> memref<128xi32, #tpu.memory_space<hbm>>
        %dma_start3A_36 = tpu.memref_slice %arg2[%add3A_30] : memref<323584xi32, #tpu.memory_space<hbm>> -> memref<128xi32, #tpu.memory_space<hbm>>
        tpu.enqueue_dma source(%dma_start3A_36 : memref<128xi32, #tpu.memory_space<hbm>>) target(%arg10 : memref<128xi32, #tpu.memory_space<vmem>>) target_semaphore(%run_scoped3A : memref<!tpu.dma_semaphore, #tpu.memory_space<semaphore_mem>>)
        %dma_wait3A_37 = tpu.memref_slice %arg2[%add3A_30] : memref<323584xi32, #tpu.memory_space<hbm>> -> memref<128xi32, #tpu.memory_space<hbm>>
        %dma_wait3A_38 = tpu.memref_slice %arg2[%add3A_30] : memref<323584xi32, #tpu.memory_space<hbm>> -> memref<128xi32, #tpu.memory_space<hbm>>
        tpu.wait_dma2 semaphore(%run_scoped3A : memref<!tpu.dma_semaphore, #tpu.memory_space<semaphore_mem>>) src(%dma_wait3A_38 : memref<128xi32, #tpu.memory_space<hbm>>) dst(%arg10 : memref<128xi32, #tpu.memory_space<vmem>>)
        tpu.yield
      }) : () -> ()
      "tpu.region"() ({
        %run_scoped3A = tpu.sem_alloc : memref<!tpu.dma_semaphore, #tpu.memory_space<semaphore_mem>>
        %dma_start3A_35 = tpu.memref_slice %arg3[%add3A_30] : memref<323584xi32, #tpu.memory_space<hbm>> -> memref<128xi32, #tpu.memory_space<hbm>>
        %dma_start3A_36 = tpu.memref_slice %arg3[%add3A_30] : memref<323584xi32, #tpu.memory_space<hbm>> -> memref<128xi32, #tpu.memory_space<hbm>>
        tpu.enqueue_dma source(%dma_start3A_36 : memref<128xi32, #tpu.memory_space<hbm>>) target(%arg11 : memref<128xi32, #tpu.memory_space<vmem>>) target_semaphore(%run_scoped3A : memref<!tpu.dma_semaphore, #tpu.memory_space<semaphore_mem>>)
        %dma_wait3A_37 = tpu.memref_slice %arg3[%add3A_30] : memref<323584xi32, #tpu.memory_space<hbm>> -> memref<128xi32, #tpu.memory_space<hbm>>
        %dma_wait3A_38 = tpu.memref_slice %arg3[%add3A_30] : memref<323584xi32, #tpu.memory_space<hbm>> -> memref<128xi32, #tpu.memory_space<hbm>>
        tpu.wait_dma2 semaphore(%run_scoped3A : memref<!tpu.dma_semaphore, #tpu.memory_space<semaphore_mem>>) src(%dma_wait3A_38 : memref<128xi32, #tpu.memory_space<hbm>>) dst(%arg11 : memref<128xi32, #tpu.memory_space<vmem>>)
        tpu.yield
      }) : () -> ()
      %dma_start3A = arith.constant 0 : i32
      %dma_start3A_31 = arith.constant 0 : i32
      %dma_start3A_32 = tpu.memref_slice %arg4[%dma_start3A, %dma_start3A_31] : memref<10000x128xf32, #tpu.memory_space<hbm>> -> memref<10000x128xf32, #tpu.memory_space<hbm>>
      tpu.enqueue_indirect_dma source(%dma_start3A_32 : memref<10000x128xf32, #tpu.memory_space<hbm>>) target(%arg12 : memref<128x128xf32, #tpu.memory_space<vmem>>) offsets(%arg10 : memref<128xi32, #tpu.memory_space<vmem>>) semaphore(%arg13 : memref<!tpu.dma_semaphore, #tpu.memory_space<semaphore_mem>>)
      %dma_wait3A = arith.constant 0 : i32
      %dma_wait3A_33 = arith.constant 0 : i32
      %dma_wait3A_34 = tpu.memref_slice %arg4[%dma_wait3A, %dma_wait3A_33] : memref<10000x128xf32, #tpu.memory_space<hbm>> -> memref<10000x128xf32, #tpu.memory_space<hbm>>
      tpu.wait_indirect_dma semaphore(%arg13 : memref<!tpu.dma_semaphore, #tpu.memory_space<semaphore_mem>>) src(%dma_wait3A_34 : memref<10000x128xf32, #tpu.memory_space<hbm>>) dst(%arg12 : memref<128x128xf32, #tpu.memory_space<vmem>>)
      "tpu.region"() ({
        %run_scoped3A = tpu.sem_alloc : memref<!tpu.dma_semaphore, #tpu.memory_space<semaphore_mem>>
        %dma_start3A_35 = arith.constant 0 : i32
        %dma_start3A_36 = arith.constant 0 : i32
        %dma_start3A_37 = tpu.memref_slice %arg9[%dma_start3A_35, %dma_start3A_36] : memref<10112x128xf32, #tpu.memory_space<vmem_shared>> -> memref<10112x128xf32, #tpu.memory_space<vmem_shared>>
        tpu.enqueue_indirect_dma source(%arg12 : memref<128x128xf32, #tpu.memory_space<vmem>>) target(%dma_start3A_37 : memref<10112x128xf32, #tpu.memory_space<vmem_shared>>) offsets(%arg11 : memref<128xi32, #tpu.memory_space<vmem>>) semaphore(%run_scoped3A : memref<!tpu.dma_semaphore, #tpu.memory_space<semaphore_mem>>) {add = true}
        %dma_wait3A_38 = arith.constant 0 : i32
        %dma_wait3A_39 = arith.constant 0 : i32
        %dma_wait3A_40 = tpu.memref_slice %arg9[%dma_wait3A_38, %dma_wait3A_39] : memref<10112x128xf32, #tpu.memory_space<vmem_shared>> -> memref<10112x128xf32, #tpu.memory_space<vmem_shared>>
        tpu.wait_indirect_dma semaphore(%run_scoped3A : memref<!tpu.dma_semaphore, #tpu.memory_space<semaphore_mem>>) src(%arg12 : memref<128x128xf32, #tpu.memory_space<vmem>>) dst(%dma_wait3A_40 : memref<10112x128xf32, #tpu.memory_space<vmem_shared>>)
        tpu.yield
      }) : () -> ()
    }
    %scan3A_7 = arith.constant 79 : i32
    %barrier3A_8 = arith.constant 0 : index
    tpu.barrier barrier_id(%barrier3A_8)
    %mul3A_9 = arith.constant 10112 : i32
    %mul3A_10 = arith.muli %arg0, %mul3A_9 : i32
    %add3A_11 = arith.addi %mul3A_10, %mul3A_2 : i32
    "tpu.region"() ({
      %run_scoped3A = tpu.sem_alloc : memref<!tpu.dma_semaphore, #tpu.memory_space<semaphore_mem>>
      %dma_start3A = arith.constant 0 : i32
      %dma_start3A_25 = tpu.memref_slice %arg7[%add3A_11, %dma_start3A] : memref<20224x128xf32, #tpu.memory_space<hbm>> -> memref<632x128xf32, #tpu.memory_space<hbm>>
      %dma_start3A_26 = arith.constant 0 : i32
      %dma_start3A_27 = tpu.memref_slice %arg9[%mul3A_2, %dma_start3A_26] : memref<10112x128xf32, #tpu.memory_space<vmem_shared>> -> memref<632x128xf32, #tpu.memory_space<vmem_shared>>
      tpu.enqueue_dma source(%dma_start3A_27 : memref<632x128xf32, #tpu.memory_space<vmem_shared>>) target(%dma_start3A_25 : memref<632x128xf32, #tpu.memory_space<hbm>>) target_semaphore(%run_scoped3A : memref<!tpu.dma_semaphore, #tpu.memory_space<semaphore_mem>>)
      %dma_wait3A = arith.constant 0 : i32
      %dma_wait3A_28 = tpu.memref_slice %arg7[%add3A_11, %dma_wait3A] : memref<20224x128xf32, #tpu.memory_space<hbm>> -> memref<632x128xf32, #tpu.memory_space<hbm>>
      %dma_wait3A_29 = arith.constant 0 : i32
      %dma_wait3A_30 = tpu.memref_slice %arg9[%mul3A_2, %dma_wait3A_29] : memref<10112x128xf32, #tpu.memory_space<vmem_shared>> -> memref<632x128xf32, #tpu.memory_space<vmem_shared>>
      tpu.wait_dma2 semaphore(%run_scoped3A : memref<!tpu.dma_semaphore, #tpu.memory_space<semaphore_mem>>) src(%dma_wait3A_30 : memref<632x128xf32, #tpu.memory_space<vmem_shared>>) dst(%dma_wait3A_28 : memref<632x128xf32, #tpu.memory_space<hbm>>)
      tpu.yield
    }) : () -> ()
    %barrier3A_12 = arith.constant 0 : index
    tpu.barrier barrier_id(%barrier3A_12)
    "tpu.region"() ({
      %run_scoped3A = tpu.sem_alloc : memref<!tpu.dma_semaphore, #tpu.memory_space<semaphore_mem>>
      %dma_start3A = arith.constant 0 : i32
      %dma_start3A_25 = tpu.memref_slice %arg9[%mul3A_2, %dma_start3A] : memref<10112x128xf32, #tpu.memory_space<vmem_shared>> -> memref<632x128xf32, #tpu.memory_space<vmem_shared>>
      %dma_start3A_26 = arith.constant 0 : i32
      %dma_start3A_27 = tpu.memref_slice %arg6[%mul3A_2, %dma_start3A_26] : memref<10112x128xf32, #tpu.memory_space<hbm>> -> memref<632x128xf32, #tpu.memory_space<hbm>>
      tpu.enqueue_dma source(%dma_start3A_27 : memref<632x128xf32, #tpu.memory_space<hbm>>) target(%dma_start3A_25 : memref<632x128xf32, #tpu.memory_space<vmem_shared>>) target_semaphore(%run_scoped3A : memref<!tpu.dma_semaphore, #tpu.memory_space<semaphore_mem>>)
      %dma_wait3A = arith.constant 0 : i32
      %dma_wait3A_28 = tpu.memref_slice %arg9[%mul3A_2, %dma_wait3A] : memref<10112x128xf32, #tpu.memory_space<vmem_shared>> -> memref<632x128xf32, #tpu.memory_space<vmem_shared>>
      %dma_wait3A_29 = arith.constant 0 : i32
      %dma_wait3A_30 = tpu.memref_slice %arg6[%mul3A_2, %dma_wait3A_29] : memref<10112x128xf32, #tpu.memory_space<hbm>> -> memref<632x128xf32, #tpu.memory_space<hbm>>
      tpu.wait_dma2 semaphore(%run_scoped3A : memref<!tpu.dma_semaphore, #tpu.memory_space<semaphore_mem>>) src(%dma_wait3A_30 : memref<632x128xf32, #tpu.memory_space<hbm>>) dst(%dma_wait3A_28 : memref<632x128xf32, #tpu.memory_space<vmem_shared>>)
      tpu.yield
    }) : () -> ()
    %barrier3A_13 = arith.constant 0 : index
    tpu.barrier barrier_id(%barrier3A_13)
    %scan3A_14 = arith.constant 0 : i32
    %scan3A_15 = arith.constant 0 : i32
    %scan3A_16 = arith.constant 79 : i32
    %scan3A_17 = arith.addi %scan3A_15, %scan3A_16 : i32
    %scan3A_18 = arith.constant 1 : i32
    scf.for %scan3A_25 = %scan3A_15 to %scan3A_17 step %scan3A_18  : i32 {
      %mul3A_26 = arith.constant 10112 : i32
      %mul3A_27 = arith.muli %add3A, %mul3A_26 : i32
      %mul3A_28 = arith.constant 128 : i32
      %mul3A_29 = arith.muli %scan3A_25, %mul3A_28 : i32
      %add3A_30 = arith.addi %mul3A_27, %mul3A_29 : i32
      "tpu.region"() ({
        %run_scoped3A = tpu.sem_alloc : memref<!tpu.dma_semaphore, #tpu.memory_space<semaphore_mem>>
        %dma_start3A_35 = tpu.memref_slice %arg2[%add3A_30] : memref<323584xi32, #tpu.memory_space<hbm>> -> memref<128xi32, #tpu.memory_space<hbm>>
        %dma_start3A_36 = tpu.memref_slice %arg2[%add3A_30] : memref<323584xi32, #tpu.memory_space<hbm>> -> memref<128xi32, #tpu.memory_space<hbm>>
        tpu.enqueue_dma source(%dma_start3A_36 : memref<128xi32, #tpu.memory_space<hbm>>) target(%arg10 : memref<128xi32, #tpu.memory_space<vmem>>) target_semaphore(%run_scoped3A : memref<!tpu.dma_semaphore, #tpu.memory_space<semaphore_mem>>)
        %dma_wait3A_37 = tpu.memref_slice %arg2[%add3A_30] : memref<323584xi32, #tpu.memory_space<hbm>> -> memref<128xi32, #tpu.memory_space<hbm>>
        %dma_wait3A_38 = tpu.memref_slice %arg2[%add3A_30] : memref<323584xi32, #tpu.memory_space<hbm>> -> memref<128xi32, #tpu.memory_space<hbm>>
        tpu.wait_dma2 semaphore(%run_scoped3A : memref<!tpu.dma_semaphore, #tpu.memory_space<semaphore_mem>>) src(%dma_wait3A_38 : memref<128xi32, #tpu.memory_space<hbm>>) dst(%arg10 : memref<128xi32, #tpu.memory_space<vmem>>)
        tpu.yield
      }) : () -> ()
      "tpu.region"() ({
        %run_scoped3A = tpu.sem_alloc : memref<!tpu.dma_semaphore, #tpu.memory_space<semaphore_mem>>
        %dma_start3A_35 = tpu.memref_slice %arg3[%add3A_30] : memref<323584xi32, #tpu.memory_space<hbm>> -> memref<128xi32, #tpu.memory_space<hbm>>
        %dma_start3A_36 = tpu.memref_slice %arg3[%add3A_30] : memref<323584xi32, #tpu.memory_space<hbm>> -> memref<128xi32, #tpu.memory_space<hbm>>
        tpu.enqueue_dma source(%dma_start3A_36 : memref<128xi32, #tpu.memory_space<hbm>>) target(%arg11 : memref<128xi32, #tpu.memory_space<vmem>>) target_semaphore(%run_scoped3A : memref<!tpu.dma_semaphore, #tpu.memory_space<semaphore_mem>>)
        %dma_wait3A_37 = tpu.memref_slice %arg3[%add3A_30] : memref<323584xi32, #tpu.memory_space<hbm>> -> memref<128xi32, #tpu.memory_space<hbm>>
        %dma_wait3A_38 = tpu.memref_slice %arg3[%add3A_30] : memref<323584xi32, #tpu.memory_space<hbm>> -> memref<128xi32, #tpu.memory_space<hbm>>
        tpu.wait_dma2 semaphore(%run_scoped3A : memref<!tpu.dma_semaphore, #tpu.memory_space<semaphore_mem>>) src(%dma_wait3A_38 : memref<128xi32, #tpu.memory_space<hbm>>) dst(%arg11 : memref<128xi32, #tpu.memory_space<vmem>>)
        tpu.yield
      }) : () -> ()
      %dma_start3A = arith.constant 0 : i32
      %dma_start3A_31 = arith.constant 0 : i32
      %dma_start3A_32 = tpu.memref_slice %arg5[%dma_start3A, %dma_start3A_31] : memref<10000x128xf32, #tpu.memory_space<hbm>> -> memref<10000x128xf32, #tpu.memory_space<hbm>>
      tpu.enqueue_indirect_dma source(%dma_start3A_32 : memref<10000x128xf32, #tpu.memory_space<hbm>>) target(%arg12 : memref<128x128xf32, #tpu.memory_space<vmem>>) offsets(%arg10 : memref<128xi32, #tpu.memory_space<vmem>>) semaphore(%arg13 : memref<!tpu.dma_semaphore, #tpu.memory_space<semaphore_mem>>)
      %dma_wait3A = arith.constant 0 : i32
      %dma_wait3A_33 = arith.constant 0 : i32
      %dma_wait3A_34 = tpu.memref_slice %arg5[%dma_wait3A, %dma_wait3A_33] : memref<10000x128xf32, #tpu.memory_space<hbm>> -> memref<10000x128xf32, #tpu.memory_space<hbm>>
      tpu.wait_indirect_dma semaphore(%arg13 : memref<!tpu.dma_semaphore, #tpu.memory_space<semaphore_mem>>) src(%dma_wait3A_34 : memref<10000x128xf32, #tpu.memory_space<hbm>>) dst(%arg12 : memref<128x128xf32, #tpu.memory_space<vmem>>)
      "tpu.region"() ({
        %run_scoped3A = tpu.sem_alloc : memref<!tpu.dma_semaphore, #tpu.memory_space<semaphore_mem>>
        %dma_start3A_35 = arith.constant 0 : i32
        %dma_start3A_36 = arith.constant 0 : i32
        %dma_start3A_37 = tpu.memref_slice %arg9[%dma_start3A_35, %dma_start3A_36] : memref<10112x128xf32, #tpu.memory_space<vmem_shared>> -> memref<10112x128xf32, #tpu.memory_space<vmem_shared>>
        tpu.enqueue_indirect_dma source(%arg12 : memref<128x128xf32, #tpu.memory_space<vmem>>) target(%dma_start3A_37 : memref<10112x128xf32, #tpu.memory_space<vmem_shared>>) offsets(%arg11 : memref<128xi32, #tpu.memory_space<vmem>>) semaphore(%run_scoped3A : memref<!tpu.dma_semaphore, #tpu.memory_space<semaphore_mem>>) {add = true}
        %dma_wait3A_38 = arith.constant 0 : i32
        %dma_wait3A_39 = arith.constant 0 : i32
        %dma_wait3A_40 = tpu.memref_slice %arg9[%dma_wait3A_38, %dma_wait3A_39] : memref<10112x128xf32, #tpu.memory_space<vmem_shared>> -> memref<10112x128xf32, #tpu.memory_space<vmem_shared>>
        tpu.wait_indirect_dma semaphore(%run_scoped3A : memref<!tpu.dma_semaphore, #tpu.memory_space<semaphore_mem>>) src(%arg12 : memref<128x128xf32, #tpu.memory_space<vmem>>) dst(%dma_wait3A_40 : memref<10112x128xf32, #tpu.memory_space<vmem_shared>>)
        tpu.yield
      }) : () -> ()
    }
    %scan3A_19 = arith.constant 79 : i32
    %barrier3A_20 = arith.constant 0 : index
    tpu.barrier barrier_id(%barrier3A_20)
    %mul3A_21 = arith.constant 10112 : i32
    %mul3A_22 = arith.muli %arg0, %mul3A_21 : i32
    %add3A_23 = arith.addi %mul3A_22, %mul3A_2 : i32
    "tpu.region"() ({
      %run_scoped3A = tpu.sem_alloc : memref<!tpu.dma_semaphore, #tpu.memory_space<semaphore_mem>>
      %dma_start3A = arith.constant 0 : i32
      %dma_start3A_25 = tpu.memref_slice %arg8[%add3A_23, %dma_start3A] : memref<20224x128xf32, #tpu.memory_space<hbm>> -> memref<632x128xf32, #tpu.memory_space<hbm>>
      %dma_start3A_26 = arith.constant 0 : i32
      %dma_start3A_27 = tpu.memref_slice %arg9[%mul3A_2, %dma_start3A_26] : memref<10112x128xf32, #tpu.memory_space<vmem_shared>> -> memref<632x128xf32, #tpu.memory_space<vmem_shared>>
      tpu.enqueue_dma source(%dma_start3A_27 : memref<632x128xf32, #tpu.memory_space<vmem_shared>>) target(%dma_start3A_25 : memref<632x128xf32, #tpu.memory_space<hbm>>) target_semaphore(%run_scoped3A : memref<!tpu.dma_semaphore, #tpu.memory_space<semaphore_mem>>)
      %dma_wait3A = arith.constant 0 : i32
      %dma_wait3A_28 = tpu.memref_slice %arg8[%add3A_23, %dma_wait3A] : memref<20224x128xf32, #tpu.memory_space<hbm>> -> memref<632x128xf32, #tpu.memory_space<hbm>>
      %dma_wait3A_29 = arith.constant 0 : i32
      %dma_wait3A_30 = tpu.memref_slice %arg9[%mul3A_2, %dma_wait3A_29] : memref<10112x128xf32, #tpu.memory_space<vmem_shared>> -> memref<632x128xf32, #tpu.memory_space<vmem_shared>>
      tpu.wait_dma2 semaphore(%run_scoped3A : memref<!tpu.dma_semaphore, #tpu.memory_space<semaphore_mem>>) src(%dma_wait3A_30 : memref<632x128xf32, #tpu.memory_space<vmem_shared>>) dst(%dma_wait3A_28 : memref<632x128xf32, #tpu.memory_space<hbm>>)
      tpu.yield
    }) : () -> ()
    %barrier3A_24 = arith.constant 0 : index
    tpu.barrier barrier_id(%barrier3A_24)
    return
  }
}

module attributes {stable_mosaic.version = 14 : i64} {
  func.func @_prep_body(%arg0: i32, %arg1: memref<1000x128xf32, #tpu.memory_space<vmem>>, %arg2: memref<128x200xf32, #tpu.memory_space<vmem>>, %arg3: memref<1x200xf32, #tpu.memory_space<vmem>>, %arg4: memref<16x200xf32, #tpu.memory_space<vmem>>, %arg5: memref<1x200xf32, #tpu.memory_space<vmem>>, %arg6: memref<2x1000x16xf32, #tpu.memory_space<vmem>>, %arg7: memref<2x1000x16xf32, #tpu.memory_space<vmem>>, %arg8: memref<1000x128xf32, #tpu.memory_space<vmem>>, %arg9: memref<1000x128xf32, #tpu.memory_space<vmem>>, %arg10: memref<1000x200xf32, #tpu.memory_space<vmem>>, %arg11: memref<1000x1xf32, #tpu.memory_space<vmem>>) attributes {dimension_semantics = [#tpu.dimension_semantics<arbitrary>], iteration_bounds = array<i64: 10>, scalar_prefetch = 0 : i64, scratch_operands = 0 : i64, tpu.core_type = #tpu.core_type<tc>, window_params = [{transform_indices = @transform_0, window_bounds = array<i64: 1000, 128>}, {pipeline_mode = #tpu.pipeline_mode<synchronous>, transform_indices = @transform_1, window_bounds = array<i64: 128, 200>}, {pipeline_mode = #tpu.pipeline_mode<synchronous>, transform_indices = @transform_2, window_bounds = array<i64: 1, 200>}, {pipeline_mode = #tpu.pipeline_mode<synchronous>, transform_indices = @transform_3, window_bounds = array<i64: 16, 200>}, {pipeline_mode = #tpu.pipeline_mode<synchronous>, transform_indices = @transform_4, window_bounds = array<i64: 1, 200>}, {transform_indices = @transform_5, window_bounds = array<i64: 2, 1000, 16>}, {transform_indices = @transform_6, window_bounds = array<i64: 2, 1000, 16>}, {transform_indices = @transform_7, window_bounds = array<i64: 1000, 128>}, {transform_indices = @transform_8, window_bounds = array<i64: 1000, 128>}, {transform_indices = @transform_9, window_bounds = array<i64: 1000, 200>}, {transform_indices = @transform_10, window_bounds = array<i64: 1000, 1>}]} {
    %get3A = arith.constant 0 : index
    %get3A_0 = arith.constant 0 : index
    %get3A_1 = vector.load %arg1[%get3A, %get3A_0] : memref<1000x128xf32, #tpu.memory_space<vmem>>, vector<1000x128xf32>
    %get3A_2 = arith.constant 0 : index
    %get3A_3 = arith.constant 0 : index
    %get3A_4 = vector.load %arg2[%get3A_2, %get3A_3] : memref<128x200xf32, #tpu.memory_space<vmem>>, vector<128x200xf32>
    %dot_general3A = arith.constant dense<0.000000e+00> : vector<1000x200xf32>
    %dot_general3A_5 = tpu.matmul %get3A_1, %get3A_4, %dot_general3A {dimension_numbers = #tpu.dot_dimension_numbers<[1], [0], [0], [1], [0, 0, 1, 1], [], []>, transpose_lhs_hint = false} : vector<1000x128xf32>, vector<128x200xf32>, vector<1000x200xf32> -> vector<1000x200xf32>
    %get3A_6 = arith.constant 0 : index
    %get3A_7 = arith.constant 0 : index
    %get3A_8 = vector.load %arg3[%get3A_6, %get3A_7] : memref<1x200xf32, #tpu.memory_space<vmem>>, vector<1x200xf32>
    %add3A = vector.broadcast %get3A_8 : vector<1x200xf32> to vector<1000x200xf32>
    %add3A_9 = arith.addf %dot_general3A_5, %add3A : vector<1000x200xf32>
    %broadcast_in_dim3A = arith.constant 0.000000e+00 : f32
    %broadcast_in_dim3A_10 = vector.broadcast %broadcast_in_dim3A : f32 to vector<1000x28xf32>
    %slice3A = vector.extract_strided_slice %add3A_9 {offsets = [0, 0], sizes = [1000, 100], strides = [1, 1]} : vector<1000x200xf32> to vector<1000x100xf32>
    %concatenate3A = tpu.concatenate %slice3A, %broadcast_in_dim3A_10 in 1 : vector<1000x100xf32>, vector<1000x28xf32> -> vector<1000x128xf32>
    %swap3A = arith.constant 0 : index
    %swap3A_11 = arith.constant 0 : index
    %swap3A_12 = vector.load %arg8[%swap3A, %swap3A_11] : memref<1000x128xf32, #tpu.memory_space<vmem>>, vector<1000x128xf32>
    tpu.vector_store %arg8[%swap3A, %swap3A_11], %concatenate3A {strides = array<i32>} : memref<1000x128xf32, #tpu.memory_space<vmem>>, vector<1000x128xf32>,
    %slice3A_13 = vector.extract_strided_slice %add3A_9 {offsets = [0, 100], sizes = [1000, 100], strides = [1, 1]} : vector<1000x200xf32> to vector<1000x100xf32>
    %concatenate3A_14 = tpu.concatenate %slice3A_13, %broadcast_in_dim3A_10 in 1 : vector<1000x100xf32>, vector<1000x28xf32> -> vector<1000x128xf32>
    %swap3A_15 = arith.constant 0 : index
    %swap3A_16 = arith.constant 0 : index
    %swap3A_17 = vector.load %arg9[%swap3A_15, %swap3A_16] : memref<1000x128xf32, #tpu.memory_space<vmem>>, vector<1000x128xf32>
    tpu.vector_store %arg9[%swap3A_15, %swap3A_16], %concatenate3A_14 {strides = array<i32>} : memref<1000x128xf32, #tpu.memory_space<vmem>>, vector<1000x128xf32>,
    %get3A_18 = arith.constant 0 : index
    %get3A_19 = arith.constant 0 : index
    %get3A_20 = arith.constant 0 : index
    %get3A_21 = vector.load %arg6[%get3A_18, %get3A_19, %get3A_20] : memref<2x1000x16xf32, #tpu.memory_space<vmem>>, vector<1x1000x16xf32>
    %get3A_22 = vector.shape_cast %get3A_21 : vector<1x1000x16xf32> to vector<1000x16xf32>
    %get3A_23 = arith.constant 1 : index
    %get3A_24 = arith.constant 0 : index
    %get3A_25 = arith.constant 0 : index
    %get3A_26 = vector.load %arg6[%get3A_23, %get3A_24, %get3A_25] : memref<2x1000x16xf32, #tpu.memory_space<vmem>>, vector<1x1000x16xf32>
    %get3A_27 = vector.shape_cast %get3A_26 : vector<1x1000x16xf32> to vector<1000x16xf32>
    %add3A_28 = arith.addf %get3A_22, %get3A_27 : vector<1000x16xf32>
    %get3A_29 = arith.constant 0 : index
    %get3A_30 = arith.constant 0 : index
    %get3A_31 = arith.constant 0 : index
    %get3A_32 = vector.load %arg7[%get3A_29, %get3A_30, %get3A_31] : memref<2x1000x16xf32, #tpu.memory_space<vmem>>, vector<1x1000x16xf32>
    %get3A_33 = vector.shape_cast %get3A_32 : vector<1x1000x16xf32> to vector<1000x16xf32>
    %slice3A_34 = vector.extract_strided_slice %get3A_33 {offsets = [0, 0], sizes = [1000, 1], strides = [1, 1]} : vector<1000x16xf32> to vector<1000x1xf32>
    %get3A_35 = arith.constant 1 : index
    %get3A_36 = arith.constant 0 : index
    %get3A_37 = arith.constant 0 : index
    %get3A_38 = vector.load %arg7[%get3A_35, %get3A_36, %get3A_37] : memref<2x1000x16xf32, #tpu.memory_space<vmem>>, vector<1x1000x16xf32>
    %get3A_39 = vector.shape_cast %get3A_38 : vector<1x1000x16xf32> to vector<1000x16xf32>
    %slice3A_40 = vector.extract_strided_slice %get3A_39 {offsets = [0, 0], sizes = [1000, 1], strides = [1, 1]} : vector<1000x16xf32> to vector<1000x1xf32>
    %add3A_41 = arith.addf %slice3A_34, %slice3A_40 : vector<1000x1xf32>
    %get3A_42 = arith.constant 0 : index
    %get3A_43 = arith.constant 0 : index
    %get3A_44 = vector.load %arg4[%get3A_42, %get3A_43] : memref<16x200xf32, #tpu.memory_space<vmem>>, vector<16x200xf32>
    %convert_element_type3A = arith.truncf %get3A_44 : vector<16x200xf32> to vector<16x200xbf16>
    %convert_element_type3A_45 = arith.truncf %add3A_28 : vector<1000x16xf32> to vector<1000x16xbf16>
    %convert_element_type3A_46 = arith.extf %convert_element_type3A_45 : vector<1000x16xbf16> to vector<1000x16xf32>
    %sub3A = arith.subf %add3A_28, %convert_element_type3A_46 : vector<1000x16xf32>
    %convert_element_type3A_47 = arith.truncf %sub3A : vector<1000x16xf32> to vector<1000x16xbf16>
    %dot_general3A_48 = arith.constant dense<0.000000e+00> : vector<1000x200xf32>
    %dot_general3A_49 = tpu.matmul %convert_element_type3A_45, %convert_element_type3A, %dot_general3A_48 {dimension_numbers = #tpu.dot_dimension_numbers<[1], [0], [0], [1], [0, 0, 1, 1], [], []>, transpose_lhs_hint = false} : vector<1000x16xbf16>, vector<16x200xbf16>, vector<1000x200xf32> -> vector<1000x200xf32>
    %dot_general3A_50 = arith.constant dense<0.000000e+00> : vector<1000x200xf32>
    %dot_general3A_51 = tpu.matmul %convert_element_type3A_47, %convert_element_type3A, %dot_general3A_50 {dimension_numbers = #tpu.dot_dimension_numbers<[1], [0], [0], [1], [0, 0, 1, 1], [], []>, transpose_lhs_hint = false} : vector<1000x16xbf16>, vector<16x200xbf16>, vector<1000x200xf32> -> vector<1000x200xf32>
    %add3A_52 = arith.addf %dot_general3A_49, %dot_general3A_51 : vector<1000x200xf32>
    %get3A_53 = arith.constant 0 : index
    %get3A_54 = arith.constant 0 : index
    %get3A_55 = vector.load %arg5[%get3A_53, %get3A_54] : memref<1x200xf32, #tpu.memory_space<vmem>>, vector<1x200xf32>
    %mul3A = vector.broadcast %add3A_41 : vector<1000x1xf32> to vector<1000x200xf32>
    %mul3A_56 = vector.broadcast %get3A_55 : vector<1x200xf32> to vector<1000x200xf32>
    %mul3A_57 = arith.mulf %mul3A, %mul3A_56 : vector<1000x200xf32>
    %add3A_58 = arith.addf %add3A_52, %mul3A_57 : vector<1000x200xf32>
    %swap3A_59 = arith.constant 0 : index
    %swap3A_60 = arith.constant 0 : index
    %swap3A_61 = vector.load %arg10[%swap3A_59, %swap3A_60] : memref<1000x200xf32, #tpu.memory_space<vmem>>, vector<1000x200xf32>
    tpu.vector_store %arg10[%swap3A_59, %swap3A_60], %add3A_58 {strides = array<i32>} : memref<1000x200xf32, #tpu.memory_space<vmem>>, vector<1000x200xf32>,
    %max3A = arith.constant 1.000000e+00 : f32
    %max3A_62 = vector.broadcast %max3A : f32 to vector<1000x1xf32>
    %max3A_63 = arith.maximumf %add3A_41, %max3A_62 : vector<1000x1xf32>
    %swap3A_64 = arith.constant 0 : index
    %swap3A_65 = arith.constant 0 : index
    %swap3A_66 = vector.load %arg11[%swap3A_64, %swap3A_65] : memref<1000x1xf32, #tpu.memory_space<vmem>>, vector<1000x1xf32>
    tpu.vector_store %arg11[%swap3A_64, %swap3A_65], %max3A_63 {strides = array<i32>} : memref<1000x1xf32, #tpu.memory_space<vmem>>, vector<1000x1xf32>,
    return
  }
  func.func @transform_0(%arg0: i32) -> (i32, i32) {
    %c0_i32 = arith.constant 0 : i32
    %c0_i32_0 = arith.constant 0 : i32
    return %arg0, %c0_i32 : i32, i32
  }
  func.func @transform_1(%arg0: i32) -> (i32, i32) {
    %c0_i32 = arith.constant 0 : i32
    %c0_i32_0 = arith.constant 0 : i32
    %c0_i32_1 = arith.constant 0 : i32
    return %c0_i32, %c0_i32_0 : i32, i32
  }
  func.func @transform_2(%arg0: i32) -> (i32, i32) {
    %c0_i32 = arith.constant 0 : i32
    %c0_i32_0 = arith.constant 0 : i32
    %c0_i32_1 = arith.constant 0 : i32
    return %c0_i32, %c0_i32_0 : i32, i32
  }
  func.func @transform_3(%arg0: i32) -> (i32, i32) {
    %c0_i32 = arith.constant 0 : i32
    %c0_i32_0 = arith.constant 0 : i32
    %c0_i32_1 = arith.constant 0 : i32
    return %c0_i32, %c0_i32_0 : i32, i32
  }
  func.func @transform_4(%arg0: i32) -> (i32, i32) {
    %c0_i32 = arith.constant 0 : i32
    %c0_i32_0 = arith.constant 0 : i32
    %c0_i32_1 = arith.constant 0 : i32
    return %c0_i32, %c0_i32_0 : i32, i32
  }
  func.func @transform_5(%arg0: i32) -> (i32, i32, i32) {
    %c0_i32 = arith.constant 0 : i32
    %c0_i32_0 = arith.constant 0 : i32
    %c0_i32_1 = arith.constant 0 : i32
    return %c0_i32, %arg0, %c0_i32_0 : i32, i32, i32
  }
  func.func @transform_6(%arg0: i32) -> (i32, i32, i32) {
    %c0_i32 = arith.constant 0 : i32
    %c0_i32_0 = arith.constant 0 : i32
    %c0_i32_1 = arith.constant 0 : i32
    return %c0_i32, %arg0, %c0_i32_0 : i32, i32, i32
  }
  func.func @transform_7(%arg0: i32) -> (i32, i32) {
    %c0_i32 = arith.constant 0 : i32
    %c0_i32_0 = arith.constant 0 : i32
    return %arg0, %c0_i32 : i32, i32
  }
  func.func @transform_8(%arg0: i32) -> (i32, i32) {
    %c0_i32 = arith.constant 0 : i32
    %c0_i32_0 = arith.constant 0 : i32
    return %arg0, %c0_i32 : i32, i32
  }
  func.func @transform_9(%arg0: i32) -> (i32, i32) {
    %c0_i32 = arith.constant 0 : i32
    %c0_i32_0 = arith.constant 0 : i32
    return %arg0, %c0_i32 : i32, i32
  }
  func.func @transform_10(%arg0: i32) -> (i32, i32) {
    %c0_i32 = arith.constant 0 : i32
    %c0_i32_0 = arith.constant 0 : i32
    return %arg0, %c0_i32 : i32, i32
  }
}

module attributes {stable_mosaic.version = 14 : i64} {
  func.func @_layer_body(%arg0: i32, %arg1: memref<2x1000x128xf32, #tpu.memory_space<vmem>>, %arg2: memref<2x1000x128xf32, #tpu.memory_space<vmem>>, %arg3: memref<1000x200xf32, #tpu.memory_space<vmem>>, %arg4: memref<1000x1xf32, #tpu.memory_space<vmem>>, %arg5: memref<1000x128xf32, #tpu.memory_space<vmem>>, %arg6: memref<1000x128xf32, #tpu.memory_space<vmem>>, %arg7: memref<200x200xf32, #tpu.memory_space<vmem>>, %arg8: memref<1x200xf32, #tpu.memory_space<vmem>>, %arg9: memref<1000x128xf32, #tpu.memory_space<vmem>>, %arg10: memref<1000x128xf32, #tpu.memory_space<vmem>>) attributes {dimension_semantics = [#tpu.dimension_semantics<arbitrary>], iteration_bounds = array<i64: 10>, scalar_prefetch = 0 : i64, scratch_operands = 0 : i64, tpu.core_type = #tpu.core_type<tc>, window_params = [{transform_indices = @transform_0, window_bounds = array<i64: 2, 1000, 128>}, {transform_indices = @transform_1, window_bounds = array<i64: 2, 1000, 128>}, {transform_indices = @transform_2, window_bounds = array<i64: 1000, 200>}, {transform_indices = @transform_3, window_bounds = array<i64: 1000, 1>}, {transform_indices = @transform_4, window_bounds = array<i64: 1000, 128>}, {transform_indices = @transform_5, window_bounds = array<i64: 1000, 128>}, {pipeline_mode = #tpu.pipeline_mode<synchronous>, transform_indices = @transform_6, window_bounds = array<i64: 200, 200>}, {pipeline_mode = #tpu.pipeline_mode<synchronous>, transform_indices = @transform_7, window_bounds = array<i64: 1, 200>}, {transform_indices = @transform_8, window_bounds = array<i64: 1000, 128>}, {transform_indices = @transform_9, window_bounds = array<i64: 1000, 128>}]} {
    %get3A = arith.constant 0 : index
    %get3A_0 = arith.constant 0 : index
    %get3A_1 = arith.constant 0 : index
    %get3A_2 = vector.load %arg1[%get3A, %get3A_0, %get3A_1] : memref<2x1000x128xf32, #tpu.memory_space<vmem>>, vector<1x1000x128xf32>
    %get3A_3 = vector.shape_cast %get3A_2 : vector<1x1000x128xf32> to vector<1000x128xf32>
    %get3A_4 = arith.constant 1 : index
    %get3A_5 = arith.constant 0 : index
    %get3A_6 = arith.constant 0 : index
    %get3A_7 = vector.load %arg1[%get3A_4, %get3A_5, %get3A_6] : memref<2x1000x128xf32, #tpu.memory_space<vmem>>, vector<1x1000x128xf32>
    %get3A_8 = vector.shape_cast %get3A_7 : vector<1x1000x128xf32> to vector<1000x128xf32>
    %add3A = arith.addf %get3A_3, %get3A_8 : vector<1000x128xf32>
    %slice3A = vector.extract_strided_slice %add3A {offsets = [0, 0], sizes = [1000, 100], strides = [1, 1]} : vector<1000x128xf32> to vector<1000x100xf32>
    %get3A_9 = arith.constant 0 : index
    %get3A_10 = arith.constant 0 : index
    %get3A_11 = arith.constant 0 : index
    %get3A_12 = vector.load %arg2[%get3A_9, %get3A_10, %get3A_11] : memref<2x1000x128xf32, #tpu.memory_space<vmem>>, vector<1x1000x128xf32>
    %get3A_13 = vector.shape_cast %get3A_12 : vector<1x1000x128xf32> to vector<1000x128xf32>
    %get3A_14 = arith.constant 1 : index
    %get3A_15 = arith.constant 0 : index
    %get3A_16 = arith.constant 0 : index
    %get3A_17 = vector.load %arg2[%get3A_14, %get3A_15, %get3A_16] : memref<2x1000x128xf32, #tpu.memory_space<vmem>>, vector<1x1000x128xf32>
    %get3A_18 = vector.shape_cast %get3A_17 : vector<1x1000x128xf32> to vector<1000x128xf32>
    %add3A_19 = arith.addf %get3A_13, %get3A_18 : vector<1000x128xf32>
    %slice3A_20 = vector.extract_strided_slice %add3A_19 {offsets = [0, 0], sizes = [1000, 100], strides = [1, 1]} : vector<1000x128xf32> to vector<1000x100xf32>
    %concatenate3A = tpu.concatenate %slice3A, %slice3A_20 in 1 : vector<1000x100xf32>, vector<1000x100xf32> -> vector<1000x200xf32>
    %get3A_21 = arith.constant 0 : index
    %get3A_22 = arith.constant 0 : index
    %get3A_23 = vector.load %arg3[%get3A_21, %get3A_22] : memref<1000x200xf32, #tpu.memory_space<vmem>>, vector<1000x200xf32>
    %add3A_24 = arith.addf %concatenate3A, %get3A_23 : vector<1000x200xf32>
    %get3A_25 = arith.constant 0 : index
    %get3A_26 = arith.constant 0 : index
    %get3A_27 = vector.load %arg4[%get3A_25, %get3A_26] : memref<1000x1xf32, #tpu.memory_space<vmem>>, vector<1000x1xf32>
    %div3A = vector.broadcast %get3A_27 : vector<1000x1xf32> to vector<1000x200xf32>
    %div3A_28 = arith.divf %add3A_24, %div3A : vector<1000x200xf32>
    %get3A_29 = arith.constant 0 : index
    %get3A_30 = arith.constant 0 : index
    %get3A_31 = vector.load %arg7[%get3A_29, %get3A_30] : memref<200x200xf32, #tpu.memory_space<vmem>>, vector<200x200xf32>
    %dot_general3A = arith.constant dense<0.000000e+00> : vector<1000x200xf32>
    %dot_general3A_32 = tpu.matmul %div3A_28, %get3A_31, %dot_general3A {dimension_numbers = #tpu.dot_dimension_numbers<[1], [0], [0], [1], [0, 0, 1, 1], [], []>, transpose_lhs_hint = false} : vector<1000x200xf32>, vector<200x200xf32>, vector<1000x200xf32> -> vector<1000x200xf32>
    %get3A_33 = arith.constant 0 : index
    %get3A_34 = arith.constant 0 : index
    %get3A_35 = vector.load %arg8[%get3A_33, %get3A_34] : memref<1x200xf32, #tpu.memory_space<vmem>>, vector<1x200xf32>
    %add3A_36 = vector.broadcast %get3A_35 : vector<1x200xf32> to vector<1000x200xf32>
    %add3A_37 = arith.addf %dot_general3A_32, %add3A_36 : vector<1000x200xf32>
    %get3A_38 = arith.constant 0 : index
    %get3A_39 = arith.constant 0 : index
    %get3A_40 = vector.load %arg5[%get3A_38, %get3A_39] : memref<1000x128xf32, #tpu.memory_space<vmem>>, vector<1000x100xf32>
    %get3A_41 = arith.constant 0 : index
    %get3A_42 = arith.constant 0 : index
    %get3A_43 = vector.load %arg6[%get3A_41, %get3A_42] : memref<1000x128xf32, #tpu.memory_space<vmem>>, vector<1000x100xf32>
    %concatenate3A_44 = tpu.concatenate %get3A_40, %get3A_43 in 1 : vector<1000x100xf32>, vector<1000x100xf32> -> vector<1000x200xf32>
    %max3A = arith.constant 0.000000e+00 : f32
    %max3A_45 = vector.broadcast %max3A : f32 to vector<1000x200xf32>
    %max3A_46 = arith.maximumf %add3A_37, %max3A_45 : vector<1000x200xf32>
    %add3A_47 = arith.addf %concatenate3A_44, %max3A_46 : vector<1000x200xf32>
    %broadcast_in_dim3A = arith.constant 0.000000e+00 : f32
    %broadcast_in_dim3A_48 = vector.broadcast %broadcast_in_dim3A : f32 to vector<1000x28xf32>
    %slice3A_49 = vector.extract_strided_slice %add3A_47 {offsets = [0, 0], sizes = [1000, 100], strides = [1, 1]} : vector<1000x200xf32> to vector<1000x100xf32>
    %concatenate3A_50 = tpu.concatenate %slice3A_49, %broadcast_in_dim3A_48 in 1 : vector<1000x100xf32>, vector<1000x28xf32> -> vector<1000x128xf32>
    %swap3A = arith.constant 0 : index
    %swap3A_51 = arith.constant 0 : index
    %swap3A_52 = vector.load %arg9[%swap3A, %swap3A_51] : memref<1000x128xf32, #tpu.memory_space<vmem>>, vector<1000x128xf32>
    tpu.vector_store %arg9[%swap3A, %swap3A_51], %concatenate3A_50 {strides = array<i32>} : memref<1000x128xf32, #tpu.memory_space<vmem>>, vector<1000x128xf32>,
    %slice3A_53 = vector.extract_strided_slice %add3A_47 {offsets = [0, 100], sizes = [1000, 100], strides = [1, 1]} : vector<1000x200xf32> to vector<1000x100xf32>
    %concatenate3A_54 = tpu.concatenate %slice3A_53, %broadcast_in_dim3A_48 in 1 : vector<1000x100xf32>, vector<1000x28xf32> -> vector<1000x128xf32>
    %swap3A_55 = arith.constant 0 : index
    %swap3A_56 = arith.constant 0 : index
    %swap3A_57 = vector.load %arg10[%swap3A_55, %swap3A_56] : memref<1000x128xf32, #tpu.memory_space<vmem>>, vector<1000x128xf32>
    tpu.vector_store %arg10[%swap3A_55, %swap3A_56], %concatenate3A_54 {strides = array<i32>} : memref<1000x128xf32, #tpu.memory_space<vmem>>, vector<1000x128xf32>,
    return
  }
  func.func @transform_0(%arg0: i32) -> (i32, i32, i32) {
    %c0_i32 = arith.constant 0 : i32
    %c0_i32_0 = arith.constant 0 : i32
    %c0_i32_1 = arith.constant 0 : i32
    return %c0_i32, %arg0, %c0_i32_0 : i32, i32, i32
  }
  func.func @transform_1(%arg0: i32) -> (i32, i32, i32) {
    %c0_i32 = arith.constant 0 : i32
    %c0_i32_0 = arith.constant 0 : i32
    %c0_i32_1 = arith.constant 0 : i32
    return %c0_i32, %arg0, %c0_i32_0 : i32, i32, i32
  }
  func.func @transform_2(%arg0: i32) -> (i32, i32) {
    %c0_i32 = arith.constant 0 : i32
    %c0_i32_0 = arith.constant 0 : i32
    return %arg0, %c0_i32 : i32, i32
  }
  func.func @transform_3(%arg0: i32) -> (i32, i32) {
    %c0_i32 = arith.constant 0 : i32
    %c0_i32_0 = arith.constant 0 : i32
    return %arg0, %c0_i32 : i32, i32
  }
  func.func @transform_4(%arg0: i32) -> (i32, i32) {
    %c0_i32 = arith.constant 0 : i32
    %c0_i32_0 = arith.constant 0 : i32
    return %arg0, %c0_i32 : i32, i32
  }
  func.func @transform_5(%arg0: i32) -> (i32, i32) {
    %c0_i32 = arith.constant 0 : i32
    %c0_i32_0 = arith.constant 0 : i32
    return %arg0, %c0_i32 : i32, i32
  }
  func.func @transform_6(%arg0: i32) -> (i32, i32) {
    %c0_i32 = arith.constant 0 : i32
    %c0_i32_0 = arith.constant 0 : i32
    %c0_i32_1 = arith.constant 0 : i32
    return %c0_i32, %c0_i32_0 : i32, i32
  }
  func.func @transform_7(%arg0: i32) -> (i32, i32) {
    %c0_i32 = arith.constant 0 : i32
    %c0_i32_0 = arith.constant 0 : i32
    %c0_i32_1 = arith.constant 0 : i32
    return %c0_i32, %c0_i32_0 : i32, i32
  }
  func.func @transform_8(%arg0: i32) -> (i32, i32) {
    %c0_i32 = arith.constant 0 : i32
    %c0_i32_0 = arith.constant 0 : i32
    return %arg0, %c0_i32 : i32, i32
  }
  func.func @transform_9(%arg0: i32) -> (i32, i32) {
    %c0_i32 = arith.constant 0 : i32
    %c0_i32_0 = arith.constant 0 : i32
    return %arg0, %c0_i32 : i32, i32
  }
}

module attributes {stable_mosaic.version = 14 : i64} {
  func.func @_readout_body(%arg0: memref<10000x128xf32, #tpu.memory_space<vmem>>, %arg1: memref<10000x128xf32, #tpu.memory_space<vmem>>, %arg2: memref<400x1xf32, #tpu.memory_space<vmem>>, %arg3: memref<1x1xf32, #tpu.memory_space<vmem>>, %arg4: memref<200x200xf32, #tpu.memory_space<vmem>>, %arg5: memref<1x200xf32, #tpu.memory_space<vmem>>, %arg6: memref<200x600xf32, #tpu.memory_space<vmem>>, %arg7: memref<200x600xf32, #tpu.memory_space<vmem>>, %arg8: memref<1x600xf32, #tpu.memory_space<vmem>>, %arg9: memref<1x600xf32, #tpu.memory_space<vmem>>, %arg10: memref<200x1024xf32, #tpu.memory_space<vmem>>, %arg11: memref<1x1024xf32, #tpu.memory_space<vmem>>, %arg12: memref<1024x1xf32, #tpu.memory_space<vmem>>, %arg13: memref<1x1xf32, #tpu.memory_space<vmem>>, %arg14: memref<1x1xf32, #tpu.memory_space<vmem>>, %arg15: memref<1x200xf32, #tpu.memory_space<vmem>>) attributes {dimension_semantics = [], scalar_prefetch = 0 : i64, scratch_operands = 0 : i64, tpu.core_type = #tpu.core_type<tc>} {
    %get3A = arith.constant 0 : index
    %get3A_0 = arith.constant 0 : index
    %get3A_1 = vector.load %arg0[%get3A, %get3A_0] : memref<10000x128xf32, #tpu.memory_space<vmem>>, vector<10000x100xf32>
    %get3A_2 = arith.constant 0 : index
    %get3A_3 = arith.constant 0 : index
    %get3A_4 = vector.load %arg1[%get3A_2, %get3A_3] : memref<10000x128xf32, #tpu.memory_space<vmem>>, vector<10000x100xf32>
    %concatenate3A = tpu.concatenate %get3A_1, %get3A_4 in 1 : vector<10000x100xf32>, vector<10000x100xf32> -> vector<10000x200xf32>
    %reduce_sum3A = arith.constant dense<0.000000e+00> : vector<200xf32>
    %reduce_sum3A_5 = vector.multi_reduction <add>, %concatenate3A, %reduce_sum3A [0] : vector<10000x200xf32> to vector<200xf32>
    %broadcast_in_dim3A = vector.shape_cast %reduce_sum3A_5 : vector<200xf32> to vector<1x200xf32>
    %get3A_6 = arith.constant 0 : index
    %get3A_7 = arith.constant 0 : index
    %get3A_8 = vector.load %arg2[%get3A_6, %get3A_7] : memref<400x1xf32, #tpu.memory_space<vmem>>, vector<200x1xf32>
    %get3A_9 = arith.constant 200 : index
    %get3A_10 = arith.constant 0 : index
    %get3A_11 = vector.load %arg2[%get3A_9, %get3A_10] : memref<400x1xf32, #tpu.memory_space<vmem>>, vector<200x1xf32>
    %dot_general3A = arith.constant dense<0.000000e+00> : vector<10000x1xf32>
    %dot_general3A_12 = tpu.matmul %concatenate3A, %get3A_11, %dot_general3A {dimension_numbers = #tpu.dot_dimension_numbers<[1], [0], [0], [1], [0, 0, 1, 1], [], []>, transpose_lhs_hint = false} : vector<10000x200xf32>, vector<200x1xf32>, vector<10000x1xf32> -> vector<10000x1xf32>
    %get3A_13 = arith.constant 0 : index
    %get3A_14 = arith.constant 0 : index
    %get3A_15 = vector.load %arg4[%get3A_13, %get3A_14] : memref<200x200xf32, #tpu.memory_space<vmem>>, vector<200x200xf32>
    %dot_general3A_16 = arith.constant dense<0.000000e+00> : vector<10000x200xf32>
    %dot_general3A_17 = tpu.matmul %concatenate3A, %get3A_15, %dot_general3A_16 {dimension_numbers = #tpu.dot_dimension_numbers<[1], [0], [0], [1], [0, 0, 1, 1], [], []>, transpose_lhs_hint = false} : vector<10000x200xf32>, vector<200x200xf32>, vector<10000x200xf32> -> vector<10000x200xf32>
    %get3A_18 = arith.constant 0 : index
    %get3A_19 = arith.constant 0 : index
    %get3A_20 = vector.load %arg5[%get3A_18, %get3A_19] : memref<1x200xf32, #tpu.memory_space<vmem>>, vector<1x200xf32>
    %add3A = vector.broadcast %get3A_20 : vector<1x200xf32> to vector<10000x200xf32>
    %add3A_21 = arith.addf %dot_general3A_17, %add3A : vector<10000x200xf32>
    %max3A = arith.constant 0.000000e+00 : f32
    %max3A_22 = vector.broadcast %max3A : f32 to vector<1x200xf32>
    %max3A_23 = arith.maximumf %broadcast_in_dim3A, %max3A_22 : vector<1x200xf32>
    %dot_general3A_24 = arith.constant dense<0.000000e+00> : vector<1x1xf32>
    %dot_general3A_25 = tpu.matmul %max3A_23, %get3A_8, %dot_general3A_24 {dimension_numbers = #tpu.dot_dimension_numbers<[1], [0], [0], [1], [0, 0, 1, 1], [], []>, transpose_lhs_hint = false} : vector<1x200xf32>, vector<200x1xf32>, vector<1x1xf32> -> vector<1x1xf32>
    %get3A_26 = arith.constant 0 : index
    %get3A_27 = arith.constant 0 : index
    %get3A_28 = vector.load %arg3[%get3A_26, %get3A_27] : memref<1x1xf32, #tpu.memory_space<vmem>>, vector<1x1xf32>
    %add3A_29 = vector.broadcast %get3A_28 : vector<1x1xf32> to vector<10000x1xf32>
    %add3A_30 = arith.addf %dot_general3A_12, %add3A_29 : vector<10000x1xf32>
    %add3A_31 = vector.broadcast %dot_general3A_25 : vector<1x1xf32> to vector<10000x1xf32>
    %add3A_32 = arith.addf %add3A_30, %add3A_31 : vector<10000x1xf32>
    %gt3A = arith.constant 0.000000e+00 : f32
    %gt3A_33 = vector.broadcast %gt3A : f32 to vector<10000x1xf32>
    %gt3A_34 = arith.cmpf ogt, %add3A_32, %gt3A_33 : vector<10000x1xf32>
    %mul3A = arith.constant 0.00999999977 : f32
    %mul3A_35 = vector.broadcast %mul3A : f32 to vector<10000x1xf32>
    %mul3A_36 = arith.mulf %mul3A_35, %add3A_32 : vector<10000x1xf32>
    %select_n3A = arith.select %gt3A_34, %add3A_32, %mul3A_36 : vector<10000x1xi1>, vector<10000x1xf32>
    %reduce_max3A = vector.shape_cast %select_n3A : vector<10000x1xf32> to vector<1x10000x1xf32>
    %reduce_max3A_37 = arith.constant dense<0xFF800000> : vector<1xf32>
    %reduce_max3A_38 = vector.multi_reduction <maximumf>, %reduce_max3A, %reduce_max3A_37 [1, 2] : vector<1x10000x1xf32> to vector<1xf32>
    %reduce_max3A_39 = vector.shape_cast %reduce_max3A_38 : vector<1xf32> to vector<1x1x1xf32>
    %reduce_max3A_40 = vector.extract %reduce_max3A_39[0, 0, 0] : f32 from vector<1x1x1xf32>
    %sub3A = vector.broadcast %reduce_max3A_40 : f32 to vector<10000x1xf32>
    %sub3A_41 = arith.subf %select_n3A, %sub3A : vector<10000x1xf32>
    %exp3A = math.exp %sub3A_41 : vector<10000x1xf32>
    %reduce_sum3A_42 = vector.shape_cast %exp3A : vector<10000x1xf32> to vector<1x10000x1xf32>
    %reduce_sum3A_43 = arith.constant dense<0.000000e+00> : vector<1xf32>
    %reduce_sum3A_44 = vector.multi_reduction <add>, %reduce_sum3A_42, %reduce_sum3A_43 [1, 2] : vector<1x10000x1xf32> to vector<1xf32>
    %reduce_sum3A_45 = vector.shape_cast %reduce_sum3A_44 : vector<1xf32> to vector<1x1x1xf32>
    %reduce_sum3A_46 = vector.extract %reduce_sum3A_45[0, 0, 0] : f32 from vector<1x1x1xf32>
    %div3A = vector.broadcast %reduce_sum3A_46 : f32 to vector<10000x1xf32>
    %div3A_47 = arith.divf %exp3A, %div3A : vector<10000x1xf32>
    %mul3A_48 = vector.broadcast %div3A_47 : vector<10000x1xf32> to vector<10000x200xf32>
    %mul3A_49 = arith.mulf %mul3A_48, %add3A_21 : vector<10000x200xf32>
    %reduce_sum3A_50 = arith.constant dense<0.000000e+00> : vector<200xf32>
    %reduce_sum3A_51 = vector.multi_reduction <add>, %mul3A_49, %reduce_sum3A_50 [0] : vector<10000x200xf32> to vector<200xf32>
    %broadcast_in_dim3A_52 = vector.shape_cast %reduce_sum3A_51 : vector<200xf32> to vector<1x200xf32>
    %gt3A_53 = arith.constant 0.000000e+00 : f32
    %gt3A_54 = vector.broadcast %gt3A_53 : f32 to vector<1x200xf32>
    %gt3A_55 = arith.cmpf ogt, %broadcast_in_dim3A_52, %gt3A_54 : vector<1x200xf32>
    %exp3A_56 = math.exp %broadcast_in_dim3A_52 : vector<1x200xf32>
    %sub3A_57 = arith.constant 1.000000e+00 : f32
    %sub3A_58 = vector.broadcast %sub3A_57 : f32 to vector<1x200xf32>
    %sub3A_59 = arith.subf %exp3A_56, %sub3A_58 : vector<1x200xf32>
    %select_n3A_60 = arith.select %gt3A_55, %broadcast_in_dim3A_52, %sub3A_59 : vector<1x200xi1>, vector<1x200xf32>
    %get3A_61 = arith.constant 0 : index
    %get3A_62 = arith.constant 0 : index
    %get3A_63 = vector.load %arg6[%get3A_61, %get3A_62] : memref<200x600xf32, #tpu.memory_space<vmem>>, vector<200x600xf32>
    %dot_general3A_64 = arith.constant dense<0.000000e+00> : vector<1x600xf32>
    %dot_general3A_65 = tpu.matmul %select_n3A_60, %get3A_63, %dot_general3A_64 {dimension_numbers = #tpu.dot_dimension_numbers<[1], [0], [0], [1], [0, 0, 1, 1], [], []>, transpose_lhs_hint = false} : vector<1x200xf32>, vector<200x600xf32>, vector<1x600xf32> -> vector<1x600xf32>
    %get3A_66 = arith.constant 0 : index
    %get3A_67 = arith.constant 0 : index
    %get3A_68 = vector.load %arg8[%get3A_66, %get3A_67] : memref<1x600xf32, #tpu.memory_space<vmem>>, vector<1x600xf32>
    %add3A_69 = arith.addf %dot_general3A_65, %get3A_68 : vector<1x600xf32>
    %get3A_70 = arith.constant 0 : index
    %get3A_71 = arith.constant 0 : index
    %get3A_72 = vector.load %arg7[%get3A_70, %get3A_71] : memref<200x600xf32, #tpu.memory_space<vmem>>, vector<200x600xf32>
    %dot_general3A_73 = arith.constant dense<0.000000e+00> : vector<1x600xf32>
    %dot_general3A_74 = tpu.matmul %broadcast_in_dim3A, %get3A_72, %dot_general3A_73 {dimension_numbers = #tpu.dot_dimension_numbers<[1], [0], [0], [1], [0, 0, 1, 1], [], []>, transpose_lhs_hint = false} : vector<1x200xf32>, vector<200x600xf32>, vector<1x600xf32> -> vector<1x600xf32>
    %get3A_75 = arith.constant 0 : index
    %get3A_76 = arith.constant 0 : index
    %get3A_77 = vector.load %arg9[%get3A_75, %get3A_76] : memref<1x600xf32, #tpu.memory_space<vmem>>, vector<1x600xf32>
    %add3A_78 = arith.addf %dot_general3A_74, %get3A_77 : vector<1x600xf32>
    %slice3A = vector.extract_strided_slice %add3A_69 {offsets = [0, 0], sizes = [1, 200], strides = [1, 1]} : vector<1x600xf32> to vector<1x200xf32>
    %slice3A_79 = vector.extract_strided_slice %add3A_69 {offsets = [0, 200], sizes = [1, 200], strides = [1, 1]} : vector<1x600xf32> to vector<1x200xf32>
    %slice3A_80 = vector.extract_strided_slice %add3A_69 {offsets = [0, 400], sizes = [1, 200], strides = [1, 1]} : vector<1x600xf32> to vector<1x200xf32>
    %slice3A_81 = vector.extract_strided_slice %add3A_78 {offsets = [0, 0], sizes = [1, 200], strides = [1, 1]} : vector<1x600xf32> to vector<1x200xf32>
    %slice3A_82 = vector.extract_strided_slice %add3A_78 {offsets = [0, 200], sizes = [1, 200], strides = [1, 1]} : vector<1x600xf32> to vector<1x200xf32>
    %slice3A_83 = vector.extract_strided_slice %add3A_78 {offsets = [0, 400], sizes = [1, 200], strides = [1, 1]} : vector<1x600xf32> to vector<1x200xf32>
    %add3A_84 = arith.addf %slice3A, %slice3A_81 : vector<1x200xf32>
    %logistic3A = arith.negf %add3A_84 : vector<1x200xf32>
    %logistic3A_85 = math.exp %logistic3A : vector<1x200xf32>
    %logistic3A_86 = arith.constant 1.000000e+00 : f32
    %logistic3A_87 = vector.broadcast %logistic3A_86 : f32 to vector<1x200xf32>
    %logistic3A_88 = arith.addf %logistic3A_87, %logistic3A_85 : vector<1x200xf32>
    %logistic3A_89 = arith.divf %logistic3A_87, %logistic3A_88 : vector<1x200xf32>
    %add3A_90 = arith.addf %slice3A_79, %slice3A_82 : vector<1x200xf32>
    %logistic3A_91 = arith.negf %add3A_90 : vector<1x200xf32>
    %logistic3A_92 = math.exp %logistic3A_91 : vector<1x200xf32>
    %logistic3A_93 = arith.constant 1.000000e+00 : f32
    %logistic3A_94 = vector.broadcast %logistic3A_93 : f32 to vector<1x200xf32>
    %logistic3A_95 = arith.addf %logistic3A_94, %logistic3A_92 : vector<1x200xf32>
    %logistic3A_96 = arith.divf %logistic3A_94, %logistic3A_95 : vector<1x200xf32>
    %mul3A_97 = arith.mulf %logistic3A_89, %slice3A_83 : vector<1x200xf32>
    %add3A_98 = arith.addf %slice3A_80, %mul3A_97 : vector<1x200xf32>
    %tanh3A = math.tanh %add3A_98 : vector<1x200xf32>
    %sub3A_99 = arith.constant 1.000000e+00 : f32
    %sub3A_100 = vector.broadcast %sub3A_99 : f32 to vector<1x200xf32>
    %sub3A_101 = arith.subf %sub3A_100, %logistic3A_96 : vector<1x200xf32>
    %mul3A_102 = arith.mulf %sub3A_101, %tanh3A : vector<1x200xf32>
    %mul3A_103 = arith.mulf %logistic3A_96, %broadcast_in_dim3A : vector<1x200xf32>
    %add3A_104 = arith.addf %mul3A_102, %mul3A_103 : vector<1x200xf32>
    %max3A_105 = arith.constant 0.000000e+00 : f32
    %max3A_106 = vector.broadcast %max3A_105 : f32 to vector<1x200xf32>
    %max3A_107 = arith.maximumf %add3A_104, %max3A_106 : vector<1x200xf32>
    %max3A_108 = arith.constant 0.000000e+00 : f32
    %max3A_109 = vector.broadcast %max3A_108 : f32 to vector<1x200xf32>
    %max3A_110 = arith.maximumf %max3A_107, %max3A_109 : vector<1x200xf32>
    %dot_general3A_111 = arith.constant dense<0.000000e+00> : vector<1x1xf32>
    %dot_general3A_112 = tpu.matmul %max3A_110, %get3A_8, %dot_general3A_111 {dimension_numbers = #tpu.dot_dimension_numbers<[1], [0], [0], [1], [0, 0, 1, 1], [], []>, transpose_lhs_hint = false} : vector<1x200xf32>, vector<200x1xf32>, vector<1x1xf32> -> vector<1x1xf32>
    %get3A_113 = arith.constant 0 : index
    %get3A_114 = arith.constant 0 : index
    %get3A_115 = vector.load %arg3[%get3A_113, %get3A_114] : memref<1x1xf32, #tpu.memory_space<vmem>>, vector<1x1xf32>
    %add3A_116 = vector.broadcast %get3A_115 : vector<1x1xf32> to vector<10000x1xf32>
    %add3A_117 = arith.addf %dot_general3A_12, %add3A_116 : vector<10000x1xf32>
    %add3A_118 = vector.broadcast %dot_general3A_112 : vector<1x1xf32> to vector<10000x1xf32>
    %add3A_119 = arith.addf %add3A_117, %add3A_118 : vector<10000x1xf32>
    %gt3A_120 = arith.constant 0.000000e+00 : f32
    %gt3A_121 = vector.broadcast %gt3A_120 : f32 to vector<10000x1xf32>
    %gt3A_122 = arith.cmpf ogt, %add3A_119, %gt3A_121 : vector<10000x1xf32>
    %mul3A_123 = arith.constant 0.00999999977 : f32
    %mul3A_124 = vector.broadcast %mul3A_123 : f32 to vector<10000x1xf32>
    %mul3A_125 = arith.mulf %mul3A_124, %add3A_119 : vector<10000x1xf32>
    %select_n3A_126 = arith.select %gt3A_122, %add3A_119, %mul3A_125 : vector<10000x1xi1>, vector<10000x1xf32>
    %reduce_max3A_127 = vector.shape_cast %select_n3A_126 : vector<10000x1xf32> to vector<1x10000x1xf32>
    %reduce_max3A_128 = arith.constant dense<0xFF800000> : vector<1xf32>
    %reduce_max3A_129 = vector.multi_reduction <maximumf>, %reduce_max3A_127, %reduce_max3A_128 [1, 2] : vector<1x10000x1xf32> to vector<1xf32>
    %reduce_max3A_130 = vector.shape_cast %reduce_max3A_129 : vector<1xf32> to vector<1x1x1xf32>
    %reduce_max3A_131 = vector.extract %reduce_max3A_130[0, 0, 0] : f32 from vector<1x1x1xf32>
    %sub3A_132 = vector.broadcast %reduce_max3A_131 : f32 to vector<10000x1xf32>
    %sub3A_133 = arith.subf %select_n3A_126, %sub3A_132 : vector<10000x1xf32>
    %exp3A_134 = math.exp %sub3A_133 : vector<10000x1xf32>
    %reduce_sum3A_135 = vector.shape_cast %exp3A_134 : vector<10000x1xf32> to vector<1x10000x1xf32>
    %reduce_sum3A_136 = arith.constant dense<0.000000e+00> : vector<1xf32>
    %reduce_sum3A_137 = vector.multi_reduction <add>, %reduce_sum3A_135, %reduce_sum3A_136 [1, 2] : vector<1x10000x1xf32> to vector<1xf32>
    %reduce_sum3A_138 = vector.shape_cast %reduce_sum3A_137 : vector<1xf32> to vector<1x1x1xf32>
    %reduce_sum3A_139 = vector.extract %reduce_sum3A_138[0, 0, 0] : f32 from vector<1x1x1xf32>
    %div3A_140 = vector.broadcast %reduce_sum3A_139 : f32 to vector<10000x1xf32>
    %div3A_141 = arith.divf %exp3A_134, %div3A_140 : vector<10000x1xf32>
    %mul3A_142 = vector.broadcast %div3A_141 : vector<10000x1xf32> to vector<10000x200xf32>
    %mul3A_143 = arith.mulf %mul3A_142, %add3A_21 : vector<10000x200xf32>
    %reduce_sum3A_144 = arith.constant dense<0.000000e+00> : vector<200xf32>
    %reduce_sum3A_145 = vector.multi_reduction <add>, %mul3A_143, %reduce_sum3A_144 [0] : vector<10000x200xf32> to vector<200xf32>
    %broadcast_in_dim3A_146 = vector.shape_cast %reduce_sum3A_145 : vector<200xf32> to vector<1x200xf32>
    %gt3A_147 = arith.constant 0.000000e+00 : f32
    %gt3A_148 = vector.broadcast %gt3A_147 : f32 to vector<1x200xf32>
    %gt3A_149 = arith.cmpf ogt, %broadcast_in_dim3A_146, %gt3A_148 : vector<1x200xf32>
    %exp3A_150 = math.exp %broadcast_in_dim3A_146 : vector<1x200xf32>
    %sub3A_151 = arith.constant 1.000000e+00 : f32
    %sub3A_152 = vector.broadcast %sub3A_151 : f32 to vector<1x200xf32>
    %sub3A_153 = arith.subf %exp3A_150, %sub3A_152 : vector<1x200xf32>
    %select_n3A_154 = arith.select %gt3A_149, %broadcast_in_dim3A_146, %sub3A_153 : vector<1x200xi1>, vector<1x200xf32>
    %get3A_155 = arith.constant 0 : index
    %get3A_156 = arith.constant 0 : index
    %get3A_157 = vector.load %arg6[%get3A_155, %get3A_156] : memref<200x600xf32, #tpu.memory_space<vmem>>, vector<200x600xf32>
    %dot_general3A_158 = arith.constant dense<0.000000e+00> : vector<1x600xf32>
    %dot_general3A_159 = tpu.matmul %select_n3A_154, %get3A_157, %dot_general3A_158 {dimension_numbers = #tpu.dot_dimension_numbers<[1], [0], [0], [1], [0, 0, 1, 1], [], []>, transpose_lhs_hint = false} : vector<1x200xf32>, vector<200x600xf32>, vector<1x600xf32> -> vector<1x600xf32>
    %get3A_160 = arith.constant 0 : index
    %get3A_161 = arith.constant 0 : index
    %get3A_162 = vector.load %arg8[%get3A_160, %get3A_161] : memref<1x600xf32, #tpu.memory_space<vmem>>, vector<1x600xf32>
    %add3A_163 = arith.addf %dot_general3A_159, %get3A_162 : vector<1x600xf32>
    %get3A_164 = arith.constant 0 : index
    %get3A_165 = arith.constant 0 : index
    %get3A_166 = vector.load %arg7[%get3A_164, %get3A_165] : memref<200x600xf32, #tpu.memory_space<vmem>>, vector<200x600xf32>
    %dot_general3A_167 = arith.constant dense<0.000000e+00> : vector<1x600xf32>
    %dot_general3A_168 = tpu.matmul %max3A_107, %get3A_166, %dot_general3A_167 {dimension_numbers = #tpu.dot_dimension_numbers<[1], [0], [0], [1], [0, 0, 1, 1], [], []>, transpose_lhs_hint = false} : vector<1x200xf32>, vector<200x600xf32>, vector<1x600xf32> -> vector<1x600xf32>
    %get3A_169 = arith.constant 0 : index
    %get3A_170 = arith.constant 0 : index
    %get3A_171 = vector.load %arg9[%get3A_169, %get3A_170] : memref<1x600xf32, #tpu.memory_space<vmem>>, vector<1x600xf32>
    %add3A_172 = arith.addf %dot_general3A_168, %get3A_171 : vector<1x600xf32>
    %slice3A_173 = vector.extract_strided_slice %add3A_163 {offsets = [0, 0], sizes = [1, 200], strides = [1, 1]} : vector<1x600xf32> to vector<1x200xf32>
    %slice3A_174 = vector.extract_strided_slice %add3A_163 {offsets = [0, 200], sizes = [1, 200], strides = [1, 1]} : vector<1x600xf32> to vector<1x200xf32>
    %slice3A_175 = vector.extract_strided_slice %add3A_163 {offsets = [0, 400], sizes = [1, 200], strides = [1, 1]} : vector<1x600xf32> to vector<1x200xf32>
    %slice3A_176 = vector.extract_strided_slice %add3A_172 {offsets = [0, 0], sizes = [1, 200], strides = [1, 1]} : vector<1x600xf32> to vector<1x200xf32>
    %slice3A_177 = vector.extract_strided_slice %add3A_172 {offsets = [0, 200], sizes = [1, 200], strides = [1, 1]} : vector<1x600xf32> to vector<1x200xf32>
    %slice3A_178 = vector.extract_strided_slice %add3A_172 {offsets = [0, 400], sizes = [1, 200], strides = [1, 1]} : vector<1x600xf32> to vector<1x200xf32>
    %add3A_179 = arith.addf %slice3A_173, %slice3A_176 : vector<1x200xf32>
    %logistic3A_180 = arith.negf %add3A_179 : vector<1x200xf32>
    %logistic3A_181 = math.exp %logistic3A_180 : vector<1x200xf32>
    %logistic3A_182 = arith.constant 1.000000e+00 : f32
    %logistic3A_183 = vector.broadcast %logistic3A_182 : f32 to vector<1x200xf32>
    %logistic3A_184 = arith.addf %logistic3A_183, %logistic3A_181 : vector<1x200xf32>
    %logistic3A_185 = arith.divf %logistic3A_183, %logistic3A_184 : vector<1x200xf32>
    %add3A_186 = arith.addf %slice3A_174, %slice3A_177 : vector<1x200xf32>
    %logistic3A_187 = arith.negf %add3A_186 : vector<1x200xf32>
    %logistic3A_188 = math.exp %logistic3A_187 : vector<1x200xf32>
    %logistic3A_189 = arith.constant 1.000000e+00 : f32
    %logistic3A_190 = vector.broadcast %logistic3A_189 : f32 to vector<1x200xf32>
    %logistic3A_191 = arith.addf %logistic3A_190, %logistic3A_188 : vector<1x200xf32>
    %logistic3A_192 = arith.divf %logistic3A_190, %logistic3A_191 : vector<1x200xf32>
    %mul3A_193 = arith.mulf %logistic3A_185, %slice3A_178 : vector<1x200xf32>
    %add3A_194 = arith.addf %slice3A_175, %mul3A_193 : vector<1x200xf32>
    %tanh3A_195 = math.tanh %add3A_194 : vector<1x200xf32>
    %sub3A_196 = arith.constant 1.000000e+00 : f32
    %sub3A_197 = vector.broadcast %sub3A_196 : f32 to vector<1x200xf32>
    %sub3A_198 = arith.subf %sub3A_197, %logistic3A_192 : vector<1x200xf32>
    %mul3A_199 = arith.mulf %sub3A_198, %tanh3A_195 : vector<1x200xf32>
    %mul3A_200 = arith.mulf %logistic3A_192, %max3A_107 : vector<1x200xf32>
    %add3A_201 = arith.addf %mul3A_199, %mul3A_200 : vector<1x200xf32>
    %max3A_202 = arith.constant 0.000000e+00 : f32
    %max3A_203 = vector.broadcast %max3A_202 : f32 to vector<1x200xf32>
    %max3A_204 = arith.maximumf %add3A_201, %max3A_203 : vector<1x200xf32>
    %swap3A = arith.constant 0 : index
    %swap3A_205 = arith.constant 0 : index
    %swap3A_206 = vector.load %arg15[%swap3A, %swap3A_205] : memref<1x200xf32, #tpu.memory_space<vmem>>, vector<1x200xf32>
    tpu.vector_store %arg15[%swap3A, %swap3A_205], %max3A_204 {strides = array<i32>} : memref<1x200xf32, #tpu.memory_space<vmem>>, vector<1x200xf32>,
    %get3A_207 = arith.constant 0 : index
    %get3A_208 = arith.constant 0 : index
    %get3A_209 = vector.load %arg10[%get3A_207, %get3A_208] : memref<200x1024xf32, #tpu.memory_space<vmem>>, vector<200x1024xf32>
    %dot_general3A_210 = arith.constant dense<0.000000e+00> : vector<1x1024xf32>
    %dot_general3A_211 = tpu.matmul %max3A_204, %get3A_209, %dot_general3A_210 {dimension_numbers = #tpu.dot_dimension_numbers<[1], [0], [0], [1], [0, 0, 1, 1], [], []>, transpose_lhs_hint = false} : vector<1x200xf32>, vector<200x1024xf32>, vector<1x1024xf32> -> vector<1x1024xf32>
    %get3A_212 = arith.constant 0 : index
    %get3A_213 = arith.constant 0 : index
    %get3A_214 = vector.load %arg11[%get3A_212, %get3A_213] : memref<1x1024xf32, #tpu.memory_space<vmem>>, vector<1x1024xf32>
    %add3A_215 = arith.addf %dot_general3A_211, %get3A_214 : vector<1x1024xf32>
    %max3A_216 = arith.constant 0.000000e+00 : f32
    %max3A_217 = vector.broadcast %max3A_216 : f32 to vector<1x1024xf32>
    %max3A_218 = arith.maximumf %add3A_215, %max3A_217 : vector<1x1024xf32>
    %get3A_219 = arith.constant 0 : index
    %get3A_220 = arith.constant 0 : index
    %get3A_221 = vector.load %arg12[%get3A_219, %get3A_220] : memref<1024x1xf32, #tpu.memory_space<vmem>>, vector<1024x1xf32>
    %dot_general3A_222 = arith.constant dense<0.000000e+00> : vector<1x1xf32>
    %dot_general3A_223 = tpu.matmul %max3A_218, %get3A_221, %dot_general3A_222 {dimension_numbers = #tpu.dot_dimension_numbers<[1], [0], [0], [1], [0, 0, 1, 1], [], []>, transpose_lhs_hint = false} : vector<1x1024xf32>, vector<1024x1xf32>, vector<1x1xf32> -> vector<1x1xf32>
    %get3A_224 = arith.constant 0 : index
    %get3A_225 = arith.constant 0 : index
    %get3A_226 = vector.load %arg13[%get3A_224, %get3A_225] : memref<1x1xf32, #tpu.memory_space<vmem>>, vector<1x1xf32>
    %add3A_227 = arith.addf %dot_general3A_223, %get3A_226 : vector<1x1xf32>
    %swap3A_228 = arith.constant 0 : index
    %swap3A_229 = arith.constant 0 : index
    %swap3A_230 = vector.load %arg14[%swap3A_228, %swap3A_229] : memref<1x1xf32, #tpu.memory_space<vmem>>, vector<1x1xf32>
    tpu.vector_store %arg14[%swap3A_228, %swap3A_229], %add3A_227 {strides = array<i32>} : memref<1x1xf32, #tpu.memory_space<vmem>>, vector<1x1xf32>,
    return
  }
}

</mosaic_0001>

<sc_bundles>
// kernel: kernel.11.cloned.1.call-start
scs
__scs_entry_jumppad:
0x0: {  	(pc) =	sbr.rel $0x88, $3  }
0x1: {  	(tag) =	ssettag $0x0;
	lr =	simm.s32 $0x1  }
0x2: {  	[smem:$0x3F87] =	sst lr;
	_ =	strace $0xD0000000  }
0x3: {  	_ = 	snop  }
0x4: {  	_ = 	snop  }
0x5: {  	_ = 	snop  }
0x6: {  	_ = 	snop  }
0x7: {  	_ = 	snop  }
__scs_overlays_trampoline_lowered:
0x8: {  	[smem:$0x3F96] =	sst s0  }
0x9: {  	[smem:$0x3F97] =	sst s1  }
0xa: {  	[smem:$0x3F98] =	sst s2  }
0xb: {  	[smem:$0x3F99] =	sst s3  }
0xc: {  	[smem:$0x3F9A] =	sst s4  }
0xd: {  	[smem:$0x3F9B] =	sst s5  }
0xe: {  	[smem:$0x3F9C] =	sst s6  }
0xf: {  	[smem:$0x3F9D] =	sst s7  }
0x10: {  	[smem:$0x3F9E] =	sst s8  }
0x11: {  	[smem:$0x3F9F] =	sst s9;
	s0 =	simm.s32 @!p0 $0x0  }
0x12: {  	s1 =	sld [smem:$0x3F85];
	s0 =	simm.s32 @p0 $0x1  }
0x13: {  	[smem:$0x3FA0] =	sst s0;
	s0 =	simm.s32 @!p1 $0x0  }
0x14: {  	s2 =	sld [smem:$0x3F84];
	s0 =	simm.s32 @p1 $0x1  }
0x15: {  	[smem:$0x3FA1] =	sst s0;
	s0 =	simm.s32 @!p2 $0x0  }
0x16: {  	s3 =	sld [smem:$0x3FDB];
	s0 =	simm.s32 @p2 $0x1  }
0x17: {  	s4 =	simm.s32 $0x1BF5;
	[smem:$0x3FA3] =	sst s0  }
0x18: {  	s0 =	sld [smem:$0x3F86];
	_ =	swait.ge [sflag:s4], $0x0  }
0x19: {  	s7 =	sld [smem:$0x3F87]  }
0x1a: {  	s8 =	sadd.s32 $0xFFFFE003, lr  }
0x1b: {  	s9 =	sadd.s32 $0xFFFFFEF7, lr;
	s5 =	simm.s32 $0xFFFFFFFF;
	p2 =	slt.u32 s8, $0xFFFFF086  }
0x1c: {  	p1 =	slt.u32 s9, $0xF7A;
	s5 =	simm.s32 @!p2 $0x0  }
0x1d: {  	s5 =	simm.s32 @p1 $0x1;
	p0 =	seq.s32 s7, s2  }
0x1e: {  	s7 =	smul.u32 @!p0 $0xF7A, s2;
	p2 =	seq.s32 @!p0 s5, $0x0  }
0x1f: {  	s9 =	smul.u32 $0xF7A, s1;
	s8 =	simm.s32 @!p0 $0x1BF5;
	p2 =	por !p2, p0  }
0x20: {  	[sflag:s8] =	ssyncset.s32 @!p0 $0xFFFFF086;
	s6 =	sadd.s32 @!p0 s3, s7;
	s7 =	simm.s32 @!p0 $0x108  }
0x21: {  	s3 =	sadd.s32 s3, s9;
	s6 =	sadd.s32 @!p0 $0x88, s6;
	s7 =	simm.s32 @p2 $0x1082  }
0x22: {  	[simem:s7], [sflag:s8] =	dma.local @!p0 [hbm:s6], $0xF7A  }
0x23: {  	s9 =	sor.u32 $0xD0000000, s2;
	s6 =	simm.s32 $0x108;
	_ =	swait.ge @!p0 [sflag:s8], $0x0  }
0x24: {  	s3 =	sadd.s32 $0x88, s3;
	s6 =	simm.s32 @!p1 $0x1082;
	[sflag:s4] =	ssyncset.s32 $0xFFFFF086  }
0x25: {  	[simem:s6], [sflag:s4] =	dma.local [hbm:s3], $0xF7A  }
0x26: {  	[smem:$0x3F87] =	sst s1;
	(tag) =	ssettag s2;
	_ =	strace s9  }
0x27: {  	s1 =	sld [smem:$0x3F97]  }
0x28: {  	s2 =	sld [smem:$0x3F98]  }
0x29: {  	s4 =	sld [smem:$0x3F9A]  }
0x2a: {  	p0 =	seq.s32 s5, $0x0;
	s5 =	sld [smem:$0x3F9B]  }
0x2b: {  	s6 =	sld [smem:$0x3F9C]  }
0x2c: {  	s7 =	sld [smem:$0x3F9D]  }
0x2d: {  	s3 =	simm.s32 $0x108;
	s8 =	sld [smem:$0x3F9E]  }
0x2e: {  	s3 =	simm.s32 @!p0 $0x1082;
	s9 =	sld [smem:$0x3F9F]  }
0x2f: {  	lr =	sadd.s32 s0, s3;
	s0 =	sld [smem:$0x3F96]  }
0x30: {  	s3 =	sld [smem:$0x3F99]  }
0x31: {  	[smem:$0x3FA2] =	sst s10  }
0x32: {  	s10 =	sld [smem:$0x3FA0];
	_ =	sdelay $0x3  }
0x33: {  	p0 =	seq.s32 s10, $0x1;
	s10 =	sld [smem:$0x3FA2];
	_ =	sdelay $0x3  }
0x34: {  	[smem:$0x3FA2] =	sst s10  }
0x35: {  	s10 =	sld [smem:$0x3FA1];
	_ =	sdelay $0x3  }
0x36: {  	p1 =	seq.s32 s10, $0x1;
	s10 =	sld [smem:$0x3FA2];
	_ =	sdelay $0x3  }
0x37: {  	[smem:$0x3FA2] =	sst s10  }
0x38: {  	s10 =	sld [smem:$0x3FA3]  }
0x39: {  	_ = 	snop;
	(pc) =	sbr.ind lr, $3  }
0x3a: {  	_ = 	snop  }
0x3b: {  	_ = 	snop  }
0x3c: {  	p2 =	seq.s32 s10, $0x1;
	s10 =	sld [smem:$0x3FA2]  }
0x3d: {  	_ =	shalt  }
0x3e: {  	_ =	shalt  }
0x3f: {  	_ =	shalt  }
0x40: {  	_ =	shalt  }
0x41: {  	_ =	shalt  }
0x42: {  	_ =	shalt  }
0x43: {  	_ =	shalt  }
0x44: {  	_ =	shalt  }
0x45: {  	_ =	shalt  }
0x46: {  	_ =	shalt  }
0x47: {  	_ =	shalt  }
0x48: {  	_ =	shalt  }
0x49: {  	_ =	shalt  }
0x4a: {  	_ =	shalt  }
0x4b: {  	_ =	shalt  }
0x4c: {  	_ =	shalt  }
0x4d: {  	_ =	shalt  }
0x4e: {  	_ =	shalt  }
0x4f: {  	_ =	shalt  }
0x50: {  	_ =	shalt  }
0x51: {  	_ =	shalt  }
0x52: {  	_ =	shalt  }
0x53: {  	_ =	shalt  }
0x54: {  	_ =	shalt  }
0x55: {  	_ =	shalt  }
0x56: {  	_ =	shalt  }
0x57: {  	_ =	shalt  }
0x58: {  	_ =	shalt  }
0x59: {  	_ =	shalt  }
0x5a: {  	_ =	shalt  }
0x5b: {  	_ =	shalt  }
0x5c: {  	_ =	shalt  }
0x5d: {  	_ =	shalt  }
0x5e: {  	_ =	shalt  }
0x5f: {  	_ =	shalt  }
0x60: {  	_ =	shalt  }
0x61: {  	_ =	shalt  }
0x62: {  	_ =	shalt  }
0x63: {  	_ =	shalt  }
0x64: {  	_ =	shalt  }
0x65: {  	_ =	shalt  }
0x66: {  	_ =	shalt  }
0x67: {  	_ =	shalt  }
0x68: {  	_ =	shalt  }
0x69: {  	_ =	shalt  }
0x6a: {  	_ =	shalt  }
0x6b: {  	_ =	shalt  }
0x6c: {  	_ =	shalt  }
0x6d: {  	_ =	shalt  }
0x6e: {  	_ =	shalt  }
0x6f: {  	_ =	shalt  }
0x70: {  	_ =	shalt  }
0x71: {  	_ =	shalt  }
0x72: {  	_ =	shalt  }
0x73: {  	_ =	shalt  }
0x74: {  	_ =	shalt  }
0x75: {  	_ =	shalt  }
0x76: {  	_ =	shalt  }
0x77: {  	_ =	shalt  }
0x78: {  	_ =	shalt  }
0x79: {  	_ =	shalt  }
0x7a: {  	_ =	shalt  }
0x7b: {  	_ =	shalt  }
0x7c: {  	_ =	shalt  }
0x7d: {  	_ =	shalt  }
0x7e: {  	_ =	shalt  }
0x7f: {  	_ =	shalt  }
0x80: {  	_ =	shalt  }
0x81: {  	_ =	shalt  }
0x82: {  	_ =	shalt  }
0x83: {  	_ =	shalt  }
0x84: {  	_ =	shalt  }
0x85: {  	_ =	shalt  }
0x86: {  	_ =	shalt  }
0x87: {  	_ =	shalt  }
.Lfunc_end0:
.L_simem_size_0:
called_computation_lowered:
.L_overlay_start_0:
0x88: {  	s2 =	sld [smem:$0x3FD9]  }
0x89: {  	s3 =	sld [smem:$0x3FFE];
	_ =	sdelay $0x1  }
0x8a: {  	s1 =	srdreg.scid  }
0x8b: {  	s0 =	sand.u32 $0x1, s1  }
0x8c: {  	s14 =	sshll.u32 s0, $0xA;
	s2 =	sadd.s32 s3, s2  }
0x8d: {  	s2 =	sadd.s32 s2, s14  }
0x8e: {  	[smem:$0x3FAE] =	sst s2  }
0x8f: {  	_ = 	snop  }
0x90: {  	s2 =	sld [smem:$0x3FD0];
	_ =	sdelay $0x2  }
0x91: {  	s15 =	simm.s32 $0xA;
	s4 =	simm.s32 $0x10  }
0x92: {  	[smem:s4], [sflag:s15] =	dma.local [hbm:s2], $0x1  }
0x93: {  	_ =	swait.eq [sflag:s15], $0x1  }
0x94: {  	[sflag:s15] =	ssyncset.done $0x0  }
0x95: {  	[sflag:s15] =	ssyncadd.s32 $0xFFFFFFFF  }
0x96: {  	s16 =	sld [smem:$0x12];
	(tm) =	ssettm $0x1  }
0x97: {  	s17 =	sld [smem:$0x3FFB];
	_ =	sdelay $0x3  }
0x98: {  	_ =	strace s17  }
0x99: {  	s3 =	sld [smem:$0x3FFC];
	_ =	sdelay $0x3  }
0x9a: {  	_ =	strace s3  }
0x9b: {  	s3 =	sld [smem:$0x3FFD];
	_ =	sdelay $0x3  }
0x9c: {  	_ =	strace s3  }
0x9d: {  	_ =	strace $0x8FFFFFFF  }
0x9e: {  	s18 =	sld [smem:$0x3FDB];
	_ =	sdelay $0x1  }
0x9f: {  	s19 =	simm.s32 $_scs_section_size  }
0xa0: {  	s5 =	simm.s32 $_size__tile_overlayer_lowered;
	s6 =	simm.s32 $_tile_overlayer_lowered  }
0xa1: {  	s22 =	simm.s32 $0x1BFF;
	s21 =	sshll.u32 s6, $0x1;
	s3 =	sadd.s32 s19, s18  }
0xa2: {  	s7 =	simm.s32 $0x0;
	s20 =	sshll.u32 s5, $0x1;
	s5 =	sadd.s32 s21, s3  }
0xa3: {  	[timem:s7], [sflag:s22] =	dma.local [hbm:s5], s20  }
0xa4: {  	_ =	swait.ge [sflag:s22], s20  }
0xa5: {  	s4 =	ssub.s32 $0x0, s20;
	[sflag:s22] =	ssyncset.done $0x0  }
0xa6: {  	[sflag:s22] =	ssyncadd.s32 s4;
	_ =	sdelay $0x1  }
0xa7: {  	s23 =	simm.s32 $0x1B8B  }
0xa8: {  	_ =	swait.ge [sflag:s23], $0x1  }
0xa9: {  	[sflag:s23] =	ssyncset.done $0x0  }
0xaa: {  	s25 =	simm.s32 $0x1B8E;
	s24 =	sld [smem:$0x3FFE];
	[sflag:s23] =	ssyncadd.s32 $0xFFFFFFFF  }
0xab: {  	s26 =	simm.s32 $execute0_lowered;
	[smem:$0x3FD2] =	sst s25  }
0xac: {  	s5 =	sshll.u32 s26, $0x1;
	_ =	strace $0x80000046;
	[dreg:$0x1] =	wrdreg $0xFFFFFFFF  }
0xad: {  	s28 =	simm.s32 $_size_execute0_lowered;
	s3 =	sadd.s32 s3, s5;
	[dreg:$0x0] =	wrdreg $0x0  }
0xae: {  	s5 =	sshll.u32 s28, $0x1;
	[dreg:$0x2] =	wrdreg s3  }
0xaf: {  	[dreg:$0x3] =	wrdreg s5  }
0xb0: {  	[dreg:$0x4] =	wrdreg $0xC0  }
0xb1: {  	_ =	task [dreg:s7], $0x5FFFF  }
0xb2: {  	[dreg:$0x1] =	wrdreg $0xFFFFFFFF  }
0xb3: {  	[dreg:$0x0] =	wrdreg $0x60  }
0xb4: {  	[dreg:$0x2] =	wrdreg s24  }
0xb5: {  	[dreg:$0x3] =	wrdreg s16  }
0xb6: {  	[dreg:$0x4] =	wrdreg $0x0  }
0xb7: {  	[dreg:$0x5] =	wrdreg $0x27800  }
0xb8: {  	[dreg:$0x6] =	wrdreg $0x9  }
0xb9: {  	_ =	task.clear_ibuf [dreg:s7], $0x7FFFF;
	_ =	strace $0x90000046  }
0xba: {  	s29 =	simm.s32 $0x9;
	_ =	strace $0x80000048  }
0xbb: {  	_ =	swait.ge [sflag:s29], $0x1  }
0xbc: {  	[sflag:s29] =	ssyncadd.s32 $0xFFFFFFFF  }
0xbd: {  	_ =	strace $0x90000048  }
0xbe: {  	_ =	sfence  }
0xbf: {  	s30 =	sld [smem:$0x0];
	_ =	sdelay $0x2  }
0xc0: {  	s31 =	sshll.u32 s1, $0xD;
	s1 =	sshrl.u32 s1, $0x2  }
0xc1: {  	s3 =	sand.u32 $0x4000, s31;
	s1 =	sadd.s32 s1, s30  }
0xc2: {  	s0 =	sor.u32 s3, s0;
	s1 =	sshll.u32 s1, $0x11  }
0xc3: {  	s0 =	sor.u32 s1, s0  }
0xc4: {  	s0 =	sadd.s32 $0x8F2B, s0  }
0xc5: {  	[sflag:s0] =	ssyncadd.remote.s32 $0x1  }
0xc6: {  	_ =	sfence.sel $0xFFFF  }
0xc7: {  	[dreg:$0x0] =	wrdreg $0xFFFFFFFF;
	(pc) =	sbr.abs _section_cstart, $3  }
0xc8: {  	[dreg:$0x1] =	wrdreg $0xFFFFFFFF  }
0xc9: {  	_ =	task.clear_ibuf [dreg:s7], $0x2FFFF;
	_ =	strace $0x9FFFFFFF  }
0xca: {  	(tm) =	ssettm $0x7FFFFFFF  }
0xcb: {  	_ =	shalt  }
tec
execute0_lowered:
.L_overlay_start_1:
0x0: {  	(tag) =	ssettag $0x1  }
0x1: {  	s6 =	rddreg [dreg:$0x0];
	s2 =	srdreg.scid  }
0x2: {  	s0 =	stileid.u32;
	s1 =	rddreg [dreg:$0x1]  }
0x3: {  	s3 =	rddreg [dreg:$0x2];
	s8 =	smul.u32 $0x2780, s0  }
0x4: {  	s4 =	rddreg [dreg:$0x3];
	s5 =	simm.s32 $0x0;
	s11 =	smul.u32 $0x278, s0  }
0x5: {  	s17 =	simm.s32 $0x4F00;
	s7 =	sand.u32 $0x1, s2;
	s14 =	smul.u32 $0x4F00, s0  }
0x6: {  	s18 =	simm.s32 $0x4F80;
	s19 =	simm.s32 $0x80;
	s9 =	smul.u32 $0x27800, s7  }
0x7: {  	s20 =	simm.s32 $0x0;
	s2 =	rddreg [dreg:$0x4];
	s10 =	smul.u32 $0x4F000, s7  }
0x8: {  	[smem:$0x7FF] =	sst s5;
	s30 =	sshll.u32 s0, $0x6;
	s12 =	smul.u32 $0x2780, s7  }
0x9: {  	_ =	strace $0x80000047;
	s7 =	ssub.s32 $0x2, s7;
	s26 =	sshrl.u32 s8, $0x3  }
0xa: {  	s28 =	sshrl.u32 s7, $0x1;
	s15 =	sadd.s32 s8, s3;
	s16 =	sadd.s32 s8, s4  }
0xb: {  	s9 =	sadd.s32 s8, s9;
	s24 =	sadd.s32 s10, s6;
	s25 =	sadd.s32 s11, s12  }
0xc: {  	s11 =	sadd.s32 s26, s6;
	s29 =	ssub.s32 s7, s28;
	s7 =	sor.u32 $0x1C01, s30  }
0xd: {  	s9 =	sshrl.u32 s9, $0x3;
	s10 =	sshll.u32 s25, $0x1;
	s31 =	sadd.s32 s14, s24  }
0xe: {  	s14 =	simm.s32 $0x1;
	s13 =	sadd.s32 s9, s6;
	s10 =	sadd.s32 s10, s6  }
0xf: {  	s6 =	sadd.s32 $0x6C00, s11;
	s11 =	sadd.s32 $0x1A800, s31;
	s8 =	sadd.s32 $0xC2600, s10  }
0x10: {  	s9 =	sadd.s32 $0xCC400, s10;
	s10 =	smax.u32 s29, $0x1;
	s12 =	sadd.s32 $0xB8800, s13  }
0x11: {  	s13 =	sshrl.u32 s15, $0x3;
	s15 =	sshrl.u32 s16, $0x3;
	s16 =	simm.s32 $0x5780  }
.LBB2_1:
0x12: {  	[spmem:s13], [sflag:s7] =	dma.local [hbm:s6], $0x4F0  }
0x13: {  	_ =	swait.ge [sflag:s14], $0x4F0  }
0x14: {  	[sflag:s14] =	ssyncset.done $0x0  }
0x15: {  	[sflag:s14] =	ssyncadd.s32 $0xFFFFFB10  }
0x16: {  	[spmem:s15], [sflag:s7] =	dma.local [hbm:s6], $0x4F0  }
0x17: {  	_ =	swait.ge [sflag:s14], $0x4F0  }
0x18: {  	[sflag:s14] =	ssyncset.done $0x0  }
0x19: {  	[sflag:s14] =	ssyncadd.s32 $0xFFFFFB10  }
0x1a: {  	[tilespmem:s16], [sflag:$0x1] =	stream.linear.gather [hbm4b:s1+s5], $0x800, $0x38;
	[tilespmem:$0x5F80] =	vst v63  }
0x1b: {  	_ =	swait.ge [sflag:s14], $0x800  }
0x1c: {  	[sflag:s14] =	ssyncset.done $0x0  }
0x1d: {  	[sflag:s14] =	ssyncadd.s32 $0xFFFFF800  }
0x1e: {  	s21 =	sadd.s32 $0x0, s12;
	[bflag:$0x0] =	sbarrier.arrive $0xFFFF  }
0x1f: {  	[tilespmem:s17], [sflag:$0x1] =	stream.linear.gather [hbm4b:s21+s5], $0x80, $0x38;
	[tilespmem:$0x5F80] =	vst v63  }
0x20: {  	_ =	swait.ge [sflag:s14], $0x80  }
0x21: {  	[sflag:s14] =	ssyncset.done $0x0  }
0x22: {  	[sflag:s14] =	ssyncadd.s32 $0xFFFFFF80  }
0x23: {  	[tilespmem:s18], [sflag:$0x1] =	stream.linear.gather [hbm4b:s11+s5], $0x800, $0x38;
	[tilespmem:$0x5F80] =	vst v63  }
0x24: {  	_ =	swait.ge [sflag:s14], $0x800  }
0x25: {  	[sflag:s14] =	ssyncset.done $0x0  }
0x26: {  	[sflag:s14] =	ssyncadd.s32 $0xFFFFF800  }
0x27: {  	[spmem:s3] =	stream.indirect.scatter.add.f32 [tilespmem:s18], [sflag:$0x1], $0x10, s17, s19, $0xb8;
	[tilespmem:$0x5F80] =	vst v63  }
0x28: {  	_ =	swait.ge [sflag:s14], $0x800  }
0x29: {  	[sflag:s14] =	ssyncset.done $0x0  }
0x2a: {  	[sflag:s14] =	ssyncadd.s32 $0xFFFFF800  }
0x2b: {  	[spmem:s4] =	stream.indirect.scatter.add.f32 [tilespmem:s16], [sflag:$0x1], $0x10, s17, s19, $0xb8;
	[tilespmem:$0x5F80] =	vst v63  }
0x2c: {  	s22 =	simm.s32 $0x10;
	_ =	swait.ge [sflag:s14], $0x800  }
0x2d: {  	s23 =	simm.s32 $0x20;
	s21 =	sadd.s32 $0x100, s11;
	[sflag:s14] =	ssyncset.done $0x0  }
.LBB2_2:
0x2e: {  	s24 =	sadd.s32 s22, s12  }
0x2f: {  	[sflag:s14] =	ssyncadd.s32 $0xFFFFF800;
	s22 =	smov.u32 s23;
	s25 =	sadd.s32 $0x10, s23  }
0x30: {  	[tilespmem:s17], [sflag:$0x1] =	stream.linear.gather [hbm4b:s24+s5], $0x80, $0x38;
	[tilespmem:$0x5F80] =	vst v63  }
0x31: {  	p0 =	sne.s32 s23, $0x4E0;
	_ =	swait.ge [sflag:s14], $0x80  }
0x32: {  	[sflag:s14] =	ssyncset.done $0x0  }
0x33: {  	[sflag:s14] =	ssyncadd.s32 $0xFFFFFF80  }
0x34: {  	[tilespmem:s18], [sflag:$0x1] =	stream.linear.gather [hbm4b:s21+s5], $0x800, $0x38;
	[tilespmem:$0x5F80] =	vst v63  }
0x35: {  	_ =	swait.ge [sflag:s14], $0x800  }
0x36: {  	[sflag:s14] =	ssyncset.done $0x0  }
0x37: {  	[sflag:s14] =	ssyncadd.s32 $0xFFFFF800  }
0x38: {  	[spmem:s3] =	stream.indirect.scatter.add.f32 [tilespmem:s18], [sflag:$0x1], $0x10, s17, s19, $0xb8;
	[tilespmem:$0x5F80] =	vst v63  }
0x39: {  	_ =	swait.ge [sflag:s14], $0x800  }
.Ltmp0:
0x3a: {  	[sflag:s14] =	ssyncset.done $0x0;
	(pc) =	sbr.rel @p0 .LBB2_2-.Ltmp0, $4  }
0x3b: {  	[sflag:s14] =	ssyncadd.s32 $0xFFFFF800  }
0x3c: {  	[spmem:s4] =	stream.indirect.scatter.add.f32 [tilespmem:s16], [sflag:$0x1], $0x10, s17, s19, $0xb8;
	[tilespmem:$0x5F80] =	vst v63  }
0x3d: {  	_ =	swait.ge [sflag:s14], $0x800  }
0x3e: {  	s23 =	smov.u32 s25;
	s21 =	sadd.s32 $0x100, s21;
	[sflag:s14] =	ssyncset.done $0x0  }
0x3f: {  	s22 =	sadd.s32 s22, s12;
	[sflag:s14] =	ssyncadd.s32 $0xFFFFF800  }
0x40: {  	[tilespmem:s17], [sflag:$0x1] =	stream.linear.gather [hbm4b:s22+s5], $0x80, $0x38;
	[tilespmem:$0x5F80] =	vst v63  }
0x41: {  	_ =	swait.ge [sflag:s14], $0x80  }
0x42: {  	[sflag:s14] =	ssyncset.done $0x0  }
0x43: {  	[sflag:s14] =	ssyncadd.s32 $0xFFFFFF80  }
0x44: {  	[tilespmem:s18], [sflag:$0x1] =	stream.linear.gather [hbm4b:s21+s5], $0x800, $0x38;
	[tilespmem:$0x5F80] =	vst v63  }
0x45: {  	_ =	swait.ge [sflag:s14], $0x800  }
0x46: {  	[sflag:s14] =	ssyncset.done $0x0  }
0x47: {  	[sflag:s14] =	ssyncadd.s32 $0xFFFFF800  }
0x48: {  	[spmem:s3] =	stream.indirect.scatter.add.f32 [tilespmem:s18], [sflag:$0x1], $0x10, s17, s19, $0xb8;
	[tilespmem:$0x5F80] =	vst v63  }
0x49: {  	_ =	swait.ge [sflag:s14], $0x800  }
0x4a: {  	[sflag:s14] =	ssyncset.done $0x0  }
0x4b: {  	[sflag:s14] =	ssyncadd.s32 $0xFFFFF800  }
0x4c: {  	[spmem:s4] =	stream.indirect.scatter.add.f32 [tilespmem:s16], [sflag:$0x1], $0x10, s17, s19, $0xb8;
	[tilespmem:$0x5F80] =	vst v63  }
0x4d: {  	_ =	swait.ge [sflag:s14], $0x800  }
0x4e: {  	[sflag:s14] =	ssyncset.done $0x0  }
0x4f: {  	[sflag:s14] =	ssyncadd.s32 $0xFFFFF800  }
0x50: {  	[bflag:$0x0] =	sbarrier.arrive $0xFFFF  }
0x51: {  	[hbm:s8], [sflag:s7] =	dma.local [spmem:s13], $0x4F0  }
0x52: {  	s20 =	sadd.s32 $0x1, s20;
	_ =	swait.ge [sflag:s14], $0x4F0  }
0x53: {  	p0 =	sne.s32 s20, s10;
	[sflag:s14] =	ssyncset.done $0x0  }
.Ltmp1:
0x54: {  	[sflag:s14] =	ssyncadd.s32 $0xFFFFFB10;
	(pc) =	sbr.rel @p0 .LBB2_1-.Ltmp1, $4  }
0x55: {  	[hbm:s9], [sflag:s7] =	dma.local [spmem:s15], $0x4F0  }
0x56: {  	_ =	swait.ge [sflag:s14], $0x4F0  }
0x57: {  	[sflag:s14] =	ssyncset.done $0x0  }
0x58: {  	[sflag:s14] =	ssyncadd.s32 $0xFFFFFB10  }
0x59: {  	_ =	sfence.sel $0x180000  }
0x5a: {  	[bflag:$0x0] =	sbarrier.arrive $0xFFFF  }
0x5b: {  	p0 =	sne.s32 s0, $0x0;
	_ =	strace $0x90000047  }
0x5c: {  	s0 =	sadd.s32 @!p0 $0x100000, s2;
	[bflag:$0x2] =	sbarrier.arrive $0xFFFF  }
0x5d: {  	[sflag:s0] =	ssyncadd.tile.s32 @!p0 $0x1;
	_ =	shalt  }
.Lfunc_end2:
_tile_overlayer_lowered:
.L_overlay_start_2:
0x5e: {  	(tag) =	ssettag $0x2  }
0x5f: {  	s0 =	rddreg [dreg:$0x0];
	s2 =	stileid.u32  }
0x60: {  	s1 =	rddreg [dreg:$0x1];
	p0 =	sne.s32 s2, $0x0  }
0x61: {  	s3 =	rddreg [dreg:$0x2];
	[bflag:$0x3] =	sbarrier.arrive $0xFFFF;
	s2 =	simm.s32 @!p0 $0x1C01  }
0x62: {  	[timem:s3], [sflag:s2] =	dma.local @!p0 [hbm:s0], s1  }
0x63: {  	s0 =	simm.s32 @!p0 $0x1  }
0x64: {  	_ =	swait.ge @!p0 [sflag:s0], s1  }
0x65: {  	s1 =	ssub.s32 @!p0 $0x0, s1;
	[sflag:s0] =	ssyncset.done @!p0 $0x0  }
0x66: {  	[sflag:s0] =	ssyncadd.s32 @!p0 s1  }
0x67: {  	[bflag:$0x3] =	sbarrier.arrive $0xFFFF  }
0x68: {  	_ =	shalt  }

// kernel: kernel.14.cloned.1.call-start
scs
__scs_entry_jumppad:
0x0: {  	(pc) =	sbr.rel $0x88, $3  }
0x1: {  	(tag) =	ssettag $0x0;
	lr =	simm.s32 $0x1  }
0x2: {  	[smem:$0x3F87] =	sst lr;
	_ =	strace $0xD0000000  }
0x3: {  	_ = 	snop  }
0x4: {  	_ = 	snop  }
0x5: {  	_ = 	snop  }
0x6: {  	_ = 	snop  }
0x7: {  	_ = 	snop  }
__scs_overlays_trampoline_lowered:
0x8: {  	[smem:$0x3F96] =	sst s0  }
0x9: {  	[smem:$0x3F97] =	sst s1  }
0xa: {  	[smem:$0x3F98] =	sst s2  }
0xb: {  	[smem:$0x3F99] =	sst s3  }
0xc: {  	[smem:$0x3F9A] =	sst s4  }
0xd: {  	[smem:$0x3F9B] =	sst s5  }
0xe: {  	[smem:$0x3F9C] =	sst s6  }
0xf: {  	[smem:$0x3F9D] =	sst s7  }
0x10: {  	[smem:$0x3F9E] =	sst s8  }
0x11: {  	[smem:$0x3F9F] =	sst s9;
	s0 =	simm.s32 @!p0 $0x0  }
0x12: {  	s1 =	sld [smem:$0x3F85];
	s0 =	simm.s32 @p0 $0x1  }
0x13: {  	[smem:$0x3FA0] =	sst s0;
	s0 =	simm.s32 @!p1 $0x0  }
0x14: {  	s2 =	sld [smem:$0x3F84];
	s0 =	simm.s32 @p1 $0x1  }
0x15: {  	[smem:$0x3FA1] =	sst s0;
	s0 =	simm.s32 @!p2 $0x0  }
0x16: {  	s3 =	sld [smem:$0x3FDB];
	s0 =	simm.s32 @p2 $0x1  }
0x17: {  	s4 =	simm.s32 $0x1BF5;
	[smem:$0x3FA3] =	sst s0  }
0x18: {  	s0 =	sld [smem:$0x3F86];
	_ =	swait.ge [sflag:s4], $0x0  }
0x19: {  	s7 =	sld [smem:$0x3F87]  }
0x1a: {  	s8 =	sadd.s32 $0xFFFFE003, lr  }
0x1b: {  	s9 =	sadd.s32 $0xFFFFFEF7, lr;
	s5 =	simm.s32 $0xFFFFFFFF;
	p2 =	slt.u32 s8, $0xFFFFF086  }
0x1c: {  	p1 =	slt.u32 s9, $0xF7A;
	s5 =	simm.s32 @!p2 $0x0  }
0x1d: {  	s5 =	simm.s32 @p1 $0x1;
	p0 =	seq.s32 s7, s2  }
0x1e: {  	s7 =	smul.u32 @!p0 $0xF7A, s2;
	p2 =	seq.s32 @!p0 s5, $0x0  }
0x1f: {  	s9 =	smul.u32 $0xF7A, s1;
	s8 =	simm.s32 @!p0 $0x1BF5;
	p2 =	por !p2, p0  }
0x20: {  	[sflag:s8] =	ssyncset.s32 @!p0 $0xFFFFF086;
	s6 =	sadd.s32 @!p0 s3, s7;
	s7 =	simm.s32 @!p0 $0x108  }
0x21: {  	s3 =	sadd.s32 s3, s9;
	s6 =	sadd.s32 @!p0 $0x88, s6;
	s7 =	simm.s32 @p2 $0x1082  }
0x22: {  	[simem:s7], [sflag:s8] =	dma.local @!p0 [hbm:s6], $0xF7A  }
0x23: {  	s9 =	sor.u32 $0xD0000000, s2;
	s6 =	simm.s32 $0x108;
	_ =	swait.ge @!p0 [sflag:s8], $0x0  }
0x24: {  	s3 =	sadd.s32 $0x88, s3;
	s6 =	simm.s32 @!p1 $0x1082;
	[sflag:s4] =	ssyncset.s32 $0xFFFFF086  }
0x25: {  	[simem:s6], [sflag:s4] =	dma.local [hbm:s3], $0xF7A  }
0x26: {  	[smem:$0x3F87] =	sst s1;
	(tag) =	ssettag s2;
	_ =	strace s9  }
0x27: {  	s1 =	sld [smem:$0x3F97]  }
0x28: {  	s2 =	sld [smem:$0x3F98]  }
0x29: {  	s4 =	sld [smem:$0x3F9A]  }
0x2a: {  	p0 =	seq.s32 s5, $0x0;
	s5 =	sld [smem:$0x3F9B]  }
0x2b: {  	s6 =	sld [smem:$0x3F9C]  }
0x2c: {  	s7 =	sld [smem:$0x3F9D]  }
0x2d: {  	s3 =	simm.s32 $0x108;
	s8 =	sld [smem:$0x3F9E]  }
0x2e: {  	s3 =	simm.s32 @!p0 $0x1082;
	s9 =	sld [smem:$0x3F9F]  }
0x2f: {  	lr =	sadd.s32 s0, s3;
	s0 =	sld [smem:$0x3F96]  }
0x30: {  	s3 =	sld [smem:$0x3F99]  }
0x31: {  	[smem:$0x3FA2] =	sst s10  }
0x32: {  	s10 =	sld [smem:$0x3FA0];
	_ =	sdelay $0x3  }
0x33: {  	p0 =	seq.s32 s10, $0x1;
	s10 =	sld [smem:$0x3FA2];
	_ =	sdelay $0x3  }
0x34: {  	[smem:$0x3FA2] =	sst s10  }
0x35: {  	s10 =	sld [smem:$0x3FA1];
	_ =	sdelay $0x3  }
0x36: {  	p1 =	seq.s32 s10, $0x1;
	s10 =	sld [smem:$0x3FA2];
	_ =	sdelay $0x3  }
0x37: {  	[smem:$0x3FA2] =	sst s10  }
0x38: {  	s10 =	sld [smem:$0x3FA3]  }
0x39: {  	_ = 	snop;
	(pc) =	sbr.ind lr, $3  }
0x3a: {  	_ = 	snop  }
0x3b: {  	_ = 	snop  }
0x3c: {  	p2 =	seq.s32 s10, $0x1;
	s10 =	sld [smem:$0x3FA2]  }
0x3d: {  	_ =	shalt  }
0x3e: {  	_ =	shalt  }
0x3f: {  	_ =	shalt  }
0x40: {  	_ =	shalt  }
0x41: {  	_ =	shalt  }
0x42: {  	_ =	shalt  }
0x43: {  	_ =	shalt  }
0x44: {  	_ =	shalt  }
0x45: {  	_ =	shalt  }
0x46: {  	_ =	shalt  }
0x47: {  	_ =	shalt  }
0x48: {  	_ =	shalt  }
0x49: {  	_ =	shalt  }
0x4a: {  	_ =	shalt  }
0x4b: {  	_ =	shalt  }
0x4c: {  	_ =	shalt  }
0x4d: {  	_ =	shalt  }
0x4e: {  	_ =	shalt  }
0x4f: {  	_ =	shalt  }
0x50: {  	_ =	shalt  }
0x51: {  	_ =	shalt  }
0x52: {  	_ =	shalt  }
0x53: {  	_ =	shalt  }
0x54: {  	_ =	shalt  }
0x55: {  	_ =	shalt  }
0x56: {  	_ =	shalt  }
0x57: {  	_ =	shalt  }
0x58: {  	_ =	shalt  }
0x59: {  	_ =	shalt  }
0x5a: {  	_ =	shalt  }
0x5b: {  	_ =	shalt  }
0x5c: {  	_ =	shalt  }
0x5d: {  	_ =	shalt  }
0x5e: {  	_ =	shalt  }
0x5f: {  	_ =	shalt  }
0x60: {  	_ =	shalt  }
0x61: {  	_ =	shalt  }
0x62: {  	_ =	shalt  }
0x63: {  	_ =	shalt  }
0x64: {  	_ =	shalt  }
0x65: {  	_ =	shalt  }
0x66: {  	_ =	shalt  }
0x67: {  	_ =	shalt  }
0x68: {  	_ =	shalt  }
0x69: {  	_ =	shalt  }
0x6a: {  	_ =	shalt  }
0x6b: {  	_ =	shalt  }
0x6c: {  	_ =	shalt  }
0x6d: {  	_ =	shalt  }
0x6e: {  	_ =	shalt  }
0x6f: {  	_ =	shalt  }
0x70: {  	_ =	shalt  }
0x71: {  	_ =	shalt  }
0x72: {  	_ =	shalt  }
0x73: {  	_ =	shalt  }
0x74: {  	_ =	shalt  }
0x75: {  	_ =	shalt  }
0x76: {  	_ =	shalt  }
0x77: {  	_ =	shalt  }
0x78: {  	_ =	shalt  }
0x79: {  	_ =	shalt  }
0x7a: {  	_ =	shalt  }
0x7b: {  	_ =	shalt  }
0x7c: {  	_ =	shalt  }
0x7d: {  	_ =	shalt  }
0x7e: {  	_ =	shalt  }
0x7f: {  	_ =	shalt  }
0x80: {  	_ =	shalt  }
0x81: {  	_ =	shalt  }
0x82: {  	_ =	shalt  }
0x83: {  	_ =	shalt  }
0x84: {  	_ =	shalt  }
0x85: {  	_ =	shalt  }
0x86: {  	_ =	shalt  }
0x87: {  	_ =	shalt  }
.Lfunc_end0:
.L_simem_size_0:
called_computation.1_lowered:
.L_overlay_start_0:
0x88: {  	s2 =	sld [smem:$0x3FD9]  }
0x89: {  	s3 =	sld [smem:$0x3FFE];
	_ =	sdelay $0x1  }
0x8a: {  	s1 =	srdreg.scid  }
0x8b: {  	s0 =	sand.u32 $0x1, s1  }
0x8c: {  	s16 =	sshll.u32 s0, $0xA;
	s2 =	sadd.s32 s3, s2  }
0x8d: {  	s2 =	sadd.s32 s2, s16  }
0x8e: {  	[smem:$0x3FAE] =	sst s2  }
0x8f: {  	_ = 	snop  }
0x90: {  	(tm) =	ssettm $0x1  }
0x91: {  	s17 =	sld [smem:$0x3FFB];
	_ =	sdelay $0x3  }
0x92: {  	_ =	strace s17  }
0x93: {  	s2 =	sld [smem:$0x3FFC];
	_ =	sdelay $0x3  }
0x94: {  	_ =	strace s2  }
0x95: {  	s2 =	sld [smem:$0x3FFD];
	_ =	sdelay $0x3  }
0x96: {  	_ =	strace s2  }
0x97: {  	_ =	strace $0x8FFFFFFF  }
0x98: {  	s18 =	sld [smem:$0x3FDB];
	_ =	sdelay $0x1  }
0x99: {  	s19 =	simm.s32 $_scs_section_size  }
0x9a: {  	s4 =	simm.s32 $_size__tile_overlayer_lowered;
	s5 =	simm.s32 $_tile_overlayer_lowered  }
0x9b: {  	s22 =	simm.s32 $0x1BFF;
	s21 =	sshll.u32 s5, $0x1;
	s2 =	sadd.s32 s19, s18  }
0x9c: {  	s6 =	simm.s32 $0x0;
	s20 =	sshll.u32 s4, $0x1;
	s4 =	sadd.s32 s21, s2  }
0x9d: {  	[timem:s6], [sflag:s22] =	dma.local [hbm:s4], s20  }
0x9e: {  	_ =	swait.ge [sflag:s22], s20  }
0x9f: {  	s3 =	ssub.s32 $0x0, s20;
	[sflag:s22] =	ssyncset.done $0x0  }
0xa0: {  	[sflag:s22] =	ssyncadd.s32 s3;
	_ =	sdelay $0x1  }
0xa1: {  	s23 =	simm.s32 $0x1B8B  }
0xa2: {  	_ =	swait.ge [sflag:s23], $0x1  }
0xa3: {  	[sflag:s23] =	ssyncset.done $0x0  }
0xa4: {  	s25 =	simm.s32 $0x1B8E;
	s24 =	sld [smem:$0x3FFE];
	[sflag:s23] =	ssyncadd.s32 $0xFFFFFFFF  }
0xa5: {  	s26 =	simm.s32 $execute0_lowered;
	[smem:$0x3FD2] =	sst s25  }
0xa6: {  	s4 =	sshll.u32 s26, $0x1;
	_ =	strace $0x80000049;
	[dreg:$0x1] =	wrdreg $0xFFFFFFFF  }
0xa7: {  	s28 =	simm.s32 $_size_execute0_lowered;
	s2 =	sadd.s32 s2, s4;
	[dreg:$0x0] =	wrdreg $0x0  }
0xa8: {  	s4 =	sshll.u32 s28, $0x1;
	[dreg:$0x2] =	wrdreg s2  }
0xa9: {  	[dreg:$0x3] =	wrdreg s4  }
0xaa: {  	[dreg:$0x4] =	wrdreg $0xC0  }
0xab: {  	_ =	task [dreg:s6], $0x5FFFF  }
0xac: {  	[dreg:$0x1] =	wrdreg $0xFFFFFFFF  }
0xad: {  	[dreg:$0x0] =	wrdreg $0x60  }
0xae: {  	[dreg:$0x2] =	wrdreg s24  }
0xaf: {  	[dreg:$0x3] =	wrdreg $0x0  }
0xb0: {  	[dreg:$0x4] =	wrdreg $0x9  }
0xb1: {  	_ =	task.clear_ibuf [dreg:s6], $0x5FFFF;
	_ =	strace $0x90000049  }
0xb2: {  	s29 =	simm.s32 $0x9;
	_ =	strace $0x8000004B  }
0xb3: {  	_ =	swait.ge [sflag:s29], $0x1  }
0xb4: {  	[sflag:s29] =	ssyncadd.s32 $0xFFFFFFFF  }
0xb5: {  	_ =	strace $0x9000004B  }
0xb6: {  	_ =	sfence  }
0xb7: {  	s30 =	sld [smem:$0x0];
	_ =	sdelay $0x2  }
0xb8: {  	s31 =	sshll.u32 s1, $0xD;
	s1 =	sshrl.u32 s1, $0x2  }
0xb9: {  	s3 =	sand.u32 $0x4000, s31;
	s1 =	sadd.s32 s1, s30  }
0xba: {  	s0 =	sor.u32 s3, s0;
	s1 =	sshll.u32 s1, $0x11  }
0xbb: {  	s0 =	sor.u32 s1, s0  }
0xbc: {  	s0 =	sadd.s32 $0x8F2B, s0  }
0xbd: {  	[sflag:s0] =	ssyncadd.remote.s32 $0x1  }
0xbe: {  	_ =	sfence.sel $0xFFFF  }
0xbf: {  	[dreg:$0x0] =	wrdreg $0xFFFFFFFF;
	(pc) =	sbr.abs _section_cstart, $3  }
0xc0: {  	[dreg:$0x1] =	wrdreg $0xFFFFFFFF  }
0xc1: {  	_ =	task.clear_ibuf [dreg:s6], $0x2FFFF;
	_ =	strace $0x9FFFFFFF  }
0xc2: {  	(tm) =	ssettm $0x7FFFFFFF  }
0xc3: {  	_ =	shalt  }
tec
execute0_lowered:
.L_overlay_start_1:
0x0: {  	(tag) =	ssettag $0x1  }
0x1: {  	s6 =	rddreg [dreg:$0x0]  }
0x2: {  	s2 =	rddreg [dreg:$0x1]  }
0x3: {  	s0 =	srdreg.scid;
	s1 =	rddreg [dreg:$0x2];
	s3 =	simm.s32 $0x0  }
0x4: {  	s15 =	simm.s32 $0x13C00;
	s16 =	simm.s32 $0x13C80;
	s7 =	sand.u32 $0x1, s0  }
0x5: {  	s17 =	simm.s32 $0x80;
	s0 =	stileid.u32;
	s4 =	smul.u32 $0x27800, s7  }
0x6: {  	s18 =	simm.s32 $0x13D00;
	s19 =	simm.s32 $0x1;
	s5 =	smul.u32 $0x2780, s0  }
0x7: {  	s20 =	simm.s32 $0x0;
	[smem:$0x7FF] =	sst s3;
	s8 =	smul.u32 $0x278, s0  }
0x8: {  	s9 =	smul.u32 $0x2780, s7;
	_ =	strace $0x8000004A;
	s7 =	ssub.s32 $0x2, s7  }
0x9: {  	s10 =	smul.u32 $0x13C00, s0;
	s31 =	sshll.u32 s0, $0x6;
	s30 =	sshrl.u32 s7, $0x1  }
0xa: {  	s4 =	sadd.s32 s5, s4;
	s5 =	sadd.s32 $0x15A00, s6;
	s8 =	sadd.s32 s8, s9  }
0xb: {  	s29 =	sshrl.u32 s10, $0x3;
	s13 =	ssub.s32 s7, s30;
	s14 =	sadd.s32 s10, s2  }
0xc: {  	s7 =	sor.u32 $0x1C02, s31;
	s4 =	sshrl.u32 s4, $0x3;
	s8 =	sshll.u32 s8, $0x4  }
0xd: {  	s9 =	sadd.s32 s29, s6;
	s10 =	smax.u32 s13, $0x1;
	s13 =	sshrl.u32 s14, $0x3  }
0xe: {  	s14 =	simm.s32 $0x2;
	s12 =	sadd.s32 s4, s6;
	s11 =	sadd.s32 s8, s6  }
0xf: {  	s4 =	sadd.s32 $0x3CC00, s6;
	s6 =	sadd.s32 $0x63E00, s9;
	s8 =	sadd.s32 $0x110800, s11  }
0x10: {  	s9 =	sadd.s32 $0x15F800, s11;
	s11 =	sadd.s32 $0xB8800, s12;
	s12 =	sadd.s32 $0xBC00, s12  }
.LBB2_1:
0x11: {  	[spmem:s13], [sflag:s7] =	dma.local [hbm:s6], $0x2780  }
0x12: {  	_ =	swait.ge [sflag:s14], $0x2780  }
0x13: {  	[sflag:s14] =	ssyncset.done $0x0  }
0x14: {  	[sflag:s14] =	ssyncadd.s32 $0xFFFFD880  }
0x15: {  	s21 =	sadd.s32 $0x0, s12;
	[bflag:$0x0] =	sbarrier.arrive $0xFFFF  }
0x16: {  	[tilespmem:s15], [sflag:$0x2] =	stream.linear.gather [hbm4b:s21+s3], $0x80, $0x38;
	[tilespmem:$0x17D00] =	vst v63  }
0x17: {  	_ =	swait.ge [sflag:s14], $0x80  }
0x18: {  	[sflag:s14] =	ssyncset.done $0x0  }
0x19: {  	s31 =	sadd.s32 $0x0, s11;
	[sflag:s14] =	ssyncadd.s32 $0xFFFFFF80  }
0x1a: {  	[tilespmem:s16], [sflag:$0x2] =	stream.linear.gather [hbm4b:s31+s3], $0x80, $0x38;
	[tilespmem:$0x17D00] =	vst v63  }
0x1b: {  	_ =	swait.ge [sflag:s14], $0x80  }
0x1c: {  	[sflag:s14] =	ssyncset.done $0x0  }
0x1d: {  	[sflag:s14] =	ssyncadd.s32 $0xFFFFFF80  }
0x1e: {  	[tilespmem:s18], [sflag:$0x1] =	stream.indirect.gather [hbm4b:s4+s17], $0x80, s15, s17, $0xb8;
	[tilespmem:$0x17D00] =	vst v63  }
0x1f: {  	_ =	swait.ge [sflag:s19], $0x4000  }
0x20: {  	[sflag:s19] =	ssyncset.done $0x0  }
0x21: {  	[sflag:s19] =	ssyncadd.s32 $0xFFFFC000  }
0x22: {  	[spmem:s2] =	stream.indirect.scatter.add.f32 [tilespmem:s18], [sflag:$0x2], $0x80, s16, s17, $0xb8;
	[tilespmem:$0x17D00] =	vst v63  }
0x23: {  	_ =	swait.ge [sflag:s14], $0x4000  }
0x24: {  	s22 =	simm.s32 $0x20;
	s21 =	simm.s32 $0x10;
	[sflag:s14] =	ssyncset.done $0x0  }
.LBB2_2:
0x25: {  	s23 =	sadd.s32 s21, s12  }
0x26: {  	[sflag:s14] =	ssyncadd.s32 $0xFFFFC000;
	s24 =	smov.u32 s22;
	s25 =	sadd.s32 $0x10, s22  }
0x27: {  	[tilespmem:s15], [sflag:$0x2] =	stream.linear.gather [hbm4b:s23+s3], $0x80, $0x38;
	[tilespmem:$0x17D00] =	vst v63  }
0x28: {  	p0 =	sne.s32 s22, $0x4E0;
	_ =	swait.ge [sflag:s14], $0x80  }
0x29: {  	[sflag:s14] =	ssyncset.done $0x0  }
0x2a: {  	s22 =	sadd.s32 s21, s11;
	s21 =	smov.u32 s24;
	[sflag:s14] =	ssyncadd.s32 $0xFFFFFF80  }
0x2b: {  	[tilespmem:s16], [sflag:$0x2] =	stream.linear.gather [hbm4b:s22+s3], $0x80, $0x38;
	[tilespmem:$0x17D00] =	vst v63  }
0x2c: {  	_ =	swait.ge [sflag:s14], $0x80  }
0x2d: {  	[sflag:s14] =	ssyncset.done $0x0  }
0x2e: {  	[sflag:s14] =	ssyncadd.s32 $0xFFFFFF80  }
0x2f: {  	[tilespmem:s18], [sflag:$0x1] =	stream.indirect.gather [hbm4b:s4+s17], $0x80, s15, s17, $0xb8;
	[tilespmem:$0x17D00] =	vst v63  }
0x30: {  	_ =	swait.ge [sflag:s19], $0x4000  }
.Ltmp0:
0x31: {  	[sflag:s19] =	ssyncset.done $0x0;
	(pc) =	sbr.rel @p0 .LBB2_2-.Ltmp0, $4  }
0x32: {  	[sflag:s19] =	ssyncadd.s32 $0xFFFFC000  }
0x33: {  	[spmem:s2] =	stream.indirect.scatter.add.f32 [tilespmem:s18], [sflag:$0x2], $0x80, s16, s17, $0xb8;
	[tilespmem:$0x17D00] =	vst v63  }
0x34: {  	_ =	swait.ge [sflag:s14], $0x4000  }
0x35: {  	s22 =	smov.u32 s25;
	[sflag:s14] =	ssyncset.done $0x0  }
0x36: {  	s22 =	sadd.s32 s21, s12;
	[sflag:s14] =	ssyncadd.s32 $0xFFFFC000  }
0x37: {  	[tilespmem:s15], [sflag:$0x2] =	stream.linear.gather [hbm4b:s22+s3], $0x80, $0x38;
	[tilespmem:$0x17D00] =	vst v63  }
0x38: {  	_ =	swait.ge [sflag:s14], $0x80  }
0x39: {  	[sflag:s14] =	ssyncset.done $0x0  }
0x3a: {  	s29 =	sadd.s32 s21, s11;
	[sflag:s14] =	ssyncadd.s32 $0xFFFFFF80  }
0x3b: {  	[tilespmem:s16], [sflag:$0x2] =	stream.linear.gather [hbm4b:s29+s3], $0x80, $0x38;
	[tilespmem:$0x17D00] =	vst v63  }
0x3c: {  	_ =	swait.ge [sflag:s14], $0x80  }
0x3d: {  	[sflag:s14] =	ssyncset.done $0x0  }
0x3e: {  	[sflag:s14] =	ssyncadd.s32 $0xFFFFFF80  }
0x3f: {  	[tilespmem:s18], [sflag:$0x1] =	stream.indirect.gather [hbm4b:s4+s17], $0x80, s15, s17, $0xb8;
	[tilespmem:$0x17D00] =	vst v63  }
0x40: {  	_ =	swait.ge [sflag:s19], $0x4000  }
0x41: {  	[sflag:s19] =	ssyncset.done $0x0  }
0x42: {  	[sflag:s19] =	ssyncadd.s32 $0xFFFFC000  }
0x43: {  	[spmem:s2] =	stream.indirect.scatter.add.f32 [tilespmem:s18], [sflag:$0x2], $0x80, s16, s17, $0xb8;
	[tilespmem:$0x17D00] =	vst v63  }
0x44: {  	_ =	swait.ge [sflag:s14], $0x4000  }
0x45: {  	[sflag:s14] =	ssyncset.done $0x0  }
0x46: {  	[sflag:s14] =	ssyncadd.s32 $0xFFFFC000  }
0x47: {  	[bflag:$0x0] =	sbarrier.arrive $0xFFFF  }
0x48: {  	[hbm:s8], [sflag:s7] =	dma.local [spmem:s13], $0x2780  }
0x49: {  	_ =	swait.ge [sflag:s14], $0x2780  }
0x4a: {  	[sflag:s14] =	ssyncset.done $0x0  }
0x4b: {  	[sflag:s14] =	ssyncadd.s32 $0xFFFFD880  }
0x4c: {  	[bflag:$0x0] =	sbarrier.arrive $0xFFFF  }
0x4d: {  	[spmem:s13], [sflag:s7] =	dma.local [hbm:s6], $0x2780  }
0x4e: {  	_ =	swait.ge [sflag:s14], $0x2780  }
0x4f: {  	[sflag:s14] =	ssyncset.done $0x0  }
0x50: {  	[sflag:s14] =	ssyncadd.s32 $0xFFFFD880  }
0x51: {  	s30 =	sadd.s32 $0x0, s12;
	[bflag:$0x0] =	sbarrier.arrive $0xFFFF  }
0x52: {  	[tilespmem:s15], [sflag:$0x2] =	stream.linear.gather [hbm4b:s30+s3], $0x80, $0x38;
	[tilespmem:$0x17D00] =	vst v63  }
0x53: {  	_ =	swait.ge [sflag:s14], $0x80  }
0x54: {  	[sflag:s14] =	ssyncset.done $0x0  }
0x55: {  	s31 =	sadd.s32 $0x0, s11;
	[sflag:s14] =	ssyncadd.s32 $0xFFFFFF80  }
0x56: {  	[tilespmem:s16], [sflag:$0x2] =	stream.linear.gather [hbm4b:s31+s3], $0x80, $0x38;
	[tilespmem:$0x17D00] =	vst v63  }
0x57: {  	_ =	swait.ge [sflag:s14], $0x80  }
0x58: {  	[sflag:s14] =	ssyncset.done $0x0  }
0x59: {  	[sflag:s14] =	ssyncadd.s32 $0xFFFFFF80  }
0x5a: {  	[tilespmem:s18], [sflag:$0x1] =	stream.indirect.gather [hbm4b:s5+s17], $0x80, s15, s17, $0xb8;
	[tilespmem:$0x17D00] =	vst v63  }
0x5b: {  	_ =	swait.ge [sflag:s19], $0x4000  }
0x5c: {  	[sflag:s19] =	ssyncset.done $0x0  }
0x5d: {  	[sflag:s19] =	ssyncadd.s32 $0xFFFFC000  }
0x5e: {  	[spmem:s2] =	stream.indirect.scatter.add.f32 [tilespmem:s18], [sflag:$0x2], $0x80, s16, s17, $0xb8;
	[tilespmem:$0x17D00] =	vst v63  }
0x5f: {  	_ =	swait.ge [sflag:s14], $0x4000  }
0x60: {  	s21 =	simm.s32 $0x10;
	s22 =	simm.s32 $0x20;
	[sflag:s14] =	ssyncset.done $0x0  }
.LBB2_4:
0x61: {  	s23 =	sadd.s32 s21, s12  }
0x62: {  	[sflag:s14] =	ssyncadd.s32 $0xFFFFC000;
	s24 =	smov.u32 s22;
	s25 =	sadd.s32 $0x10, s22  }
0x63: {  	[tilespmem:s15], [sflag:$0x2] =	stream.linear.gather [hbm4b:s23+s3], $0x80, $0x38;
	[tilespmem:$0x17D00] =	vst v63  }
0x64: {  	p0 =	sne.s32 s22, $0x4E0;
	_ =	swait.ge [sflag:s14], $0x80  }
0x65: {  	[sflag:s14] =	ssyncset.done $0x0  }
0x66: {  	s22 =	sadd.s32 s21, s11;
	s21 =	smov.u32 s24;
	[sflag:s14] =	ssyncadd.s32 $0xFFFFFF80  }
0x67: {  	[tilespmem:s16], [sflag:$0x2] =	stream.linear.gather [hbm4b:s22+s3], $0x80, $0x38;
	[tilespmem:$0x17D00] =	vst v63  }
0x68: {  	_ =	swait.ge [sflag:s14], $0x80  }
0x69: {  	[sflag:s14] =	ssyncset.done $0x0  }
0x6a: {  	[sflag:s14] =	ssyncadd.s32 $0xFFFFFF80  }
0x6b: {  	[tilespmem:s18], [sflag:$0x1] =	stream.indirect.gather [hbm4b:s5+s17], $0x80, s15, s17, $0xb8;
	[tilespmem:$0x17D00] =	vst v63  }
0x6c: {  	_ =	swait.ge [sflag:s19], $0x4000  }
.Ltmp1:
0x6d: {  	[sflag:s19] =	ssyncset.done $0x0;
	(pc) =	sbr.rel @p0 .LBB2_4-.Ltmp1, $4  }
0x6e: {  	[sflag:s19] =	ssyncadd.s32 $0xFFFFC000  }
0x6f: {  	[spmem:s2] =	stream.indirect.scatter.add.f32 [tilespmem:s18], [sflag:$0x2], $0x80, s16, s17, $0xb8;
	[tilespmem:$0x17D00] =	vst v63  }
0x70: {  	_ =	swait.ge [sflag:s14], $0x4000  }
0x71: {  	s22 =	smov.u32 s25;
	[sflag:s14] =	ssyncset.done $0x0  }
0x72: {  	s22 =	sadd.s32 s21, s12;
	[sflag:s14] =	ssyncadd.s32 $0xFFFFC000  }
0x73: {  	[tilespmem:s15], [sflag:$0x2] =	stream.linear.gather [hbm4b:s22+s3], $0x80, $0x38;
	[tilespmem:$0x17D00] =	vst v63  }
0x74: {  	_ =	swait.ge [sflag:s14], $0x80  }
0x75: {  	[sflag:s14] =	ssyncset.done $0x0  }
0x76: {  	s31 =	sadd.s32 s21, s11;
	[sflag:s14] =	ssyncadd.s32 $0xFFFFFF80  }
0x77: {  	[tilespmem:s16], [sflag:$0x2] =	stream.linear.gather [hbm4b:s31+s3], $0x80, $0x38;
	[tilespmem:$0x17D00] =	vst v63  }
0x78: {  	_ =	swait.ge [sflag:s14], $0x80  }
0x79: {  	[sflag:s14] =	ssyncset.done $0x0  }
0x7a: {  	[sflag:s14] =	ssyncadd.s32 $0xFFFFFF80  }
0x7b: {  	[tilespmem:s18], [sflag:$0x1] =	stream.indirect.gather [hbm4b:s5+s17], $0x80, s15, s17, $0xb8;
	[tilespmem:$0x17D00] =	vst v63  }
0x7c: {  	_ =	swait.ge [sflag:s19], $0x4000  }
0x7d: {  	[sflag:s19] =	ssyncset.done $0x0  }
0x7e: {  	[sflag:s19] =	ssyncadd.s32 $0xFFFFC000  }
0x7f: {  	[spmem:s2] =	stream.indirect.scatter.add.f32 [tilespmem:s18], [sflag:$0x2], $0x80, s16, s17, $0xb8;
	[tilespmem:$0x17D00] =	vst v63  }
0x80: {  	_ =	swait.ge [sflag:s14], $0x4000  }
0x81: {  	[sflag:s14] =	ssyncset.done $0x0  }
0x82: {  	s20 =	sadd.s32 $0x1, s20;
	[sflag:s14] =	ssyncadd.s32 $0xFFFFC000  }
0x83: {  	p0 =	sne.s32 s20, s10;
	[bflag:$0x0] =	sbarrier.arrive $0xFFFF  }
0x84: {  	[hbm:s9], [sflag:s7] =	dma.local [spmem:s13], $0x2780  }
.Ltmp2:
0x85: {  	_ =	swait.ge [sflag:s14], $0x2780;
	(pc) =	sbr.rel @p0 .LBB2_1-.Ltmp2, $3  }
0x86: {  	[sflag:s14] =	ssyncset.done $0x0  }
0x87: {  	[sflag:s14] =	ssyncadd.s32 $0xFFFFD880  }
0x88: {  	[bflag:$0x0] =	sbarrier.arrive $0xFFFF;
	_ =	sdelay $0x1  }
0x89: {  	_ =	sfence.sel $0x180000  }
0x8a: {  	[bflag:$0x0] =	sbarrier.arrive $0xFFFF  }
0x8b: {  	p0 =	sne.s32 s0, $0x0;
	_ =	strace $0x9000004A  }
0x8c: {  	s0 =	sadd.s32 @!p0 $0x100000, s1;
	[bflag:$0x2] =	sbarrier.arrive $0xFFFF  }
0x8d: {  	[sflag:s0] =	ssyncadd.tile.s32 @!p0 $0x1;
	_ =	shalt  }
.Lfunc_end2:
_tile_overlayer_lowered:
.L_overlay_start_2:
0x8e: {  	(tag) =	ssettag $0x2  }
0x8f: {  	s0 =	rddreg [dreg:$0x0];
	s2 =	stileid.u32  }
0x90: {  	s1 =	rddreg [dreg:$0x1];
	p0 =	sne.s32 s2, $0x0  }
0x91: {  	s3 =	rddreg [dreg:$0x2];
	[bflag:$0x3] =	sbarrier.arrive $0xFFFF;
	s2 =	simm.s32 @!p0 $0x1C02  }
0x92: {  	[timem:s3], [sflag:s2] =	dma.local @!p0 [hbm:s0], s1  }
0x93: {  	s0 =	simm.s32 @!p0 $0x2  }
0x94: {  	_ =	swait.ge @!p0 [sflag:s0], s1  }
0x95: {  	s1 =	ssub.s32 @!p0 $0x0, s1;
	[sflag:s0] =	ssyncset.done @!p0 $0x0  }
0x96: {  	[sflag:s0] =	ssyncadd.s32 @!p0 s1  }
0x97: {  	[bflag:$0x3] =	sbarrier.arrive $0xFFFF  }
0x98: {  	_ =	shalt  }

// kernel: kernel.17.cloned.1.call-start
scs
__scs_entry_jumppad:
0x0: {  	(pc) =	sbr.rel $0x88, $3  }
0x1: {  	(tag) =	ssettag $0x0;
	lr =	simm.s32 $0x1  }
0x2: {  	[smem:$0x3F87] =	sst lr;
	_ =	strace $0xD0000000  }
0x3: {  	_ = 	snop  }
0x4: {  	_ = 	snop  }
0x5: {  	_ = 	snop  }
0x6: {  	_ = 	snop  }
0x7: {  	_ = 	snop  }
__scs_overlays_trampoline_lowered:
0x8: {  	[smem:$0x3F96] =	sst s0  }
0x9: {  	[smem:$0x3F97] =	sst s1  }
0xa: {  	[smem:$0x3F98] =	sst s2  }
0xb: {  	[smem:$0x3F99] =	sst s3  }
0xc: {  	[smem:$0x3F9A] =	sst s4  }
0xd: {  	[smem:$0x3F9B] =	sst s5  }
0xe: {  	[smem:$0x3F9C] =	sst s6  }
0xf: {  	[smem:$0x3F9D] =	sst s7  }
0x10: {  	[smem:$0x3F9E] =	sst s8  }
0x11: {  	[smem:$0x3F9F] =	sst s9;
	s0 =	simm.s32 @!p0 $0x0  }
0x12: {  	s1 =	sld [smem:$0x3F85];
	s0 =	simm.s32 @p0 $0x1  }
0x13: {  	[smem:$0x3FA0] =	sst s0;
	s0 =	simm.s32 @!p1 $0x0  }
0x14: {  	s2 =	sld [smem:$0x3F84];
	s0 =	simm.s32 @p1 $0x1  }
0x15: {  	[smem:$0x3FA1] =	sst s0;
	s0 =	simm.s32 @!p2 $0x0  }
0x16: {  	s3 =	sld [smem:$0x3FDB];
	s0 =	simm.s32 @p2 $0x1  }
0x17: {  	s4 =	simm.s32 $0x1BF5;
	[smem:$0x3FA3] =	sst s0  }
0x18: {  	s0 =	sld [smem:$0x3F86];
	_ =	swait.ge [sflag:s4], $0x0  }
0x19: {  	s7 =	sld [smem:$0x3F87]  }
0x1a: {  	s8 =	sadd.s32 $0xFFFFE003, lr  }
0x1b: {  	s9 =	sadd.s32 $0xFFFFFEF7, lr;
	s5 =	simm.s32 $0xFFFFFFFF;
	p2 =	slt.u32 s8, $0xFFFFF086  }
0x1c: {  	p1 =	slt.u32 s9, $0xF7A;
	s5 =	simm.s32 @!p2 $0x0  }
0x1d: {  	s5 =	simm.s32 @p1 $0x1;
	p0 =	seq.s32 s7, s2  }
0x1e: {  	s7 =	smul.u32 @!p0 $0xF7A, s2;
	p2 =	seq.s32 @!p0 s5, $0x0  }
0x1f: {  	s9 =	smul.u32 $0xF7A, s1;
	s8 =	simm.s32 @!p0 $0x1BF5;
	p2 =	por !p2, p0  }
0x20: {  	[sflag:s8] =	ssyncset.s32 @!p0 $0xFFFFF086;
	s6 =	sadd.s32 @!p0 s3, s7;
	s7 =	simm.s32 @!p0 $0x108  }
0x21: {  	s3 =	sadd.s32 s3, s9;
	s6 =	sadd.s32 @!p0 $0x88, s6;
	s7 =	simm.s32 @p2 $0x1082  }
0x22: {  	[simem:s7], [sflag:s8] =	dma.local @!p0 [hbm:s6], $0xF7A  }
0x23: {  	s9 =	sor.u32 $0xD0000000, s2;
	s6 =	simm.s32 $0x108;
	_ =	swait.ge @!p0 [sflag:s8], $0x0  }
0x24: {  	s3 =	sadd.s32 $0x88, s3;
	s6 =	simm.s32 @!p1 $0x1082;
	[sflag:s4] =	ssyncset.s32 $0xFFFFF086  }
0x25: {  	[simem:s6], [sflag:s4] =	dma.local [hbm:s3], $0xF7A  }
0x26: {  	[smem:$0x3F87] =	sst s1;
	(tag) =	ssettag s2;
	_ =	strace s9  }
0x27: {  	s1 =	sld [smem:$0x3F97]  }
0x28: {  	s2 =	sld [smem:$0x3F98]  }
0x29: {  	s4 =	sld [smem:$0x3F9A]  }
0x2a: {  	p0 =	seq.s32 s5, $0x0;
	s5 =	sld [smem:$0x3F9B]  }
0x2b: {  	s6 =	sld [smem:$0x3F9C]  }
0x2c: {  	s7 =	sld [smem:$0x3F9D]  }
0x2d: {  	s3 =	simm.s32 $0x108;
	s8 =	sld [smem:$0x3F9E]  }
0x2e: {  	s3 =	simm.s32 @!p0 $0x1082;
	s9 =	sld [smem:$0x3F9F]  }
0x2f: {  	lr =	sadd.s32 s0, s3;
	s0 =	sld [smem:$0x3F96]  }
0x30: {  	s3 =	sld [smem:$0x3F99]  }
0x31: {  	[smem:$0x3FA2] =	sst s10  }
0x32: {  	s10 =	sld [smem:$0x3FA0];
	_ =	sdelay $0x3  }
0x33: {  	p0 =	seq.s32 s10, $0x1;
	s10 =	sld [smem:$0x3FA2];
	_ =	sdelay $0x3  }
0x34: {  	[smem:$0x3FA2] =	sst s10  }
0x35: {  	s10 =	sld [smem:$0x3FA1];
	_ =	sdelay $0x3  }
0x36: {  	p1 =	seq.s32 s10, $0x1;
	s10 =	sld [smem:$0x3FA2];
	_ =	sdelay $0x3  }
0x37: {  	[smem:$0x3FA2] =	sst s10  }
0x38: {  	s10 =	sld [smem:$0x3FA3]  }
0x39: {  	_ = 	snop;
	(pc) =	sbr.ind lr, $3  }
0x3a: {  	_ = 	snop  }
0x3b: {  	_ = 	snop  }
0x3c: {  	p2 =	seq.s32 s10, $0x1;
	s10 =	sld [smem:$0x3FA2]  }
0x3d: {  	_ =	shalt  }
0x3e: {  	_ =	shalt  }
0x3f: {  	_ =	shalt  }
0x40: {  	_ =	shalt  }
0x41: {  	_ =	shalt  }
0x42: {  	_ =	shalt  }
0x43: {  	_ =	shalt  }
0x44: {  	_ =	shalt  }
0x45: {  	_ =	shalt  }
0x46: {  	_ =	shalt  }
0x47: {  	_ =	shalt  }
0x48: {  	_ =	shalt  }
0x49: {  	_ =	shalt  }
0x4a: {  	_ =	shalt  }
0x4b: {  	_ =	shalt  }
0x4c: {  	_ =	shalt  }
0x4d: {  	_ =	shalt  }
0x4e: {  	_ =	shalt  }
0x4f: {  	_ =	shalt  }
0x50: {  	_ =	shalt  }
0x51: {  	_ =	shalt  }
0x52: {  	_ =	shalt  }
0x53: {  	_ =	shalt  }
0x54: {  	_ =	shalt  }
0x55: {  	_ =	shalt  }
0x56: {  	_ =	shalt  }
0x57: {  	_ =	shalt  }
0x58: {  	_ =	shalt  }
0x59: {  	_ =	shalt  }
0x5a: {  	_ =	shalt  }
0x5b: {  	_ =	shalt  }
0x5c: {  	_ =	shalt  }
0x5d: {  	_ =	shalt  }
0x5e: {  	_ =	shalt  }
0x5f: {  	_ =	shalt  }
0x60: {  	_ =	shalt  }
0x61: {  	_ =	shalt  }
0x62: {  	_ =	shalt  }
0x63: {  	_ =	shalt  }
0x64: {  	_ =	shalt  }
0x65: {  	_ =	shalt  }
0x66: {  	_ =	shalt  }
0x67: {  	_ =	shalt  }
0x68: {  	_ =	shalt  }
0x69: {  	_ =	shalt  }
0x6a: {  	_ =	shalt  }
0x6b: {  	_ =	shalt  }
0x6c: {  	_ =	shalt  }
0x6d: {  	_ =	shalt  }
0x6e: {  	_ =	shalt  }
0x6f: {  	_ =	shalt  }
0x70: {  	_ =	shalt  }
0x71: {  	_ =	shalt  }
0x72: {  	_ =	shalt  }
0x73: {  	_ =	shalt  }
0x74: {  	_ =	shalt  }
0x75: {  	_ =	shalt  }
0x76: {  	_ =	shalt  }
0x77: {  	_ =	shalt  }
0x78: {  	_ =	shalt  }
0x79: {  	_ =	shalt  }
0x7a: {  	_ =	shalt  }
0x7b: {  	_ =	shalt  }
0x7c: {  	_ =	shalt  }
0x7d: {  	_ =	shalt  }
0x7e: {  	_ =	shalt  }
0x7f: {  	_ =	shalt  }
0x80: {  	_ =	shalt  }
0x81: {  	_ =	shalt  }
0x82: {  	_ =	shalt  }
0x83: {  	_ =	shalt  }
0x84: {  	_ =	shalt  }
0x85: {  	_ =	shalt  }
0x86: {  	_ =	shalt  }
0x87: {  	_ =	shalt  }
.Lfunc_end0:
.L_simem_size_0:
called_computation.2_lowered:
.L_overlay_start_0:
0x88: {  	s2 =	sld [smem:$0x3FD9]  }
0x89: {  	s3 =	sld [smem:$0x3FFE];
	_ =	sdelay $0x1  }
0x8a: {  	s1 =	srdreg.scid  }
0x8b: {  	s0 =	sand.u32 $0x1, s1  }
0x8c: {  	s16 =	sshll.u32 s0, $0xA;
	s2 =	sadd.s32 s3, s2  }
0x8d: {  	s2 =	sadd.s32 s2, s16  }
0x8e: {  	[smem:$0x3FAE] =	sst s2  }
0x8f: {  	_ = 	snop  }
0x90: {  	(tm) =	ssettm $0x1  }
0x91: {  	s17 =	sld [smem:$0x3FFB];
	_ =	sdelay $0x3  }
0x92: {  	_ =	strace s17  }
0x93: {  	s2 =	sld [smem:$0x3FFC];
	_ =	sdelay $0x3  }
0x94: {  	_ =	strace s2  }
0x95: {  	s2 =	sld [smem:$0x3FFD];
	_ =	sdelay $0x3  }
0x96: {  	_ =	strace s2  }
0x97: {  	_ =	strace $0x8FFFFFFF  }
0x98: {  	s18 =	sld [smem:$0x3FDB];
	_ =	sdelay $0x1  }
0x99: {  	s19 =	simm.s32 $_scs_section_size  }
0x9a: {  	s4 =	simm.s32 $_size__tile_overlayer_lowered;
	s5 =	simm.s32 $_tile_overlayer_lowered  }
0x9b: {  	s22 =	simm.s32 $0x1BFF;
	s21 =	sshll.u32 s5, $0x1;
	s2 =	sadd.s32 s19, s18  }
0x9c: {  	s6 =	simm.s32 $0x0;
	s20 =	sshll.u32 s4, $0x1;
	s4 =	sadd.s32 s21, s2  }
0x9d: {  	[timem:s6], [sflag:s22] =	dma.local [hbm:s4], s20  }
0x9e: {  	_ =	swait.ge [sflag:s22], s20  }
0x9f: {  	s3 =	ssub.s32 $0x0, s20;
	[sflag:s22] =	ssyncset.done $0x0  }
0xa0: {  	[sflag:s22] =	ssyncadd.s32 s3;
	_ =	sdelay $0x1  }
0xa1: {  	s23 =	simm.s32 $0x1B8B  }
0xa2: {  	_ =	swait.ge [sflag:s23], $0x1  }
0xa3: {  	[sflag:s23] =	ssyncset.done $0x0  }
0xa4: {  	s25 =	simm.s32 $0x1B8E;
	s24 =	sld [smem:$0x3FFE];
	[sflag:s23] =	ssyncadd.s32 $0xFFFFFFFF  }
0xa5: {  	s26 =	simm.s32 $execute0_lowered;
	[smem:$0x3FD2] =	sst s25  }
0xa6: {  	s4 =	sshll.u32 s26, $0x1;
	_ =	strace $0x8000004C;
	[dreg:$0x1] =	wrdreg $0xFFFFFFFF  }
0xa7: {  	s28 =	simm.s32 $_size_execute0_lowered;
	s2 =	sadd.s32 s2, s4;
	[dreg:$0x0] =	wrdreg $0x0  }
0xa8: {  	s4 =	sshll.u32 s28, $0x1;
	[dreg:$0x2] =	wrdreg s2  }
0xa9: {  	[dreg:$0x3] =	wrdreg s4  }
0xaa: {  	[dreg:$0x4] =	wrdreg $0xC0  }
0xab: {  	_ =	task [dreg:s6], $0x5FFFF  }
0xac: {  	[dreg:$0x1] =	wrdreg $0xFFFFFFFF  }
0xad: {  	[dreg:$0x0] =	wrdreg $0x60  }
0xae: {  	[dreg:$0x2] =	wrdreg s24  }
0xaf: {  	[dreg:$0x3] =	wrdreg $0x0  }
0xb0: {  	[dreg:$0x4] =	wrdreg $0x9  }
0xb1: {  	_ =	task.clear_ibuf [dreg:s6], $0x5FFFF;
	_ =	strace $0x9000004C  }
0xb2: {  	s29 =	simm.s32 $0x9;
	_ =	strace $0x8000004E  }
0xb3: {  	_ =	swait.ge [sflag:s29], $0x1  }
0xb4: {  	[sflag:s29] =	ssyncadd.s32 $0xFFFFFFFF  }
0xb5: {  	_ =	strace $0x9000004E  }
0xb6: {  	_ =	sfence  }
0xb7: {  	s30 =	sld [smem:$0x0];
	_ =	sdelay $0x2  }
0xb8: {  	s31 =	sshll.u32 s1, $0xD;
	s1 =	sshrl.u32 s1, $0x2  }
0xb9: {  	s3 =	sand.u32 $0x4000, s31;
	s1 =	sadd.s32 s1, s30  }
0xba: {  	s0 =	sor.u32 s3, s0;
	s1 =	sshll.u32 s1, $0x11  }
0xbb: {  	s0 =	sor.u32 s1, s0  }
0xbc: {  	s0 =	sadd.s32 $0x8F2B, s0  }
0xbd: {  	[sflag:s0] =	ssyncadd.remote.s32 $0x1  }
0xbe: {  	_ =	sfence.sel $0xFFFF  }
0xbf: {  	[dreg:$0x0] =	wrdreg $0xFFFFFFFF;
	(pc) =	sbr.abs _section_cstart, $3  }
0xc0: {  	[dreg:$0x1] =	wrdreg $0xFFFFFFFF  }
0xc1: {  	_ =	task.clear_ibuf [dreg:s6], $0x2FFFF;
	_ =	strace $0x9FFFFFFF  }
0xc2: {  	(tm) =	ssettm $0x7FFFFFFF  }
0xc3: {  	_ =	shalt  }
tec
execute0_lowered:
.L_overlay_start_1:
0x0: {  	(tag) =	ssettag $0x1  }
0x1: {  	s6 =	rddreg [dreg:$0x0]  }
0x2: {  	s2 =	rddreg [dreg:$0x1]  }
0x3: {  	s0 =	srdreg.scid;
	s1 =	rddreg [dreg:$0x2];
	s3 =	simm.s32 $0x0  }
0x4: {  	s15 =	simm.s32 $0x13C00;
	s16 =	simm.s32 $0x13C80;
	s7 =	sand.u32 $0x1, s0  }
0x5: {  	s17 =	simm.s32 $0x80;
	s0 =	stileid.u32;
	s4 =	smul.u32 $0x27800, s7  }
0x6: {  	s18 =	simm.s32 $0x13D00;
	s19 =	simm.s32 $0x1;
	s5 =	smul.u32 $0x2780, s0  }
0x7: {  	s20 =	simm.s32 $0x0;
	[smem:$0x7FF] =	sst s3;
	s8 =	smul.u32 $0x278, s0  }
0x8: {  	s9 =	smul.u32 $0x2780, s7;
	_ =	strace $0x8000004D;
	s7 =	ssub.s32 $0x2, s7  }
0x9: {  	s10 =	smul.u32 $0x13C00, s0;
	s31 =	sshll.u32 s0, $0x6;
	s30 =	sshrl.u32 s7, $0x1  }
0xa: {  	s4 =	sadd.s32 s5, s4;
	s5 =	sadd.s32 $0x15A00, s6;
	s8 =	sadd.s32 s8, s9  }
0xb: {  	s29 =	sshrl.u32 s10, $0x3;
	s13 =	ssub.s32 s7, s30;
	s14 =	sadd.s32 s10, s2  }
0xc: {  	s7 =	sor.u32 $0x1C02, s31;
	s4 =	sshrl.u32 s4, $0x3;
	s8 =	sshll.u32 s8, $0x4  }
0xd: {  	s9 =	sadd.s32 s29, s6;
	s10 =	smax.u32 s13, $0x1;
	s13 =	sshrl.u32 s14, $0x3  }
0xe: {  	s14 =	simm.s32 $0x2;
	s12 =	sadd.s32 s4, s6;
	s11 =	sadd.s32 s8, s6  }
0xf: {  	s4 =	sadd.s32 $0x8B600, s6;
	s6 =	sadd.s32 $0x63E00, s9;
	s8 =	sadd.s32 $0x110800, s11  }
0x10: {  	s9 =	sadd.s32 $0x15F800, s11;
	s11 =	sadd.s32 $0xB8800, s12;
	s12 =	sadd.s32 $0xBC00, s12  }
.LBB2_1:
0x11: {  	[spmem:s13], [sflag:s7] =	dma.local [hbm:s6], $0x2780  }
0x12: {  	_ =	swait.ge [sflag:s14], $0x2780  }
0x13: {  	[sflag:s14] =	ssyncset.done $0x0  }
0x14: {  	[sflag:s14] =	ssyncadd.s32 $0xFFFFD880  }
0x15: {  	s21 =	sadd.s32 $0x0, s12;
	[bflag:$0x0] =	sbarrier.arrive $0xFFFF  }
0x16: {  	[tilespmem:s15], [sflag:$0x2] =	stream.linear.gather [hbm4b:s21+s3], $0x80, $0x38;
	[tilespmem:$0x17D00] =	vst v63  }
0x17: {  	_ =	swait.ge [sflag:s14], $0x80  }
0x18: {  	[sflag:s14] =	ssyncset.done $0x0  }
0x19: {  	s31 =	sadd.s32 $0x0, s11;
	[sflag:s14] =	ssyncadd.s32 $0xFFFFFF80  }
0x1a: {  	[tilespmem:s16], [sflag:$0x2] =	stream.linear.gather [hbm4b:s31+s3], $0x80, $0x38;
	[tilespmem:$0x17D00] =	vst v63  }
0x1b: {  	_ =	swait.ge [sflag:s14], $0x80  }
0x1c: {  	[sflag:s14] =	ssyncset.done $0x0  }
0x1d: {  	[sflag:s14] =	ssyncadd.s32 $0xFFFFFF80  }
0x1e: {  	[tilespmem:s18], [sflag:$0x1] =	stream.indirect.gather [hbm4b:s4+s17], $0x80, s15, s17, $0xb8;
	[tilespmem:$0x17D00] =	vst v63  }
0x1f: {  	_ =	swait.ge [sflag:s19], $0x4000  }
0x20: {  	[sflag:s19] =	ssyncset.done $0x0  }
0x21: {  	[sflag:s19] =	ssyncadd.s32 $0xFFFFC000  }
0x22: {  	[spmem:s2] =	stream.indirect.scatter.add.f32 [tilespmem:s18], [sflag:$0x2], $0x80, s16, s17, $0xb8;
	[tilespmem:$0x17D00] =	vst v63  }
0x23: {  	_ =	swait.ge [sflag:s14], $0x4000  }
0x24: {  	s22 =	simm.s32 $0x20;
	s21 =	simm.s32 $0x10;
	[sflag:s14] =	ssyncset.done $0x0  }
.LBB2_2:
0x25: {  	s23 =	sadd.s32 s21, s12  }
0x26: {  	[sflag:s14] =	ssyncadd.s32 $0xFFFFC000;
	s24 =	smov.u32 s22;
	s25 =	sadd.s32 $0x10, s22  }
0x27: {  	[tilespmem:s15], [sflag:$0x2] =	stream.linear.gather [hbm4b:s23+s3], $0x80, $0x38;
	[tilespmem:$0x17D00] =	vst v63  }
0x28: {  	p0 =	sne.s32 s22, $0x4E0;
	_ =	swait.ge [sflag:s14], $0x80  }
0x29: {  	[sflag:s14] =	ssyncset.done $0x0  }
0x2a: {  	s22 =	sadd.s32 s21, s11;
	s21 =	smov.u32 s24;
	[sflag:s14] =	ssyncadd.s32 $0xFFFFFF80  }
0x2b: {  	[tilespmem:s16], [sflag:$0x2] =	stream.linear.gather [hbm4b:s22+s3], $0x80, $0x38;
	[tilespmem:$0x17D00] =	vst v63  }
0x2c: {  	_ =	swait.ge [sflag:s14], $0x80  }
0x2d: {  	[sflag:s14] =	ssyncset.done $0x0  }
0x2e: {  	[sflag:s14] =	ssyncadd.s32 $0xFFFFFF80  }
0x2f: {  	[tilespmem:s18], [sflag:$0x1] =	stream.indirect.gather [hbm4b:s4+s17], $0x80, s15, s17, $0xb8;
	[tilespmem:$0x17D00] =	vst v63  }
0x30: {  	_ =	swait.ge [sflag:s19], $0x4000  }
.Ltmp0:
0x31: {  	[sflag:s19] =	ssyncset.done $0x0;
	(pc) =	sbr.rel @p0 .LBB2_2-.Ltmp0, $4  }
0x32: {  	[sflag:s19] =	ssyncadd.s32 $0xFFFFC000  }
0x33: {  	[spmem:s2] =	stream.indirect.scatter.add.f32 [tilespmem:s18], [sflag:$0x2], $0x80, s16, s17, $0xb8;
	[tilespmem:$0x17D00] =	vst v63  }
0x34: {  	_ =	swait.ge [sflag:s14], $0x4000  }
0x35: {  	s22 =	smov.u32 s25;
	[sflag:s14] =	ssyncset.done $0x0  }
0x36: {  	s22 =	sadd.s32 s21, s12;
	[sflag:s14] =	ssyncadd.s32 $0xFFFFC000  }
0x37: {  	[tilespmem:s15], [sflag:$0x2] =	stream.linear.gather [hbm4b:s22+s3], $0x80, $0x38;
	[tilespmem:$0x17D00] =	vst v63  }
0x38: {  	_ =	swait.ge [sflag:s14], $0x80  }
0x39: {  	[sflag:s14] =	ssyncset.done $0x0  }
0x3a: {  	s29 =	sadd.s32 s21, s11;
	[sflag:s14] =	ssyncadd.s32 $0xFFFFFF80  }
0x3b: {  	[tilespmem:s16], [sflag:$0x2] =	stream.linear.gather [hbm4b:s29+s3], $0x80, $0x38;
	[tilespmem:$0x17D00] =	vst v63  }
0x3c: {  	_ =	swait.ge [sflag:s14], $0x80  }
0x3d: {  	[sflag:s14] =	ssyncset.done $0x0  }
0x3e: {  	[sflag:s14] =	ssyncadd.s32 $0xFFFFFF80  }
0x3f: {  	[tilespmem:s18], [sflag:$0x1] =	stream.indirect.gather [hbm4b:s4+s17], $0x80, s15, s17, $0xb8;
	[tilespmem:$0x17D00] =	vst v63  }
0x40: {  	_ =	swait.ge [sflag:s19], $0x4000  }
0x41: {  	[sflag:s19] =	ssyncset.done $0x0  }
0x42: {  	[sflag:s19] =	ssyncadd.s32 $0xFFFFC000  }
0x43: {  	[spmem:s2] =	stream.indirect.scatter.add.f32 [tilespmem:s18], [sflag:$0x2], $0x80, s16, s17, $0xb8;
	[tilespmem:$0x17D00] =	vst v63  }
0x44: {  	_ =	swait.ge [sflag:s14], $0x4000  }
0x45: {  	[sflag:s14] =	ssyncset.done $0x0  }
0x46: {  	[sflag:s14] =	ssyncadd.s32 $0xFFFFC000  }
0x47: {  	[bflag:$0x0] =	sbarrier.arrive $0xFFFF  }
0x48: {  	[hbm:s8], [sflag:s7] =	dma.local [spmem:s13], $0x2780  }
0x49: {  	_ =	swait.ge [sflag:s14], $0x2780  }
0x4a: {  	[sflag:s14] =	ssyncset.done $0x0  }
0x4b: {  	[sflag:s14] =	ssyncadd.s32 $0xFFFFD880  }
0x4c: {  	[bflag:$0x0] =	sbarrier.arrive $0xFFFF  }
0x4d: {  	[spmem:s13], [sflag:s7] =	dma.local [hbm:s6], $0x2780  }
0x4e: {  	_ =	swait.ge [sflag:s14], $0x2780  }
0x4f: {  	[sflag:s14] =	ssyncset.done $0x0  }
0x50: {  	[sflag:s14] =	ssyncadd.s32 $0xFFFFD880  }
0x51: {  	s30 =	sadd.s32 $0x0, s12;
	[bflag:$0x0] =	sbarrier.arrive $0xFFFF  }
0x52: {  	[tilespmem:s15], [sflag:$0x2] =	stream.linear.gather [hbm4b:s30+s3], $0x80, $0x38;
	[tilespmem:$0x17D00] =	vst v63  }
0x53: {  	_ =	swait.ge [sflag:s14], $0x80  }
0x54: {  	[sflag:s14] =	ssyncset.done $0x0  }
0x55: {  	s31 =	sadd.s32 $0x0, s11;
	[sflag:s14] =	ssyncadd.s32 $0xFFFFFF80  }
0x56: {  	[tilespmem:s16], [sflag:$0x2] =	stream.linear.gather [hbm4b:s31+s3], $0x80, $0x38;
	[tilespmem:$0x17D00] =	vst v63  }
0x57: {  	_ =	swait.ge [sflag:s14], $0x80  }
0x58: {  	[sflag:s14] =	ssyncset.done $0x0  }
0x59: {  	[sflag:s14] =	ssyncadd.s32 $0xFFFFFF80  }
0x5a: {  	[tilespmem:s18], [sflag:$0x1] =	stream.indirect.gather [hbm4b:s5+s17], $0x80, s15, s17, $0xb8;
	[tilespmem:$0x17D00] =	vst v63  }
0x5b: {  	_ =	swait.ge [sflag:s19], $0x4000  }
0x5c: {  	[sflag:s19] =	ssyncset.done $0x0  }
0x5d: {  	[sflag:s19] =	ssyncadd.s32 $0xFFFFC000  }
0x5e: {  	[spmem:s2] =	stream.indirect.scatter.add.f32 [tilespmem:s18], [sflag:$0x2], $0x80, s16, s17, $0xb8;
	[tilespmem:$0x17D00] =	vst v63  }
0x5f: {  	_ =	swait.ge [sflag:s14], $0x4000  }
0x60: {  	s21 =	simm.s32 $0x10;
	s22 =	simm.s32 $0x20;
	[sflag:s14] =	ssyncset.done $0x0  }
.LBB2_4:
0x61: {  	s23 =	sadd.s32 s21, s12  }
0x62: {  	[sflag:s14] =	ssyncadd.s32 $0xFFFFC000;
	s24 =	smov.u32 s22;
	s25 =	sadd.s32 $0x10, s22  }
0x63: {  	[tilespmem:s15], [sflag:$0x2] =	stream.linear.gather [hbm4b:s23+s3], $0x80, $0x38;
	[tilespmem:$0x17D00] =	vst v63  }
0x64: {  	p0 =	sne.s32 s22, $0x4E0;
	_ =	swait.ge [sflag:s14], $0x80  }
0x65: {  	[sflag:s14] =	ssyncset.done $0x0  }
0x66: {  	s22 =	sadd.s32 s21, s11;
	s21 =	smov.u32 s24;
	[sflag:s14] =	ssyncadd.s32 $0xFFFFFF80  }
0x67: {  	[tilespmem:s16], [sflag:$0x2] =	stream.linear.gather [hbm4b:s22+s3], $0x80, $0x38;
	[tilespmem:$0x17D00] =	vst v63  }
0x68: {  	_ =	swait.ge [sflag:s14], $0x80  }
0x69: {  	[sflag:s14] =	ssyncset.done $0x0  }
0x6a: {  	[sflag:s14] =	ssyncadd.s32 $0xFFFFFF80  }
0x6b: {  	[tilespmem:s18], [sflag:$0x1] =	stream.indirect.gather [hbm4b:s5+s17], $0x80, s15, s17, $0xb8;
	[tilespmem:$0x17D00] =	vst v63  }
0x6c: {  	_ =	swait.ge [sflag:s19], $0x4000  }
.Ltmp1:
0x6d: {  	[sflag:s19] =	ssyncset.done $0x0;
	(pc) =	sbr.rel @p0 .LBB2_4-.Ltmp1, $4  }
0x6e: {  	[sflag:s19] =	ssyncadd.s32 $0xFFFFC000  }
0x6f: {  	[spmem:s2] =	stream.indirect.scatter.add.f32 [tilespmem:s18], [sflag:$0x2], $0x80, s16, s17, $0xb8;
	[tilespmem:$0x17D00] =	vst v63  }
0x70: {  	_ =	swait.ge [sflag:s14], $0x4000  }
0x71: {  	s22 =	smov.u32 s25;
	[sflag:s14] =	ssyncset.done $0x0  }
0x72: {  	s22 =	sadd.s32 s21, s12;
	[sflag:s14] =	ssyncadd.s32 $0xFFFFC000  }
0x73: {  	[tilespmem:s15], [sflag:$0x2] =	stream.linear.gather [hbm4b:s22+s3], $0x80, $0x38;
	[tilespmem:$0x17D00] =	vst v63  }
0x74: {  	_ =	swait.ge [sflag:s14], $0x80  }
0x75: {  	[sflag:s14] =	ssyncset.done $0x0  }
0x76: {  	s31 =	sadd.s32 s21, s11;
	[sflag:s14] =	ssyncadd.s32 $0xFFFFFF80  }
0x77: {  	[tilespmem:s16], [sflag:$0x2] =	stream.linear.gather [hbm4b:s31+s3], $0x80, $0x38;
	[tilespmem:$0x17D00] =	vst v63  }
0x78: {  	_ =	swait.ge [sflag:s14], $0x80  }
0x79: {  	[sflag:s14] =	ssyncset.done $0x0  }
0x7a: {  	[sflag:s14] =	ssyncadd.s32 $0xFFFFFF80  }
0x7b: {  	[tilespmem:s18], [sflag:$0x1] =	stream.indirect.gather [hbm4b:s5+s17], $0x80, s15, s17, $0xb8;
	[tilespmem:$0x17D00] =	vst v63  }
0x7c: {  	_ =	swait.ge [sflag:s19], $0x4000  }
0x7d: {  	[sflag:s19] =	ssyncset.done $0x0  }
0x7e: {  	[sflag:s19] =	ssyncadd.s32 $0xFFFFC000  }
0x7f: {  	[spmem:s2] =	stream.indirect.scatter.add.f32 [tilespmem:s18], [sflag:$0x2], $0x80, s16, s17, $0xb8;
	[tilespmem:$0x17D00] =	vst v63  }
0x80: {  	_ =	swait.ge [sflag:s14], $0x4000  }
0x81: {  	[sflag:s14] =	ssyncset.done $0x0  }
0x82: {  	s20 =	sadd.s32 $0x1, s20;
	[sflag:s14] =	ssyncadd.s32 $0xFFFFC000  }
0x83: {  	p0 =	sne.s32 s20, s10;
	[bflag:$0x0] =	sbarrier.arrive $0xFFFF  }
0x84: {  	[hbm:s9], [sflag:s7] =	dma.local [spmem:s13], $0x2780  }
.Ltmp2:
0x85: {  	_ =	swait.ge [sflag:s14], $0x2780;
	(pc) =	sbr.rel @p0 .LBB2_1-.Ltmp2, $3  }
0x86: {  	[sflag:s14] =	ssyncset.done $0x0  }
0x87: {  	[sflag:s14] =	ssyncadd.s32 $0xFFFFD880  }
0x88: {  	[bflag:$0x0] =	sbarrier.arrive $0xFFFF;
	_ =	sdelay $0x1  }
0x89: {  	_ =	sfence.sel $0x180000  }
0x8a: {  	[bflag:$0x0] =	sbarrier.arrive $0xFFFF  }
0x8b: {  	p0 =	sne.s32 s0, $0x0;
	_ =	strace $0x9000004D  }
0x8c: {  	s0 =	sadd.s32 @!p0 $0x100000, s1;
	[bflag:$0x2] =	sbarrier.arrive $0xFFFF  }
0x8d: {  	[sflag:s0] =	ssyncadd.tile.s32 @!p0 $0x1;
	_ =	shalt  }
.Lfunc_end2:
_tile_overlayer_lowered:
.L_overlay_start_2:
0x8e: {  	(tag) =	ssettag $0x2  }
0x8f: {  	s0 =	rddreg [dreg:$0x0];
	s2 =	stileid.u32  }
0x90: {  	s1 =	rddreg [dreg:$0x1];
	p0 =	sne.s32 s2, $0x0  }
0x91: {  	s3 =	rddreg [dreg:$0x2];
	[bflag:$0x3] =	sbarrier.arrive $0xFFFF;
	s2 =	simm.s32 @!p0 $0x1C02  }
0x92: {  	[timem:s3], [sflag:s2] =	dma.local @!p0 [hbm:s0], s1  }
0x93: {  	s0 =	simm.s32 @!p0 $0x2  }
0x94: {  	_ =	swait.ge @!p0 [sflag:s0], s1  }
0x95: {  	s1 =	ssub.s32 @!p0 $0x0, s1;
	[sflag:s0] =	ssyncset.done @!p0 $0x0  }
0x96: {  	[sflag:s0] =	ssyncadd.s32 @!p0 s1  }
0x97: {  	[bflag:$0x3] =	sbarrier.arrive $0xFFFF  }
0x98: {  	_ =	shalt  }

// kernel: kernel.20.cloned.1.call-start
scs
__scs_entry_jumppad:
0x0: {  	(pc) =	sbr.rel $0x88, $3  }
0x1: {  	(tag) =	ssettag $0x0;
	lr =	simm.s32 $0x1  }
0x2: {  	[smem:$0x3F87] =	sst lr;
	_ =	strace $0xD0000000  }
0x3: {  	_ = 	snop  }
0x4: {  	_ = 	snop  }
0x5: {  	_ = 	snop  }
0x6: {  	_ = 	snop  }
0x7: {  	_ = 	snop  }
__scs_overlays_trampoline_lowered:
0x8: {  	[smem:$0x3F96] =	sst s0  }
0x9: {  	[smem:$0x3F97] =	sst s1  }
0xa: {  	[smem:$0x3F98] =	sst s2  }
0xb: {  	[smem:$0x3F99] =	sst s3  }
0xc: {  	[smem:$0x3F9A] =	sst s4  }
0xd: {  	[smem:$0x3F9B] =	sst s5  }
0xe: {  	[smem:$0x3F9C] =	sst s6  }
0xf: {  	[smem:$0x3F9D] =	sst s7  }
0x10: {  	[smem:$0x3F9E] =	sst s8  }
0x11: {  	[smem:$0x3F9F] =	sst s9;
	s0 =	simm.s32 @!p0 $0x0  }
0x12: {  	s1 =	sld [smem:$0x3F85];
	s0 =	simm.s32 @p0 $0x1  }
0x13: {  	[smem:$0x3FA0] =	sst s0;
	s0 =	simm.s32 @!p1 $0x0  }
0x14: {  	s2 =	sld [smem:$0x3F84];
	s0 =	simm.s32 @p1 $0x1  }
0x15: {  	[smem:$0x3FA1] =	sst s0;
	s0 =	simm.s32 @!p2 $0x0  }
0x16: {  	s3 =	sld [smem:$0x3FDB];
	s0 =	simm.s32 @p2 $0x1  }
0x17: {  	s4 =	simm.s32 $0x1BF5;
	[smem:$0x3FA3] =	sst s0  }
0x18: {  	s0 =	sld [smem:$0x3F86];
	_ =	swait.ge [sflag:s4], $0x0  }
0x19: {  	s7 =	sld [smem:$0x3F87]  }
0x1a: {  	s8 =	sadd.s32 $0xFFFFE003, lr  }
0x1b: {  	s9 =	sadd.s32 $0xFFFFFEF7, lr;
	s5 =	simm.s32 $0xFFFFFFFF;
	p2 =	slt.u32 s8, $0xFFFFF086  }
0x1c: {  	p1 =	slt.u32 s9, $0xF7A;
	s5 =	simm.s32 @!p2 $0x0  }
0x1d: {  	s5 =	simm.s32 @p1 $0x1;
	p0 =	seq.s32 s7, s2  }
0x1e: {  	s7 =	smul.u32 @!p0 $0xF7A, s2;
	p2 =	seq.s32 @!p0 s5, $0x0  }
0x1f: {  	s9 =	smul.u32 $0xF7A, s1;
	s8 =	simm.s32 @!p0 $0x1BF5;
	p2 =	por !p2, p0  }
0x20: {  	[sflag:s8] =	ssyncset.s32 @!p0 $0xFFFFF086;
	s6 =	sadd.s32 @!p0 s3, s7;
	s7 =	simm.s32 @!p0 $0x108  }
0x21: {  	s3 =	sadd.s32 s3, s9;
	s6 =	sadd.s32 @!p0 $0x88, s6;
	s7 =	simm.s32 @p2 $0x1082  }
0x22: {  	[simem:s7], [sflag:s8] =	dma.local @!p0 [hbm:s6], $0xF7A  }
0x23: {  	s9 =	sor.u32 $0xD0000000, s2;
	s6 =	simm.s32 $0x108;
	_ =	swait.ge @!p0 [sflag:s8], $0x0  }
0x24: {  	s3 =	sadd.s32 $0x88, s3;
	s6 =	simm.s32 @!p1 $0x1082;
	[sflag:s4] =	ssyncset.s32 $0xFFFFF086  }
0x25: {  	[simem:s6], [sflag:s4] =	dma.local [hbm:s3], $0xF7A  }
0x26: {  	[smem:$0x3F87] =	sst s1;
	(tag) =	ssettag s2;
	_ =	strace s9  }
0x27: {  	s1 =	sld [smem:$0x3F97]  }
0x28: {  	s2 =	sld [smem:$0x3F98]  }
0x29: {  	s4 =	sld [smem:$0x3F9A]  }
0x2a: {  	p0 =	seq.s32 s5, $0x0;
	s5 =	sld [smem:$0x3F9B]  }
0x2b: {  	s6 =	sld [smem:$0x3F9C]  }
0x2c: {  	s7 =	sld [smem:$0x3F9D]  }
0x2d: {  	s3 =	simm.s32 $0x108;
	s8 =	sld [smem:$0x3F9E]  }
0x2e: {  	s3 =	simm.s32 @!p0 $0x1082;
	s9 =	sld [smem:$0x3F9F]  }
0x2f: {  	lr =	sadd.s32 s0, s3;
	s0 =	sld [smem:$0x3F96]  }
0x30: {  	s3 =	sld [smem:$0x3F99]  }
0x31: {  	[smem:$0x3FA2] =	sst s10  }
0x32: {  	s10 =	sld [smem:$0x3FA0];
	_ =	sdelay $0x3  }
0x33: {  	p0 =	seq.s32 s10, $0x1;
	s10 =	sld [smem:$0x3FA2];
	_ =	sdelay $0x3  }
0x34: {  	[smem:$0x3FA2] =	sst s10  }
0x35: {  	s10 =	sld [smem:$0x3FA1];
	_ =	sdelay $0x3  }
0x36: {  	p1 =	seq.s32 s10, $0x1;
	s10 =	sld [smem:$0x3FA2];
	_ =	sdelay $0x3  }
0x37: {  	[smem:$0x3FA2] =	sst s10  }
0x38: {  	s10 =	sld [smem:$0x3FA3]  }
0x39: {  	_ = 	snop;
	(pc) =	sbr.ind lr, $3  }
0x3a: {  	_ = 	snop  }
0x3b: {  	_ = 	snop  }
0x3c: {  	p2 =	seq.s32 s10, $0x1;
	s10 =	sld [smem:$0x3FA2]  }
0x3d: {  	_ =	shalt  }
0x3e: {  	_ =	shalt  }
0x3f: {  	_ =	shalt  }
0x40: {  	_ =	shalt  }
0x41: {  	_ =	shalt  }
0x42: {  	_ =	shalt  }
0x43: {  	_ =	shalt  }
0x44: {  	_ =	shalt  }
0x45: {  	_ =	shalt  }
0x46: {  	_ =	shalt  }
0x47: {  	_ =	shalt  }
0x48: {  	_ =	shalt  }
0x49: {  	_ =	shalt  }
0x4a: {  	_ =	shalt  }
0x4b: {  	_ =	shalt  }
0x4c: {  	_ =	shalt  }
0x4d: {  	_ =	shalt  }
0x4e: {  	_ =	shalt  }
0x4f: {  	_ =	shalt  }
0x50: {  	_ =	shalt  }
0x51: {  	_ =	shalt  }
0x52: {  	_ =	shalt  }
0x53: {  	_ =	shalt  }
0x54: {  	_ =	shalt  }
0x55: {  	_ =	shalt  }
0x56: {  	_ =	shalt  }
0x57: {  	_ =	shalt  }
0x58: {  	_ =	shalt  }
0x59: {  	_ =	shalt  }
0x5a: {  	_ =	shalt  }
0x5b: {  	_ =	shalt  }
0x5c: {  	_ =	shalt  }
0x5d: {  	_ =	shalt  }
0x5e: {  	_ =	shalt  }
0x5f: {  	_ =	shalt  }
0x60: {  	_ =	shalt  }
0x61: {  	_ =	shalt  }
0x62: {  	_ =	shalt  }
0x63: {  	_ =	shalt  }
0x64: {  	_ =	shalt  }
0x65: {  	_ =	shalt  }
0x66: {  	_ =	shalt  }
0x67: {  	_ =	shalt  }
0x68: {  	_ =	shalt  }
0x69: {  	_ =	shalt  }
0x6a: {  	_ =	shalt  }
0x6b: {  	_ =	shalt  }
0x6c: {  	_ =	shalt  }
0x6d: {  	_ =	shalt  }
0x6e: {  	_ =	shalt  }
0x6f: {  	_ =	shalt  }
0x70: {  	_ =	shalt  }
0x71: {  	_ =	shalt  }
0x72: {  	_ =	shalt  }
0x73: {  	_ =	shalt  }
0x74: {  	_ =	shalt  }
0x75: {  	_ =	shalt  }
0x76: {  	_ =	shalt  }
0x77: {  	_ =	shalt  }
0x78: {  	_ =	shalt  }
0x79: {  	_ =	shalt  }
0x7a: {  	_ =	shalt  }
0x7b: {  	_ =	shalt  }
0x7c: {  	_ =	shalt  }
0x7d: {  	_ =	shalt  }
0x7e: {  	_ =	shalt  }
0x7f: {  	_ =	shalt  }
0x80: {  	_ =	shalt  }
0x81: {  	_ =	shalt  }
0x82: {  	_ =	shalt  }
0x83: {  	_ =	shalt  }
0x84: {  	_ =	shalt  }
0x85: {  	_ =	shalt  }
0x86: {  	_ =	shalt  }
0x87: {  	_ =	shalt  }
.Lfunc_end0:
.L_simem_size_0:
called_computation.3_lowered:
.L_overlay_start_0:
0x88: {  	s2 =	sld [smem:$0x3FD9]  }
0x89: {  	s3 =	sld [smem:$0x3FFE];
	_ =	sdelay $0x1  }
0x8a: {  	s1 =	srdreg.scid  }
0x8b: {  	s0 =	sand.u32 $0x1, s1  }
0x8c: {  	s16 =	sshll.u32 s0, $0xA;
	s2 =	sadd.s32 s3, s2  }
0x8d: {  	s2 =	sadd.s32 s2, s16  }
0x8e: {  	[smem:$0x3FAE] =	sst s2  }
0x8f: {  	_ = 	snop  }
0x90: {  	(tm) =	ssettm $0x1  }
0x91: {  	s17 =	sld [smem:$0x3FFB];
	_ =	sdelay $0x3  }
0x92: {  	_ =	strace s17  }
0x93: {  	s2 =	sld [smem:$0x3FFC];
	_ =	sdelay $0x3  }
0x94: {  	_ =	strace s2  }
0x95: {  	s2 =	sld [smem:$0x3FFD];
	_ =	sdelay $0x3  }
0x96: {  	_ =	strace s2  }
0x97: {  	_ =	strace $0x8FFFFFFF  }
0x98: {  	s18 =	sld [smem:$0x3FDB];
	_ =	sdelay $0x1  }
0x99: {  	s19 =	simm.s32 $_scs_section_size  }
0x9a: {  	s4 =	simm.s32 $_size__tile_overlayer_lowered;
	s5 =	simm.s32 $_tile_overlayer_lowered  }
0x9b: {  	s22 =	simm.s32 $0x1BFF;
	s21 =	sshll.u32 s5, $0x1;
	s2 =	sadd.s32 s19, s18  }
0x9c: {  	s6 =	simm.s32 $0x0;
	s20 =	sshll.u32 s4, $0x1;
	s4 =	sadd.s32 s21, s2  }
0x9d: {  	[timem:s6], [sflag:s22] =	dma.local [hbm:s4], s20  }
0x9e: {  	_ =	swait.ge [sflag:s22], s20  }
0x9f: {  	s3 =	ssub.s32 $0x0, s20;
	[sflag:s22] =	ssyncset.done $0x0  }
0xa0: {  	[sflag:s22] =	ssyncadd.s32 s3;
	_ =	sdelay $0x1  }
0xa1: {  	s23 =	simm.s32 $0x1B8B  }
0xa2: {  	_ =	swait.ge [sflag:s23], $0x1  }
0xa3: {  	[sflag:s23] =	ssyncset.done $0x0  }
0xa4: {  	s25 =	simm.s32 $0x1B8E;
	s24 =	sld [smem:$0x3FFE];
	[sflag:s23] =	ssyncadd.s32 $0xFFFFFFFF  }
0xa5: {  	s26 =	simm.s32 $execute0_lowered;
	[smem:$0x3FD2] =	sst s25  }
0xa6: {  	s4 =	sshll.u32 s26, $0x1;
	_ =	strace $0x8000004F;
	[dreg:$0x1] =	wrdreg $0xFFFFFFFF  }
0xa7: {  	s28 =	simm.s32 $_size_execute0_lowered;
	s2 =	sadd.s32 s2, s4;
	[dreg:$0x0] =	wrdreg $0x0  }
0xa8: {  	s4 =	sshll.u32 s28, $0x1;
	[dreg:$0x2] =	wrdreg s2  }
0xa9: {  	[dreg:$0x3] =	wrdreg s4  }
0xaa: {  	[dreg:$0x4] =	wrdreg $0xC0  }
0xab: {  	_ =	task [dreg:s6], $0x5FFFF  }
0xac: {  	[dreg:$0x1] =	wrdreg $0xFFFFFFFF  }
0xad: {  	[dreg:$0x0] =	wrdreg $0x60  }
0xae: {  	[dreg:$0x2] =	wrdreg s24  }
0xaf: {  	[dreg:$0x3] =	wrdreg $0x0  }
0xb0: {  	[dreg:$0x4] =	wrdreg $0x9  }
0xb1: {  	_ =	task.clear_ibuf [dreg:s6], $0x5FFFF;
	_ =	strace $0x9000004F  }
0xb2: {  	s29 =	simm.s32 $0x9;
	_ =	strace $0x80000051  }
0xb3: {  	_ =	swait.ge [sflag:s29], $0x1  }
0xb4: {  	[sflag:s29] =	ssyncadd.s32 $0xFFFFFFFF  }
0xb5: {  	_ =	strace $0x90000051  }
0xb6: {  	_ =	sfence  }
0xb7: {  	s30 =	sld [smem:$0x0];
	_ =	sdelay $0x2  }
0xb8: {  	s31 =	sshll.u32 s1, $0xD;
	s1 =	sshrl.u32 s1, $0x2  }
0xb9: {  	s3 =	sand.u32 $0x4000, s31;
	s1 =	sadd.s32 s1, s30  }
0xba: {  	s0 =	sor.u32 s3, s0;
	s1 =	sshll.u32 s1, $0x11  }
0xbb: {  	s0 =	sor.u32 s1, s0  }
0xbc: {  	s0 =	sadd.s32 $0x8F2B, s0  }
0xbd: {  	[sflag:s0] =	ssyncadd.remote.s32 $0x1  }
0xbe: {  	_ =	sfence.sel $0xFFFF  }
0xbf: {  	[dreg:$0x0] =	wrdreg $0xFFFFFFFF;
	(pc) =	sbr.abs _section_cstart, $3  }
0xc0: {  	[dreg:$0x1] =	wrdreg $0xFFFFFFFF  }
0xc1: {  	_ =	task.clear_ibuf [dreg:s6], $0x2FFFF;
	_ =	strace $0x9FFFFFFF  }
0xc2: {  	(tm) =	ssettm $0x7FFFFFFF  }
0xc3: {  	_ =	shalt  }
tec
execute0_lowered:
.L_overlay_start_1:
0x0: {  	(tag) =	ssettag $0x1  }
0x1: {  	s6 =	rddreg [dreg:$0x0]  }
0x2: {  	s2 =	rddreg [dreg:$0x1]  }
0x3: {  	s0 =	srdreg.scid;
	s1 =	rddreg [dreg:$0x2];
	s3 =	simm.s32 $0x0  }
0x4: {  	s15 =	simm.s32 $0x13C00;
	s16 =	simm.s32 $0x13C80;
	s7 =	sand.u32 $0x1, s0  }
0x5: {  	s17 =	simm.s32 $0x80;
	s0 =	stileid.u32;
	s4 =	smul.u32 $0x27800, s7  }
0x6: {  	s18 =	simm.s32 $0x13D00;
	s19 =	simm.s32 $0x1;
	s5 =	smul.u32 $0x2780, s0  }
0x7: {  	s20 =	simm.s32 $0x0;
	[smem:$0x7FF] =	sst s3;
	s8 =	smul.u32 $0x278, s0  }
0x8: {  	s9 =	smul.u32 $0x2780, s7;
	_ =	strace $0x80000050;
	s7 =	ssub.s32 $0x2, s7  }
0x9: {  	s10 =	smul.u32 $0x13C00, s0;
	s31 =	sshll.u32 s0, $0x6;
	s30 =	sshrl.u32 s7, $0x1  }
0xa: {  	s4 =	sadd.s32 s5, s4;
	s5 =	sadd.s32 $0x15A00, s6;
	s8 =	sadd.s32 s8, s9  }
0xb: {  	s29 =	sshrl.u32 s10, $0x3;
	s13 =	ssub.s32 s7, s30;
	s14 =	sadd.s32 s10, s2  }
0xc: {  	s7 =	sor.u32 $0x1C02, s31;
	s4 =	sshrl.u32 s4, $0x3;
	s8 =	sshll.u32 s8, $0x4  }
0xd: {  	s9 =	sadd.s32 s29, s6;
	s10 =	smax.u32 s13, $0x1;
	s13 =	sshrl.u32 s14, $0x3  }
0xe: {  	s14 =	simm.s32 $0x2;
	s12 =	sadd.s32 s4, s6;
	s11 =	sadd.s32 s8, s6  }
0xf: {  	s4 =	sadd.s32 $0x8B600, s6;
	s6 =	sadd.s32 $0x63E00, s9;
	s8 =	sadd.s32 $0x110800, s11  }
0x10: {  	s9 =	sadd.s32 $0x15F800, s11;
	s11 =	sadd.s32 $0xB8800, s12;
	s12 =	sadd.s32 $0xBC00, s12  }
.LBB2_1:
0x11: {  	[spmem:s13], [sflag:s7] =	dma.local [hbm:s6], $0x2780  }
0x12: {  	_ =	swait.ge [sflag:s14], $0x2780  }
0x13: {  	[sflag:s14] =	ssyncset.done $0x0  }
0x14: {  	[sflag:s14] =	ssyncadd.s32 $0xFFFFD880  }
0x15: {  	s21 =	sadd.s32 $0x0, s12;
	[bflag:$0x0] =	sbarrier.arrive $0xFFFF  }
0x16: {  	[tilespmem:s15], [sflag:$0x2] =	stream.linear.gather [hbm4b:s21+s3], $0x80, $0x38;
	[tilespmem:$0x17D00] =	vst v63  }
0x17: {  	_ =	swait.ge [sflag:s14], $0x80  }
0x18: {  	[sflag:s14] =	ssyncset.done $0x0  }
0x19: {  	s31 =	sadd.s32 $0x0, s11;
	[sflag:s14] =	ssyncadd.s32 $0xFFFFFF80  }
0x1a: {  	[tilespmem:s16], [sflag:$0x2] =	stream.linear.gather [hbm4b:s31+s3], $0x80, $0x38;
	[tilespmem:$0x17D00] =	vst v63  }
0x1b: {  	_ =	swait.ge [sflag:s14], $0x80  }
0x1c: {  	[sflag:s14] =	ssyncset.done $0x0  }
0x1d: {  	[sflag:s14] =	ssyncadd.s32 $0xFFFFFF80  }
0x1e: {  	[tilespmem:s18], [sflag:$0x1] =	stream.indirect.gather [hbm4b:s4+s17], $0x80, s15, s17, $0xb8;
	[tilespmem:$0x17D00] =	vst v63  }
0x1f: {  	_ =	swait.ge [sflag:s19], $0x4000  }
0x20: {  	[sflag:s19] =	ssyncset.done $0x0  }
0x21: {  	[sflag:s19] =	ssyncadd.s32 $0xFFFFC000  }
0x22: {  	[spmem:s2] =	stream.indirect.scatter.add.f32 [tilespmem:s18], [sflag:$0x2], $0x80, s16, s17, $0xb8;
	[tilespmem:$0x17D00] =	vst v63  }
0x23: {  	_ =	swait.ge [sflag:s14], $0x4000  }
0x24: {  	s22 =	simm.s32 $0x20;
	s21 =	simm.s32 $0x10;
	[sflag:s14] =	ssyncset.done $0x0  }
.LBB2_2:
0x25: {  	s23 =	sadd.s32 s21, s12  }
0x26: {  	[sflag:s14] =	ssyncadd.s32 $0xFFFFC000;
	s24 =	smov.u32 s22;
	s25 =	sadd.s32 $0x10, s22  }
0x27: {  	[tilespmem:s15], [sflag:$0x2] =	stream.linear.gather [hbm4b:s23+s3], $0x80, $0x38;
	[tilespmem:$0x17D00] =	vst v63  }
0x28: {  	p0 =	sne.s32 s22, $0x4E0;
	_ =	swait.ge [sflag:s14], $0x80  }
0x29: {  	[sflag:s14] =	ssyncset.done $0x0  }
0x2a: {  	s22 =	sadd.s32 s21, s11;
	s21 =	smov.u32 s24;
	[sflag:s14] =	ssyncadd.s32 $0xFFFFFF80  }
0x2b: {  	[tilespmem:s16], [sflag:$0x2] =	stream.linear.gather [hbm4b:s22+s3], $0x80, $0x38;
	[tilespmem:$0x17D00] =	vst v63  }
0x2c: {  	_ =	swait.ge [sflag:s14], $0x80  }
0x2d: {  	[sflag:s14] =	ssyncset.done $0x0  }
0x2e: {  	[sflag:s14] =	ssyncadd.s32 $0xFFFFFF80  }
0x2f: {  	[tilespmem:s18], [sflag:$0x1] =	stream.indirect.gather [hbm4b:s4+s17], $0x80, s15, s17, $0xb8;
	[tilespmem:$0x17D00] =	vst v63  }
0x30: {  	_ =	swait.ge [sflag:s19], $0x4000  }
.Ltmp0:
0x31: {  	[sflag:s19] =	ssyncset.done $0x0;
	(pc) =	sbr.rel @p0 .LBB2_2-.Ltmp0, $4  }
0x32: {  	[sflag:s19] =	ssyncadd.s32 $0xFFFFC000  }
0x33: {  	[spmem:s2] =	stream.indirect.scatter.add.f32 [tilespmem:s18], [sflag:$0x2], $0x80, s16, s17, $0xb8;
	[tilespmem:$0x17D00] =	vst v63  }
0x34: {  	_ =	swait.ge [sflag:s14], $0x4000  }
0x35: {  	s22 =	smov.u32 s25;
	[sflag:s14] =	ssyncset.done $0x0  }
0x36: {  	s22 =	sadd.s32 s21, s12;
	[sflag:s14] =	ssyncadd.s32 $0xFFFFC000  }
0x37: {  	[tilespmem:s15], [sflag:$0x2] =	stream.linear.gather [hbm4b:s22+s3], $0x80, $0x38;
	[tilespmem:$0x17D00] =	vst v63  }
0x38: {  	_ =	swait.ge [sflag:s14], $0x80  }
0x39: {  	[sflag:s14] =	ssyncset.done $0x0  }
0x3a: {  	s29 =	sadd.s32 s21, s11;
	[sflag:s14] =	ssyncadd.s32 $0xFFFFFF80  }
0x3b: {  	[tilespmem:s16], [sflag:$0x2] =	stream.linear.gather [hbm4b:s29+s3], $0x80, $0x38;
	[tilespmem:$0x17D00] =	vst v63  }
0x3c: {  	_ =	swait.ge [sflag:s14], $0x80  }
0x3d: {  	[sflag:s14] =	ssyncset.done $0x0  }
0x3e: {  	[sflag:s14] =	ssyncadd.s32 $0xFFFFFF80  }
0x3f: {  	[tilespmem:s18], [sflag:$0x1] =	stream.indirect.gather [hbm4b:s4+s17], $0x80, s15, s17, $0xb8;
	[tilespmem:$0x17D00] =	vst v63  }
0x40: {  	_ =	swait.ge [sflag:s19], $0x4000  }
0x41: {  	[sflag:s19] =	ssyncset.done $0x0  }
0x42: {  	[sflag:s19] =	ssyncadd.s32 $0xFFFFC000  }
0x43: {  	[spmem:s2] =	stream.indirect.scatter.add.f32 [tilespmem:s18], [sflag:$0x2], $0x80, s16, s17, $0xb8;
	[tilespmem:$0x17D00] =	vst v63  }
0x44: {  	_ =	swait.ge [sflag:s14], $0x4000  }
0x45: {  	[sflag:s14] =	ssyncset.done $0x0  }
0x46: {  	[sflag:s14] =	ssyncadd.s32 $0xFFFFC000  }
0x47: {  	[bflag:$0x0] =	sbarrier.arrive $0xFFFF  }
0x48: {  	[hbm:s8], [sflag:s7] =	dma.local [spmem:s13], $0x2780  }
0x49: {  	_ =	swait.ge [sflag:s14], $0x2780  }
0x4a: {  	[sflag:s14] =	ssyncset.done $0x0  }
0x4b: {  	[sflag:s14] =	ssyncadd.s32 $0xFFFFD880  }
0x4c: {  	[bflag:$0x0] =	sbarrier.arrive $0xFFFF  }
0x4d: {  	[spmem:s13], [sflag:s7] =	dma.local [hbm:s6], $0x2780  }
0x4e: {  	_ =	swait.ge [sflag:s14], $0x2780  }
0x4f: {  	[sflag:s14] =	ssyncset.done $0x0  }
0x50: {  	[sflag:s14] =	ssyncadd.s32 $0xFFFFD880  }
0x51: {  	s30 =	sadd.s32 $0x0, s12;
	[bflag:$0x0] =	sbarrier.arrive $0xFFFF  }
0x52: {  	[tilespmem:s15], [sflag:$0x2] =	stream.linear.gather [hbm4b:s30+s3], $0x80, $0x38;
	[tilespmem:$0x17D00] =	vst v63  }
0x53: {  	_ =	swait.ge [sflag:s14], $0x80  }
0x54: {  	[sflag:s14] =	ssyncset.done $0x0  }
0x55: {  	s31 =	sadd.s32 $0x0, s11;
	[sflag:s14] =	ssyncadd.s32 $0xFFFFFF80  }
0x56: {  	[tilespmem:s16], [sflag:$0x2] =	stream.linear.gather [hbm4b:s31+s3], $0x80, $0x38;
	[tilespmem:$0x17D00] =	vst v63  }
0x57: {  	_ =	swait.ge [sflag:s14], $0x80  }
0x58: {  	[sflag:s14] =	ssyncset.done $0x0  }
0x59: {  	[sflag:s14] =	ssyncadd.s32 $0xFFFFFF80  }
0x5a: {  	[tilespmem:s18], [sflag:$0x1] =	stream.indirect.gather [hbm4b:s5+s17], $0x80, s15, s17, $0xb8;
	[tilespmem:$0x17D00] =	vst v63  }
0x5b: {  	_ =	swait.ge [sflag:s19], $0x4000  }
0x5c: {  	[sflag:s19] =	ssyncset.done $0x0  }
0x5d: {  	[sflag:s19] =	ssyncadd.s32 $0xFFFFC000  }
0x5e: {  	[spmem:s2] =	stream.indirect.scatter.add.f32 [tilespmem:s18], [sflag:$0x2], $0x80, s16, s17, $0xb8;
	[tilespmem:$0x17D00] =	vst v63  }
0x5f: {  	_ =	swait.ge [sflag:s14], $0x4000  }
0x60: {  	s21 =	simm.s32 $0x10;
	s22 =	simm.s32 $0x20;
	[sflag:s14] =	ssyncset.done $0x0  }
.LBB2_4:
0x61: {  	s23 =	sadd.s32 s21, s12  }
0x62: {  	[sflag:s14] =	ssyncadd.s32 $0xFFFFC000;
	s24 =	smov.u32 s22;
	s25 =	sadd.s32 $0x10, s22  }
0x63: {  	[tilespmem:s15], [sflag:$0x2] =	stream.linear.gather [hbm4b:s23+s3], $0x80, $0x38;
	[tilespmem:$0x17D00] =	vst v63  }
0x64: {  	p0 =	sne.s32 s22, $0x4E0;
	_ =	swait.ge [sflag:s14], $0x80  }
0x65: {  	[sflag:s14] =	ssyncset.done $0x0  }
0x66: {  	s22 =	sadd.s32 s21, s11;
	s21 =	smov.u32 s24;
	[sflag:s14] =	ssyncadd.s32 $0xFFFFFF80  }
0x67: {  	[tilespmem:s16], [sflag:$0x2] =	stream.linear.gather [hbm4b:s22+s3], $0x80, $0x38;
	[tilespmem:$0x17D00] =	vst v63  }
0x68: {  	_ =	swait.ge [sflag:s14], $0x80  }
0x69: {  	[sflag:s14] =	ssyncset.done $0x0  }
0x6a: {  	[sflag:s14] =	ssyncadd.s32 $0xFFFFFF80  }
0x6b: {  	[tilespmem:s18], [sflag:$0x1] =	stream.indirect.gather [hbm4b:s5+s17], $0x80, s15, s17, $0xb8;
	[tilespmem:$0x17D00] =	vst v63  }
0x6c: {  	_ =	swait.ge [sflag:s19], $0x4000  }
.Ltmp1:
0x6d: {  	[sflag:s19] =	ssyncset.done $0x0;
	(pc) =	sbr.rel @p0 .LBB2_4-.Ltmp1, $4  }
0x6e: {  	[sflag:s19] =	ssyncadd.s32 $0xFFFFC000  }
0x6f: {  	[spmem:s2] =	stream.indirect.scatter.add.f32 [tilespmem:s18], [sflag:$0x2], $0x80, s16, s17, $0xb8;
	[tilespmem:$0x17D00] =	vst v63  }
0x70: {  	_ =	swait.ge [sflag:s14], $0x4000  }
0x71: {  	s22 =	smov.u32 s25;
	[sflag:s14] =	ssyncset.done $0x0  }
0x72: {  	s22 =	sadd.s32 s21, s12;
	[sflag:s14] =	ssyncadd.s32 $0xFFFFC000  }
0x73: {  	[tilespmem:s15], [sflag:$0x2] =	stream.linear.gather [hbm4b:s22+s3], $0x80, $0x38;
	[tilespmem:$0x17D00] =	vst v63  }
0x74: {  	_ =	swait.ge [sflag:s14], $0x80  }
0x75: {  	[sflag:s14] =	ssyncset.done $0x0  }
0x76: {  	s31 =	sadd.s32 s21, s11;
	[sflag:s14] =	ssyncadd.s32 $0xFFFFFF80  }
0x77: {  	[tilespmem:s16], [sflag:$0x2] =	stream.linear.gather [hbm4b:s31+s3], $0x80, $0x38;
	[tilespmem:$0x17D00] =	vst v63  }
0x78: {  	_ =	swait.ge [sflag:s14], $0x80  }
0x79: {  	[sflag:s14] =	ssyncset.done $0x0  }
0x7a: {  	[sflag:s14] =	ssyncadd.s32 $0xFFFFFF80  }
0x7b: {  	[tilespmem:s18], [sflag:$0x1] =	stream.indirect.gather [hbm4b:s5+s17], $0x80, s15, s17, $0xb8;
	[tilespmem:$0x17D00] =	vst v63  }
0x7c: {  	_ =	swait.ge [sflag:s19], $0x4000  }
0x7d: {  	[sflag:s19] =	ssyncset.done $0x0  }
0x7e: {  	[sflag:s19] =	ssyncadd.s32 $0xFFFFC000  }
0x7f: {  	[spmem:s2] =	stream.indirect.scatter.add.f32 [tilespmem:s18], [sflag:$0x2], $0x80, s16, s17, $0xb8;
	[tilespmem:$0x17D00] =	vst v63  }
0x80: {  	_ =	swait.ge [sflag:s14], $0x4000  }
0x81: {  	[sflag:s14] =	ssyncset.done $0x0  }
0x82: {  	s20 =	sadd.s32 $0x1, s20;
	[sflag:s14] =	ssyncadd.s32 $0xFFFFC000  }
0x83: {  	p0 =	sne.s32 s20, s10;
	[bflag:$0x0] =	sbarrier.arrive $0xFFFF  }
0x84: {  	[hbm:s9], [sflag:s7] =	dma.local [spmem:s13], $0x2780  }
.Ltmp2:
0x85: {  	_ =	swait.ge [sflag:s14], $0x2780;
	(pc) =	sbr.rel @p0 .LBB2_1-.Ltmp2, $3  }
0x86: {  	[sflag:s14] =	ssyncset.done $0x0  }
0x87: {  	[sflag:s14] =	ssyncadd.s32 $0xFFFFD880  }
0x88: {  	[bflag:$0x0] =	sbarrier.arrive $0xFFFF;
	_ =	sdelay $0x1  }
0x89: {  	_ =	sfence.sel $0x180000  }
0x8a: {  	[bflag:$0x0] =	sbarrier.arrive $0xFFFF  }
0x8b: {  	p0 =	sne.s32 s0, $0x0;
	_ =	strace $0x90000050  }
0x8c: {  	s0 =	sadd.s32 @!p0 $0x100000, s1;
	[bflag:$0x2] =	sbarrier.arrive $0xFFFF  }
0x8d: {  	[sflag:s0] =	ssyncadd.tile.s32 @!p0 $0x1;
	_ =	shalt  }
.Lfunc_end2:
_tile_overlayer_lowered:
.L_overlay_start_2:
0x8e: {  	(tag) =	ssettag $0x2  }
0x8f: {  	s0 =	rddreg [dreg:$0x0];
	s2 =	stileid.u32  }
0x90: {  	s1 =	rddreg [dreg:$0x1];
	p0 =	sne.s32 s2, $0x0  }
0x91: {  	s3 =	rddreg [dreg:$0x2];
	[bflag:$0x3] =	sbarrier.arrive $0xFFFF;
	s2 =	simm.s32 @!p0 $0x1C02  }
0x92: {  	[timem:s3], [sflag:s2] =	dma.local @!p0 [hbm:s0], s1  }
0x93: {  	s0 =	simm.s32 @!p0 $0x2  }
0x94: {  	_ =	swait.ge @!p0 [sflag:s0], s1  }
0x95: {  	s1 =	ssub.s32 @!p0 $0x0, s1;
	[sflag:s0] =	ssyncset.done @!p0 $0x0  }
0x96: {  	[sflag:s0] =	ssyncadd.s32 @!p0 s1  }
0x97: {  	[bflag:$0x3] =	sbarrier.arrive $0xFFFF  }
0x98: {  	_ =	shalt  }

</sc_bundles>
